<compile_context>
chip_gen: v7x
topology: tpu7x:2x2x1
jax: 0.10.2.dev20260603
libtpu: 0.0.44.dev20260713+nightly
codegen_flags: <defaults>
</compile_context>

<pallas_src>
import functools

import jax
import jax.numpy as jnp
from jax import lax
from jax.experimental import pallas as pl
from jax.experimental.pallas import tpu as pltpu
from jax.experimental.pallas import tpu_sc as plsc

B = 16384
VOCAB = 100000
EMB = 64
HID = 64
NT = 5

NC = 2
NS = 16
NW = NC * NS
BPW = B // NW
CHUNK = 128
NCHUNK = BPW // CHUNK
IDX_ROWS = 8

VC = 8192
NVB = 7
SPLIT = NVB * VC
LASTB = (VOCAB - 1) // VC


def _tp_body(lo_ref, hi_ref, o_ref):
    o_ref[...] = jnp.concatenate([lo_ref[...].T, hi_ref[...].T], axis=-1)


def _transpose_pack(tab_t):
    return pl.pallas_call(
        _tp_body,
        grid=(NVB,),
        in_specs=[
            pl.BlockSpec((EMB, VC), lambda i: (0, i)),
            pl.BlockSpec((EMB, VC),
                         lambda i: (0, jnp.minimum(i + NVB, LASTB))),
        ],
        out_specs=pl.BlockSpec((VC, 2 * EMB), lambda i: (i, 0)),
        out_shape=jax.ShapeDtypeStruct((SPLIT, 2 * EMB), jnp.float32),
    )(tab_t, tab_t)


@functools.lru_cache(maxsize=None)
def _make_sc_gather():
    mesh = plsc.VectorSubcoreMesh(core_axis_name="c", subcore_axis_name="s")

    @functools.partial(
        pl.kernel,
        mesh=mesh,
        out_type=jax.ShapeDtypeStruct((B, 2 * EMB), jnp.float32),
        scratch_types=[
            pltpu.VMEM((IDX_ROWS, CHUNK), jnp.int32),
            pltpu.VMEM((NCHUNK, CHUNK, 2 * EMB), jnp.float32),
            pltpu.SemaphoreType.DMA((NCHUNK,)),
            pltpu.SemaphoreType.DMA((NCHUNK,)),
        ],
    )
    def sc_gather(idx_hbm, tab_hbm, out_hbm, idx_v, rows_v, gsem, wsem):
        wid = lax.axis_index("s") * NC + lax.axis_index("c")
        base = wid * BPW
        pltpu.sync_copy(idx_hbm.at[wid], idx_v)
        gh = [None] * NCHUNK
        wh = [None] * NCHUNK
        for c in range(NCHUNK):
            gh[c] = pltpu.async_copy(
                tab_hbm.at[idx_v.at[c]], rows_v.at[c], gsem.at[c])
        for c in range(NCHUNK):
            gh[c].wait()
            wh[c] = pltpu.async_copy(
                rows_v.at[c], out_hbm.at[pl.ds(base + c * CHUNK, CHUNK)],
                wsem.at[c])
        for c in range(NCHUNK):
            wh[c].wait()

    return sc_gather


def _mm_body(g0, g1, g2, g3, g4, bsc_ref, w_ref, b_ref, o_ref):
    bm = o_ref.shape[0]
    half = (lax.broadcasted_iota(jnp.int32, (bm, 2 * EMB), 1) >= EMB)
    half = half.astype(jnp.int32)
    acc = b_ref[...].astype(jnp.float32)
    for t, g_ref in enumerate((g0, g1, g2, g3, g4)):
        par = (bsc_ref[:, t:t + 1] >= SPLIT).astype(jnp.int32)
        mask = half == par
        gt = jnp.where(mask, g_ref[...], 0.0)
        acc = acc + jnp.dot(gt, w_ref[t], preferred_element_type=jnp.float32)
    o_ref[...] = acc


def _project(gs, bsc, w_p, b_r):
    BM = 2048
    return pl.pallas_call(
        _mm_body,
        grid=(B // BM,),
        in_specs=[pl.BlockSpec((BM, 2 * EMB), lambda i: (i, 0))] * NT + [
            pl.BlockSpec((BM, NT), lambda i: (i, 0)),
            pl.BlockSpec((NT, 2 * EMB, HID), lambda i: (0, 0, 0)),
            pl.BlockSpec((1, HID), lambda i: (0, 0)),
        ],
        out_specs=pl.BlockSpec((BM, HID), lambda i: (i, 0)),
        out_shape=jax.ShapeDtypeStruct((B, HID), jnp.float32),
    )(*gs, bsc, w_p, b_r)


def kernel(batch_seq_cat, pop_tab, leng_tab, area_tab, lon_tab, lat_tab, W, b):
    bsc = batch_seq_cat.astype(jnp.int32)
    ridx = jnp.where(bsc < SPLIT, bsc, bsc - SPLIT)
    pidx = ridx.T.reshape(NT, NW, NCHUNK, CHUNK)
    pidx = jnp.concatenate(
        [pidx, jnp.zeros((NT, NW, IDX_ROWS - NCHUNK, CHUNK), jnp.int32)],
        axis=2)
    gather = _make_sc_gather()
    gs = []
    for t, tab in enumerate((pop_tab, leng_tab, area_tab, lon_tab, lat_tab)):
        gs.append(gather(pidx[t], _transpose_pack(tab.T)))
    w_p = jnp.concatenate([W.reshape(NT, EMB, HID)] * 2, axis=1)
    return _project(gs, bsc, w_p, b.reshape(1, HID))

# --- scband reference (transcript-rebuilt; emitter-appended) ---
"""Pipeline reference for scband-region-embedding-5497558139472 (READ-ONLY COPY).

The authoritative reference and input builder live on the scoring server;
editing this copy changes nothing except your own understanding.
"""

import jax, jax.numpy as jnp
import numpy as np

B = 16384
VOCAB = 100000
EMB = 64
HID = 64

def setup_inputs(seed: int = 0) -> dict:
    key = jax.random.key(seed)
    ks = jax.random.split(key, 8)
    batch_seq_cat = jax.random.randint(ks[0], (B, 5), 0, VOCAB, dtype=jnp.int64 if jax.config.jax_enable_x64 else jnp.int32)
    pop_tab = jax.random.normal(ks[1], (VOCAB, EMB), dtype=jnp.float32) * 0.02
    leng_tab = jax.random.normal(ks[2], (VOCAB, EMB), dtype=jnp.float32) * 0.02
    area_tab = jax.random.normal(ks[3], (VOCAB, EMB), dtype=jnp.float32) * 0.02
    lon_tab = jax.random.normal(ks[4], (VOCAB, EMB), dtype=jnp.float32) * 0.02
    lat_tab = jax.random.normal(ks[5], (VOCAB, EMB), dtype=jnp.float32) * 0.02
    W = jax.random.normal(ks[6], (EMB * 5, HID), dtype=jnp.float32) * (1.0 / np.sqrt(EMB * 5))
    b = jnp.zeros((HID,), dtype=jnp.float32)
    return {"batch_seq_cat": batch_seq_cat, "pop_tab": pop_tab, "leng_tab": leng_tab, "area_tab": area_tab, "lon_tab": lon_tab, "lat_tab": lat_tab, "W": W, "b": b}

def reference(batch_seq_cat, pop_tab, leng_tab, area_tab, lon_tab, lat_tab, W, b):
    pop_emb = jnp.take(pop_tab, batch_seq_cat[:, 0], axis=0)
    leng_emb = jnp.take(leng_tab, batch_seq_cat[:, 1], axis=0)
    area_emb = jnp.take(area_tab, batch_seq_cat[:, 2], axis=0)
    lon_emb = jnp.take(lon_tab, batch_seq_cat[:, 3], axis=0)
    lat_emb = jnp.take(lat_tab, batch_seq_cat[:, 4], axis=0)
    sparse_vec = jnp.concatenate([pop_emb, leng_emb, area_emb, lon_emb, lat_emb], axis=1)
    out = sparse_vec @ W + b
    return out

if __name__ == "__main__":
    import jax
    _d = setup_inputs()
    print(jax.jit(kernel)(*tuple(_d.values())))

</pallas_src>

<mosaic_0001>
#map = affine_map<(d0, d1) -> (0, 0, 0)>
#map1 = affine_map<(d0, d1) -> (0, 0)>
module attributes {stable_mosaic.version = 14 : i64} {
  func.func @sc_gather(%arg0: i32, %arg1: i32, %arg2: memref<32x8x128xi32, #tpu.memory_space<hbm>>, %arg3: memref<57344x128xf32, #tpu.memory_space<hbm>>, %arg4: memref<16384x128xf32, #tpu.memory_space<hbm>>, %arg5: memref<8x128xi32, #tpu.memory_space<vmem>>, %arg6: memref<4x128x128xf32, #tpu.memory_space<vmem>>, %arg7: memref<4x!tpu.dma_semaphore, #tpu.memory_space<semaphore_mem>>, %arg8: memref<4x!tpu.dma_semaphore, #tpu.memory_space<semaphore_mem>>) attributes {dimension_semantics = [#tpu.dimension_semantics<core_parallel>, #tpu.dimension_semantics<subcore_parallel>], iteration_bounds = array<i64: 2, 16>, scalar_prefetch = 0 : i64, scratch_operands = 4 : i64, tpu.core_type = #tpu.core_type<sc_vector_subcore>, window_params = [{transform_indices = #map}, {transform_indices = #map1}, {transform_indices = #map1}]} {
    %mul3A = arith.constant 2 : i32
    %mul3A_0 = arith.muli %arg1, %mul3A : i32
    %add3A = arith.addi %mul3A_0, %arg0 : i32
    %mul3A_1 = arith.constant 512 : i32
    %mul3A_2 = arith.muli %add3A, %mul3A_1 : i32
    "tpu.region"() ({
      %run_scoped3A = tpu.sem_alloc : memref<!tpu.dma_semaphore, #tpu.memory_space<semaphore_mem>>
      %dma_start3A_257 = arith.constant 0 : i32
      %dma_start3A_258 = arith.constant 0 : i32
      %dma_start3A_259 = tpu.memref_slice %arg2[%add3A, %dma_start3A_257, %dma_start3A_258] : memref<32x8x128xi32, #tpu.memory_space<hbm>> -> memref<1x8x128xi32, #tpu.memory_space<hbm>>
      %dma_start3A_260 = tpu.memref_squeeze %dma_start3A_259 : memref<1x8x128xi32, #tpu.memory_space<hbm>> -> memref<8x128xi32, #tpu.memory_space<hbm>>
      %dma_start3A_261 = arith.constant 0 : i32
      %dma_start3A_262 = arith.constant 0 : i32
      %dma_start3A_263 = tpu.memref_slice %arg2[%add3A, %dma_start3A_261, %dma_start3A_262] : memref<32x8x128xi32, #tpu.memory_space<hbm>> -> memref<1x8x128xi32, #tpu.memory_space<hbm>>
      %dma_start3A_264 = tpu.memref_squeeze %dma_start3A_263 : memref<1x8x128xi32, #tpu.memory_space<hbm>> -> memref<8x128xi32, #tpu.memory_space<hbm>>
      tpu.enqueue_dma source(%dma_start3A_264 : memref<8x128xi32, #tpu.memory_space<hbm>>) target(%arg5 : memref<8x128xi32, #tpu.memory_space<vmem>>) target_semaphore(%run_scoped3A : memref<!tpu.dma_semaphore, #tpu.memory_space<semaphore_mem>>)
      %dma_wait3A_265 = arith.constant 0 : i32
      %dma_wait3A_266 = arith.constant 0 : i32
      %dma_wait3A_267 = tpu.memref_slice %arg2[%add3A, %dma_wait3A_265, %dma_wait3A_266] : memref<32x8x128xi32, #tpu.memory_space<hbm>> -> memref<1x8x128xi32, #tpu.memory_space<hbm>>
      %dma_wait3A_268 = tpu.memref_squeeze %dma_wait3A_267 : memref<1x8x128xi32, #tpu.memory_space<hbm>> -> memref<8x128xi32, #tpu.memory_space<hbm>>
      %dma_wait3A_269 = arith.constant 0 : i32
      %dma_wait3A_270 = arith.constant 0 : i32
      %dma_wait3A_271 = tpu.memref_slice %arg2[%add3A, %dma_wait3A_269, %dma_wait3A_270] : memref<32x8x128xi32, #tpu.memory_space<hbm>> -> memref<1x8x128xi32, #tpu.memory_space<hbm>>
      %dma_wait3A_272 = tpu.memref_squeeze %dma_wait3A_271 : memref<1x8x128xi32, #tpu.memory_space<hbm>> -> memref<8x128xi32, #tpu.memory_space<hbm>>
      tpu.wait_dma2 semaphore(%run_scoped3A : memref<!tpu.dma_semaphore, #tpu.memory_space<semaphore_mem>>) src(%dma_wait3A_272 : memref<8x128xi32, #tpu.memory_space<hbm>>) dst(%arg5 : memref<8x128xi32, #tpu.memory_space<vmem>>)
      tpu.yield
    }) : () -> ()
    %dma_start3A = arith.constant 0 : i32
    %dma_start3A_3 = arith.constant 0 : i32
    %dma_start3A_4 = arith.constant 0 : i32
    %dma_start3A_5 = arith.constant 0 : i32
    %dma_start3A_6 = arith.constant 0 : i32
    %dma_start3A_7 = tpu.memref_slice %arg6[%dma_start3A_3, %dma_start3A_5, %dma_start3A_6] : memref<4x128x128xf32, #tpu.memory_space<vmem>> -> memref<1x128x128xf32, #tpu.memory_space<vmem>>
    %dma_start3A_8 = tpu.memref_squeeze %dma_start3A_7 : memref<1x128x128xf32, #tpu.memory_space<vmem>> -> memref<128x128xf32, #tpu.memory_space<vmem>>
    %dma_start3A_9 = arith.constant 0 : i32
    %dma_start3A_10 = tpu.memref_slice %arg5[%dma_start3A, %dma_start3A_9] : memref<8x128xi32, #tpu.memory_space<vmem>> -> memref<1x128xi32, #tpu.memory_space<vmem>>
    %dma_start3A_11 = tpu.memref_squeeze %dma_start3A_10 : memref<1x128xi32, #tpu.memory_space<vmem>> -> memref<128xi32, #tpu.memory_space<vmem>>
    %dma_start3A_12 = arith.constant 0 : i32
    %dma_start3A_13 = arith.constant 0 : i32
    %dma_start3A_14 = tpu.memref_slice %arg3[%dma_start3A_12, %dma_start3A_13] : memref<57344x128xf32, #tpu.memory_space<hbm>> -> memref<57344x128xf32, #tpu.memory_space<hbm>>
    %dma_start3A_15 = tpu.memref_slice %arg7[%dma_start3A_4] : memref<4x!tpu.dma_semaphore, #tpu.memory_space<semaphore_mem>> -> memref<1x!tpu.dma_semaphore, #tpu.memory_space<semaphore_mem>>
    %dma_start3A_16 = tpu.memref_squeeze %dma_start3A_15 : memref<1x!tpu.dma_semaphore, #tpu.memory_space<semaphore_mem>> -> memref<!tpu.dma_semaphore, #tpu.memory_space<semaphore_mem>>
    tpu.enqueue_indirect_dma source(%dma_start3A_14 : memref<57344x128xf32, #tpu.memory_space<hbm>>) target(%dma_start3A_8 : memref<128x128xf32, #tpu.memory_space<vmem>>) offsets(%dma_start3A_11 : memref<128xi32, #tpu.memory_space<vmem>>) semaphore(%dma_start3A_16 : memref<!tpu.dma_semaphore, #tpu.memory_space<semaphore_mem>>)
    %dma_start3A_17 = arith.constant 1 : i32
    %dma_start3A_18 = arith.constant 1 : i32
    %dma_start3A_19 = arith.constant 1 : i32
    %dma_start3A_20 = arith.constant 0 : i32
    %dma_start3A_21 = arith.constant 0 : i32
    %dma_start3A_22 = tpu.memref_slice %arg6[%dma_start3A_18, %dma_start3A_20, %dma_start3A_21] : memref<4x128x128xf32, #tpu.memory_space<vmem>> -> memref<1x128x128xf32, #tpu.memory_space<vmem>>
    %dma_start3A_23 = tpu.memref_squeeze %dma_start3A_22 : memref<1x128x128xf32, #tpu.memory_space<vmem>> -> memref<128x128xf32, #tpu.memory_space<vmem>>
    %dma_start3A_24 = arith.constant 0 : i32
    %dma_start3A_25 = tpu.memref_slice %arg5[%dma_start3A_17, %dma_start3A_24] : memref<8x128xi32, #tpu.memory_space<vmem>> -> memref<1x128xi32, #tpu.memory_space<vmem>>
    %dma_start3A_26 = tpu.memref_squeeze %dma_start3A_25 : memref<1x128xi32, #tpu.memory_space<vmem>> -> memref<128xi32, #tpu.memory_space<vmem>>
    %dma_start3A_27 = arith.constant 0 : i32
    %dma_start3A_28 = arith.constant 0 : i32
    %dma_start3A_29 = tpu.memref_slice %arg3[%dma_start3A_27, %dma_start3A_28] : memref<57344x128xf32, #tpu.memory_space<hbm>> -> memref<57344x128xf32, #tpu.memory_space<hbm>>
    %dma_start3A_30 = tpu.memref_slice %arg7[%dma_start3A_19] : memref<4x!tpu.dma_semaphore, #tpu.memory_space<semaphore_mem>> -> memref<1x!tpu.dma_semaphore, #tpu.memory_space<semaphore_mem>>
    %dma_start3A_31 = tpu.memref_squeeze %dma_start3A_30 : memref<1x!tpu.dma_semaphore, #tpu.memory_space<semaphore_mem>> -> memref<!tpu.dma_semaphore, #tpu.memory_space<semaphore_mem>>
    tpu.enqueue_indirect_dma source(%dma_start3A_29 : memref<57344x128xf32, #tpu.memory_space<hbm>>) target(%dma_start3A_23 : memref<128x128xf32, #tpu.memory_space<vmem>>) offsets(%dma_start3A_26 : memref<128xi32, #tpu.memory_space<vmem>>) semaphore(%dma_start3A_31 : memref<!tpu.dma_semaphore, #tpu.memory_space<semaphore_mem>>)
    %dma_start3A_32 = arith.constant 2 : i32
    %dma_start3A_33 = arith.constant 2 : i32
    %dma_start3A_34 = arith.constant 2 : i32
    %dma_start3A_35 = arith.constant 0 : i32
    %dma_start3A_36 = arith.constant 0 : i32
    %dma_start3A_37 = tpu.memref_slice %arg6[%dma_start3A_33, %dma_start3A_35, %dma_start3A_36] : memref<4x128x128xf32, #tpu.memory_space<vmem>> -> memref<1x128x128xf32, #tpu.memory_space<vmem>>
    %dma_start3A_38 = tpu.memref_squeeze %dma_start3A_37 : memref<1x128x128xf32, #tpu.memory_space<vmem>> -> memref<128x128xf32, #tpu.memory_space<vmem>>
    %dma_start3A_39 = arith.constant 0 : i32
    %dma_start3A_40 = tpu.memref_slice %arg5[%dma_start3A_32, %dma_start3A_39] : memref<8x128xi32, #tpu.memory_space<vmem>> -> memref<1x128xi32, #tpu.memory_space<vmem>>
    %dma_start3A_41 = tpu.memref_squeeze %dma_start3A_40 : memref<1x128xi32, #tpu.memory_space<vmem>> -> memref<128xi32, #tpu.memory_space<vmem>>
    %dma_start3A_42 = arith.constant 0 : i32
    %dma_start3A_43 = arith.constant 0 : i32
    %dma_start3A_44 = tpu.memref_slice %arg3[%dma_start3A_42, %dma_start3A_43] : memref<57344x128xf32, #tpu.memory_space<hbm>> -> memref<57344x128xf32, #tpu.memory_space<hbm>>
    %dma_start3A_45 = tpu.memref_slice %arg7[%dma_start3A_34] : memref<4x!tpu.dma_semaphore, #tpu.memory_space<semaphore_mem>> -> memref<1x!tpu.dma_semaphore, #tpu.memory_space<semaphore_mem>>
    %dma_start3A_46 = tpu.memref_squeeze %dma_start3A_45 : memref<1x!tpu.dma_semaphore, #tpu.memory_space<semaphore_mem>> -> memref<!tpu.dma_semaphore, #tpu.memory_space<semaphore_mem>>
    tpu.enqueue_indirect_dma source(%dma_start3A_44 : memref<57344x128xf32, #tpu.memory_space<hbm>>) target(%dma_start3A_38 : memref<128x128xf32, #tpu.memory_space<vmem>>) offsets(%dma_start3A_41 : memref<128xi32, #tpu.memory_space<vmem>>) semaphore(%dma_start3A_46 : memref<!tpu.dma_semaphore, #tpu.memory_space<semaphore_mem>>)
    %dma_start3A_47 = arith.constant 3 : i32
    %dma_start3A_48 = arith.constant 3 : i32
    %dma_start3A_49 = arith.constant 3 : i32
    %dma_start3A_50 = arith.constant 0 : i32
    %dma_start3A_51 = arith.constant 0 : i32
    %dma_start3A_52 = tpu.memref_slice %arg6[%dma_start3A_48, %dma_start3A_50, %dma_start3A_51] : memref<4x128x128xf32, #tpu.memory_space<vmem>> -> memref<1x128x128xf32, #tpu.memory_space<vmem>>
    %dma_start3A_53 = tpu.memref_squeeze %dma_start3A_52 : memref<1x128x128xf32, #tpu.memory_space<vmem>> -> memref<128x128xf32, #tpu.memory_space<vmem>>
    %dma_start3A_54 = arith.constant 0 : i32
    %dma_start3A_55 = tpu.memref_slice %arg5[%dma_start3A_47, %dma_start3A_54] : memref<8x128xi32, #tpu.memory_space<vmem>> -> memref<1x128xi32, #tpu.memory_space<vmem>>
    %dma_start3A_56 = tpu.memref_squeeze %dma_start3A_55 : memref<1x128xi32, #tpu.memory_space<vmem>> -> memref<128xi32, #tpu.memory_space<vmem>>
    %dma_start3A_57 = arith.constant 0 : i32
    %dma_start3A_58 = arith.constant 0 : i32
    %dma_start3A_59 = tpu.memref_slice %arg3[%dma_start3A_57, %dma_start3A_58] : memref<57344x128xf32, #tpu.memory_space<hbm>> -> memref<57344x128xf32, #tpu.memory_space<hbm>>
    %dma_start3A_60 = tpu.memref_slice %arg7[%dma_start3A_49] : memref<4x!tpu.dma_semaphore, #tpu.memory_space<semaphore_mem>> -> memref<1x!tpu.dma_semaphore, #tpu.memory_space<semaphore_mem>>
    %dma_start3A_61 = tpu.memref_squeeze %dma_start3A_60 : memref<1x!tpu.dma_semaphore, #tpu.memory_space<semaphore_mem>> -> memref<!tpu.dma_semaphore, #tpu.memory_space<semaphore_mem>>
    tpu.enqueue_indirect_dma source(%dma_start3A_59 : memref<57344x128xf32, #tpu.memory_space<hbm>>) target(%dma_start3A_53 : memref<128x128xf32, #tpu.memory_space<vmem>>) offsets(%dma_start3A_56 : memref<128xi32, #tpu.memory_space<vmem>>) semaphore(%dma_start3A_61 : memref<!tpu.dma_semaphore, #tpu.memory_space<semaphore_mem>>)
    %dma_wait3A = arith.constant 0 : i32
    %dma_wait3A_62 = arith.constant 0 : i32
    %dma_wait3A_63 = arith.constant 0 : i32
    %dma_wait3A_64 = arith.constant 0 : i32
    %dma_wait3A_65 = arith.constant 0 : i32
    %dma_wait3A_66 = tpu.memref_slice %arg6[%dma_wait3A_62, %dma_wait3A_64, %dma_wait3A_65] : memref<4x128x128xf32, #tpu.memory_space<vmem>> -> memref<1x128x128xf32, #tpu.memory_space<vmem>>
    %dma_wait3A_67 = tpu.memref_squeeze %dma_wait3A_66 : memref<1x128x128xf32, #tpu.memory_space<vmem>> -> memref<128x128xf32, #tpu.memory_space<vmem>>
    %dma_wait3A_68 = arith.constant 0 : i32
    %dma_wait3A_69 = tpu.memref_slice %arg5[%dma_wait3A, %dma_wait3A_68] : memref<8x128xi32, #tpu.memory_space<vmem>> -> memref<1x128xi32, #tpu.memory_space<vmem>>
    %dma_wait3A_70 = tpu.memref_squeeze %dma_wait3A_69 : memref<1x128xi32, #tpu.memory_space<vmem>> -> memref<128xi32, #tpu.memory_space<vmem>>
    %dma_wait3A_71 = arith.constant 0 : i32
    %dma_wait3A_72 = arith.constant 0 : i32
    %dma_wait3A_73 = tpu.memref_slice %arg3[%dma_wait3A_71, %dma_wait3A_72] : memref<57344x128xf32, #tpu.memory_space<hbm>> -> memref<57344x128xf32, #tpu.memory_space<hbm>>
    %dma_wait3A_74 = tpu.memref_slice %arg7[%dma_wait3A_63] : memref<4x!tpu.dma_semaphore, #tpu.memory_space<semaphore_mem>> -> memref<1x!tpu.dma_semaphore, #tpu.memory_space<semaphore_mem>>
    %dma_wait3A_75 = tpu.memref_squeeze %dma_wait3A_74 : memref<1x!tpu.dma_semaphore, #tpu.memory_space<semaphore_mem>> -> memref<!tpu.dma_semaphore, #tpu.memory_space<semaphore_mem>>
    tpu.wait_indirect_dma semaphore(%dma_wait3A_75 : memref<!tpu.dma_semaphore, #tpu.memory_space<semaphore_mem>>) src(%dma_wait3A_73 : memref<57344x128xf32, #tpu.memory_space<hbm>>) dst(%dma_wait3A_67 : memref<128x128xf32, #tpu.memory_space<vmem>>)
    %add3A_76 = arith.constant 0 : i32
    %add3A_77 = arith.addi %mul3A_2, %add3A_76 : i32
    %dma_start3A_78 = arith.constant 0 : i32
    %dma_start3A_79 = arith.constant 0 : i32
    %dma_start3A_80 = arith.constant 0 : i32
    %dma_start3A_81 = arith.constant 0 : i32
    %dma_start3A_82 = tpu.memref_slice %arg6[%dma_start3A_78, %dma_start3A_80, %dma_start3A_81] : memref<4x128x128xf32, #tpu.memory_space<vmem>> -> memref<1x128x128xf32, #tpu.memory_space<vmem>>
    %dma_start3A_83 = tpu.memref_squeeze %dma_start3A_82 : memref<1x128x128xf32, #tpu.memory_space<vmem>> -> memref<128x128xf32, #tpu.memory_space<vmem>>
    %dma_start3A_84 = arith.constant 0 : i32
    %dma_start3A_85 = tpu.memref_slice %arg4[%add3A_77, %dma_start3A_84] : memref<16384x128xf32, #tpu.memory_space<hbm>> -> memref<128x128xf32, #tpu.memory_space<hbm>>
    %dma_start3A_86 = tpu.memref_slice %arg8[%dma_start3A_79] : memref<4x!tpu.dma_semaphore, #tpu.memory_space<semaphore_mem>> -> memref<1x!tpu.dma_semaphore, #tpu.memory_space<semaphore_mem>>
    %dma_start3A_87 = tpu.memref_squeeze %dma_start3A_86 : memref<1x!tpu.dma_semaphore, #tpu.memory_space<semaphore_mem>> -> memref<!tpu.dma_semaphore, #tpu.memory_space<semaphore_mem>>
    %dma_start3A_88 = arith.constant 0 : i32
    %dma_start3A_89 = tpu.memref_slice %arg4[%add3A_77, %dma_start3A_88] : memref<16384x128xf32, #tpu.memory_space<hbm>> -> memref<128x128xf32, #tpu.memory_space<hbm>>
    %dma_start3A_90 = arith.constant 0 : i32
    %dma_start3A_91 = arith.constant 0 : i32
    %dma_start3A_92 = tpu.memref_slice %arg6[%dma_start3A_78, %dma_start3A_90, %dma_start3A_91] : memref<4x128x128xf32, #tpu.memory_space<vmem>> -> memref<1x128x128xf32, #tpu.memory_space<vmem>>
    %dma_start3A_93 = tpu.memref_squeeze %dma_start3A_92 : memref<1x128x128xf32, #tpu.memory_space<vmem>> -> memref<128x128xf32, #tpu.memory_space<vmem>>
    tpu.enqueue_dma source(%dma_start3A_93 : memref<128x128xf32, #tpu.memory_space<vmem>>) target(%dma_start3A_89 : memref<128x128xf32, #tpu.memory_space<hbm>>) target_semaphore(%dma_start3A_87 : memref<!tpu.dma_semaphore, #tpu.memory_space<semaphore_mem>>)
    %dma_wait3A_94 = arith.constant 1 : i32
    %dma_wait3A_95 = arith.constant 1 : i32
    %dma_wait3A_96 = arith.constant 1 : i32
    %dma_wait3A_97 = arith.constant 0 : i32
    %dma_wait3A_98 = arith.constant 0 : i32
    %dma_wait3A_99 = tpu.memref_slice %arg6[%dma_wait3A_95, %dma_wait3A_97, %dma_wait3A_98] : memref<4x128x128xf32, #tpu.memory_space<vmem>> -> memref<1x128x128xf32, #tpu.memory_space<vmem>>
    %dma_wait3A_100 = tpu.memref_squeeze %dma_wait3A_99 : memref<1x128x128xf32, #tpu.memory_space<vmem>> -> memref<128x128xf32, #tpu.memory_space<vmem>>
    %dma_wait3A_101 = arith.constant 0 : i32
    %dma_wait3A_102 = tpu.memref_slice %arg5[%dma_wait3A_94, %dma_wait3A_101] : memref<8x128xi32, #tpu.memory_space<vmem>> -> memref<1x128xi32, #tpu.memory_space<vmem>>
    %dma_wait3A_103 = tpu.memref_squeeze %dma_wait3A_102 : memref<1x128xi32, #tpu.memory_space<vmem>> -> memref<128xi32, #tpu.memory_space<vmem>>
    %dma_wait3A_104 = arith.constant 0 : i32
    %dma_wait3A_105 = arith.constant 0 : i32
    %dma_wait3A_106 = tpu.memref_slice %arg3[%dma_wait3A_104, %dma_wait3A_105] : memref<57344x128xf32, #tpu.memory_space<hbm>> -> memref<57344x128xf32, #tpu.memory_space<hbm>>
    %dma_wait3A_107 = tpu.memref_slice %arg7[%dma_wait3A_96] : memref<4x!tpu.dma_semaphore, #tpu.memory_space<semaphore_mem>> -> memref<1x!tpu.dma_semaphore, #tpu.memory_space<semaphore_mem>>
    %dma_wait3A_108 = tpu.memref_squeeze %dma_wait3A_107 : memref<1x!tpu.dma_semaphore, #tpu.memory_space<semaphore_mem>> -> memref<!tpu.dma_semaphore, #tpu.memory_space<semaphore_mem>>
    tpu.wait_indirect_dma semaphore(%dma_wait3A_108 : memref<!tpu.dma_semaphore, #tpu.memory_space<semaphore_mem>>) src(%dma_wait3A_106 : memref<57344x128xf32, #tpu.memory_space<hbm>>) dst(%dma_wait3A_100 : memref<128x128xf32, #tpu.memory_space<vmem>>)
    %add3A_109 = arith.constant 128 : i32
    %add3A_110 = arith.addi %mul3A_2, %add3A_109 : i32
    %dma_start3A_111 = arith.constant 1 : i32
    %dma_start3A_112 = arith.constant 1 : i32
    %dma_start3A_113 = arith.constant 0 : i32
    %dma_start3A_114 = arith.constant 0 : i32
    %dma_start3A_115 = tpu.memref_slice %arg6[%dma_start3A_111, %dma_start3A_113, %dma_start3A_114] : memref<4x128x128xf32, #tpu.memory_space<vmem>> -> memref<1x128x128xf32, #tpu.memory_space<vmem>>
    %dma_start3A_116 = tpu.memref_squeeze %dma_start3A_115 : memref<1x128x128xf32, #tpu.memory_space<vmem>> -> memref<128x128xf32, #tpu.memory_space<vmem>>
    %dma_start3A_117 = arith.constant 0 : i32
    %dma_start3A_118 = tpu.memref_slice %arg4[%add3A_110, %dma_start3A_117] : memref<16384x128xf32, #tpu.memory_space<hbm>> -> memref<128x128xf32, #tpu.memory_space<hbm>>
    %dma_start3A_119 = tpu.memref_slice %arg8[%dma_start3A_112] : memref<4x!tpu.dma_semaphore, #tpu.memory_space<semaphore_mem>> -> memref<1x!tpu.dma_semaphore, #tpu.memory_space<semaphore_mem>>
    %dma_start3A_120 = tpu.memref_squeeze %dma_start3A_119 : memref<1x!tpu.dma_semaphore, #tpu.memory_space<semaphore_mem>> -> memref<!tpu.dma_semaphore, #tpu.memory_space<semaphore_mem>>
    %dma_start3A_121 = arith.constant 0 : i32
    %dma_start3A_122 = tpu.memref_slice %arg4[%add3A_110, %dma_start3A_121] : memref<16384x128xf32, #tpu.memory_space<hbm>> -> memref<128x128xf32, #tpu.memory_space<hbm>>
    %dma_start3A_123 = arith.constant 0 : i32
    %dma_start3A_124 = arith.constant 0 : i32
    %dma_start3A_125 = tpu.memref_slice %arg6[%dma_start3A_111, %dma_start3A_123, %dma_start3A_124] : memref<4x128x128xf32, #tpu.memory_space<vmem>> -> memref<1x128x128xf32, #tpu.memory_space<vmem>>
    %dma_start3A_126 = tpu.memref_squeeze %dma_start3A_125 : memref<1x128x128xf32, #tpu.memory_space<vmem>> -> memref<128x128xf32, #tpu.memory_space<vmem>>
    tpu.enqueue_dma source(%dma_start3A_126 : memref<128x128xf32, #tpu.memory_space<vmem>>) target(%dma_start3A_122 : memref<128x128xf32, #tpu.memory_space<hbm>>) target_semaphore(%dma_start3A_120 : memref<!tpu.dma_semaphore, #tpu.memory_space<semaphore_mem>>)
    %dma_wait3A_127 = arith.constant 2 : i32
    %dma_wait3A_128 = arith.constant 2 : i32
    %dma_wait3A_129 = arith.constant 2 : i32
    %dma_wait3A_130 = arith.constant 0 : i32
    %dma_wait3A_131 = arith.constant 0 : i32
    %dma_wait3A_132 = tpu.memref_slice %arg6[%dma_wait3A_128, %dma_wait3A_130, %dma_wait3A_131] : memref<4x128x128xf32, #tpu.memory_space<vmem>> -> memref<1x128x128xf32, #tpu.memory_space<vmem>>
    %dma_wait3A_133 = tpu.memref_squeeze %dma_wait3A_132 : memref<1x128x128xf32, #tpu.memory_space<vmem>> -> memref<128x128xf32, #tpu.memory_space<vmem>>
    %dma_wait3A_134 = arith.constant 0 : i32
    %dma_wait3A_135 = tpu.memref_slice %arg5[%dma_wait3A_127, %dma_wait3A_134] : memref<8x128xi32, #tpu.memory_space<vmem>> -> memref<1x128xi32, #tpu.memory_space<vmem>>
    %dma_wait3A_136 = tpu.memref_squeeze %dma_wait3A_135 : memref<1x128xi32, #tpu.memory_space<vmem>> -> memref<128xi32, #tpu.memory_space<vmem>>
    %dma_wait3A_137 = arith.constant 0 : i32
    %dma_wait3A_138 = arith.constant 0 : i32
    %dma_wait3A_139 = tpu.memref_slice %arg3[%dma_wait3A_137, %dma_wait3A_138] : memref<57344x128xf32, #tpu.memory_space<hbm>> -> memref<57344x128xf32, #tpu.memory_space<hbm>>
    %dma_wait3A_140 = tpu.memref_slice %arg7[%dma_wait3A_129] : memref<4x!tpu.dma_semaphore, #tpu.memory_space<semaphore_mem>> -> memref<1x!tpu.dma_semaphore, #tpu.memory_space<semaphore_mem>>
    %dma_wait3A_141 = tpu.memref_squeeze %dma_wait3A_140 : memref<1x!tpu.dma_semaphore, #tpu.memory_space<semaphore_mem>> -> memref<!tpu.dma_semaphore, #tpu.memory_space<semaphore_mem>>
    tpu.wait_indirect_dma semaphore(%dma_wait3A_141 : memref<!tpu.dma_semaphore, #tpu.memory_space<semaphore_mem>>) src(%dma_wait3A_139 : memref<57344x128xf32, #tpu.memory_space<hbm>>) dst(%dma_wait3A_133 : memref<128x128xf32, #tpu.memory_space<vmem>>)
    %add3A_142 = arith.constant 256 : i32
    %add3A_143 = arith.addi %mul3A_2, %add3A_142 : i32
    %dma_start3A_144 = arith.constant 2 : i32
    %dma_start3A_145 = arith.constant 2 : i32
    %dma_start3A_146 = arith.constant 0 : i32
    %dma_start3A_147 = arith.constant 0 : i32
    %dma_start3A_148 = tpu.memref_slice %arg6[%dma_start3A_144, %dma_start3A_146, %dma_start3A_147] : memref<4x128x128xf32, #tpu.memory_space<vmem>> -> memref<1x128x128xf32, #tpu.memory_space<vmem>>
    %dma_start3A_149 = tpu.memref_squeeze %dma_start3A_148 : memref<1x128x128xf32, #tpu.memory_space<vmem>> -> memref<128x128xf32, #tpu.memory_space<vmem>>
    %dma_start3A_150 = arith.constant 0 : i32
    %dma_start3A_151 = tpu.memref_slice %arg4[%add3A_143, %dma_start3A_150] : memref<16384x128xf32, #tpu.memory_space<hbm>> -> memref<128x128xf32, #tpu.memory_space<hbm>>
    %dma_start3A_152 = tpu.memref_slice %arg8[%dma_start3A_145] : memref<4x!tpu.dma_semaphore, #tpu.memory_space<semaphore_mem>> -> memref<1x!tpu.dma_semaphore, #tpu.memory_space<semaphore_mem>>
    %dma_start3A_153 = tpu.memref_squeeze %dma_start3A_152 : memref<1x!tpu.dma_semaphore, #tpu.memory_space<semaphore_mem>> -> memref<!tpu.dma_semaphore, #tpu.memory_space<semaphore_mem>>
    %dma_start3A_154 = arith.constant 0 : i32
    %dma_start3A_155 = tpu.memref_slice %arg4[%add3A_143, %dma_start3A_154] : memref<16384x128xf32, #tpu.memory_space<hbm>> -> memref<128x128xf32, #tpu.memory_space<hbm>>
    %dma_start3A_156 = arith.constant 0 : i32
    %dma_start3A_157 = arith.constant 0 : i32
    %dma_start3A_158 = tpu.memref_slice %arg6[%dma_start3A_144, %dma_start3A_156, %dma_start3A_157] : memref<4x128x128xf32, #tpu.memory_space<vmem>> -> memref<1x128x128xf32, #tpu.memory_space<vmem>>
    %dma_start3A_159 = tpu.memref_squeeze %dma_start3A_158 : memref<1x128x128xf32, #tpu.memory_space<vmem>> -> memref<128x128xf32, #tpu.memory_space<vmem>>
    tpu.enqueue_dma source(%dma_start3A_159 : memref<128x128xf32, #tpu.memory_space<vmem>>) target(%dma_start3A_155 : memref<128x128xf32, #tpu.memory_space<hbm>>) target_semaphore(%dma_start3A_153 : memref<!tpu.dma_semaphore, #tpu.memory_space<semaphore_mem>>)
    %dma_wait3A_160 = arith.constant 3 : i32
    %dma_wait3A_161 = arith.constant 3 : i32
    %dma_wait3A_162 = arith.constant 3 : i32
    %dma_wait3A_163 = arith.constant 0 : i32
    %dma_wait3A_164 = arith.constant 0 : i32
    %dma_wait3A_165 = tpu.memref_slice %arg6[%dma_wait3A_161, %dma_wait3A_163, %dma_wait3A_164] : memref<4x128x128xf32, #tpu.memory_space<vmem>> -> memref<1x128x128xf32, #tpu.memory_space<vmem>>
    %dma_wait3A_166 = tpu.memref_squeeze %dma_wait3A_165 : memref<1x128x128xf32, #tpu.memory_space<vmem>> -> memref<128x128xf32, #tpu.memory_space<vmem>>
    %dma_wait3A_167 = arith.constant 0 : i32
    %dma_wait3A_168 = tpu.memref_slice %arg5[%dma_wait3A_160, %dma_wait3A_167] : memref<8x128xi32, #tpu.memory_space<vmem>> -> memref<1x128xi32, #tpu.memory_space<vmem>>
    %dma_wait3A_169 = tpu.memref_squeeze %dma_wait3A_168 : memref<1x128xi32, #tpu.memory_space<vmem>> -> memref<128xi32, #tpu.memory_space<vmem>>
    %dma_wait3A_170 = arith.constant 0 : i32
    %dma_wait3A_171 = arith.constant 0 : i32
    %dma_wait3A_172 = tpu.memref_slice %arg3[%dma_wait3A_170, %dma_wait3A_171] : memref<57344x128xf32, #tpu.memory_space<hbm>> -> memref<57344x128xf32, #tpu.memory_space<hbm>>
    %dma_wait3A_173 = tpu.memref_slice %arg7[%dma_wait3A_162] : memref<4x!tpu.dma_semaphore, #tpu.memory_space<semaphore_mem>> -> memref<1x!tpu.dma_semaphore, #tpu.memory_space<semaphore_mem>>
    %dma_wait3A_174 = tpu.memref_squeeze %dma_wait3A_173 : memref<1x!tpu.dma_semaphore, #tpu.memory_space<semaphore_mem>> -> memref<!tpu.dma_semaphore, #tpu.memory_space<semaphore_mem>>
    tpu.wait_indirect_dma semaphore(%dma_wait3A_174 : memref<!tpu.dma_semaphore, #tpu.memory_space<semaphore_mem>>) src(%dma_wait3A_172 : memref<57344x128xf32, #tpu.memory_space<hbm>>) dst(%dma_wait3A_166 : memref<128x128xf32, #tpu.memory_space<vmem>>)
    %add3A_175 = arith.constant 384 : i32
    %add3A_176 = arith.addi %mul3A_2, %add3A_175 : i32
    %dma_start3A_177 = arith.constant 3 : i32
    %dma_start3A_178 = arith.constant 3 : i32
    %dma_start3A_179 = arith.constant 0 : i32
    %dma_start3A_180 = arith.constant 0 : i32
    %dma_start3A_181 = tpu.memref_slice %arg6[%dma_start3A_177, %dma_start3A_179, %dma_start3A_180] : memref<4x128x128xf32, #tpu.memory_space<vmem>> -> memref<1x128x128xf32, #tpu.memory_space<vmem>>
    %dma_start3A_182 = tpu.memref_squeeze %dma_start3A_181 : memref<1x128x128xf32, #tpu.memory_space<vmem>> -> memref<128x128xf32, #tpu.memory_space<vmem>>
    %dma_start3A_183 = arith.constant 0 : i32
    %dma_start3A_184 = tpu.memref_slice %arg4[%add3A_176, %dma_start3A_183] : memref<16384x128xf32, #tpu.memory_space<hbm>> -> memref<128x128xf32, #tpu.memory_space<hbm>>
    %dma_start3A_185 = tpu.memref_slice %arg8[%dma_start3A_178] : memref<4x!tpu.dma_semaphore, #tpu.memory_space<semaphore_mem>> -> memref<1x!tpu.dma_semaphore, #tpu.memory_space<semaphore_mem>>
    %dma_start3A_186 = tpu.memref_squeeze %dma_start3A_185 : memref<1x!tpu.dma_semaphore, #tpu.memory_space<semaphore_mem>> -> memref<!tpu.dma_semaphore, #tpu.memory_space<semaphore_mem>>
    %dma_start3A_187 = arith.constant 0 : i32
    %dma_start3A_188 = tpu.memref_slice %arg4[%add3A_176, %dma_start3A_187] : memref<16384x128xf32, #tpu.memory_space<hbm>> -> memref<128x128xf32, #tpu.memory_space<hbm>>
    %dma_start3A_189 = arith.constant 0 : i32
    %dma_start3A_190 = arith.constant 0 : i32
    %dma_start3A_191 = tpu.memref_slice %arg6[%dma_start3A_177, %dma_start3A_189, %dma_start3A_190] : memref<4x128x128xf32, #tpu.memory_space<vmem>> -> memref<1x128x128xf32, #tpu.memory_space<vmem>>
    %dma_start3A_192 = tpu.memref_squeeze %dma_start3A_191 : memref<1x128x128xf32, #tpu.memory_space<vmem>> -> memref<128x128xf32, #tpu.memory_space<vmem>>
    tpu.enqueue_dma source(%dma_start3A_192 : memref<128x128xf32, #tpu.memory_space<vmem>>) target(%dma_start3A_188 : memref<128x128xf32, #tpu.memory_space<hbm>>) target_semaphore(%dma_start3A_186 : memref<!tpu.dma_semaphore, #tpu.memory_space<semaphore_mem>>)
    %dma_wait3A_193 = arith.constant 0 : i32
    %dma_wait3A_194 = arith.constant 0 : i32
    %dma_wait3A_195 = arith.constant 0 : i32
    %dma_wait3A_196 = arith.constant 0 : i32
    %dma_wait3A_197 = tpu.memref_slice %arg6[%dma_wait3A_193, %dma_wait3A_195, %dma_wait3A_196] : memref<4x128x128xf32, #tpu.memory_space<vmem>> -> memref<1x128x128xf32, #tpu.memory_space<vmem>>
    %dma_wait3A_198 = tpu.memref_squeeze %dma_wait3A_197 : memref<1x128x128xf32, #tpu.memory_space<vmem>> -> memref<128x128xf32, #tpu.memory_space<vmem>>
    %dma_wait3A_199 = arith.constant 0 : i32
    %dma_wait3A_200 = tpu.memref_slice %arg4[%add3A_77, %dma_wait3A_199] : memref<16384x128xf32, #tpu.memory_space<hbm>> -> memref<128x128xf32, #tpu.memory_space<hbm>>
    %dma_wait3A_201 = tpu.memref_slice %arg8[%dma_wait3A_194] : memref<4x!tpu.dma_semaphore, #tpu.memory_space<semaphore_mem>> -> memref<1x!tpu.dma_semaphore, #tpu.memory_space<semaphore_mem>>
    %dma_wait3A_202 = tpu.memref_squeeze %dma_wait3A_201 : memref<1x!tpu.dma_semaphore, #tpu.memory_space<semaphore_mem>> -> memref<!tpu.dma_semaphore, #tpu.memory_space<semaphore_mem>>
    %dma_wait3A_203 = arith.constant 0 : i32
    %dma_wait3A_204 = tpu.memref_slice %arg4[%add3A_77, %dma_wait3A_203] : memref<16384x128xf32, #tpu.memory_space<hbm>> -> memref<128x128xf32, #tpu.memory_space<hbm>>
    %dma_wait3A_205 = arith.constant 0 : i32
    %dma_wait3A_206 = arith.constant 0 : i32
    %dma_wait3A_207 = tpu.memref_slice %arg6[%dma_wait3A_193, %dma_wait3A_205, %dma_wait3A_206] : memref<4x128x128xf32, #tpu.memory_space<vmem>> -> memref<1x128x128xf32, #tpu.memory_space<vmem>>
    %dma_wait3A_208 = tpu.memref_squeeze %dma_wait3A_207 : memref<1x128x128xf32, #tpu.memory_space<vmem>> -> memref<128x128xf32, #tpu.memory_space<vmem>>
    tpu.wait_dma2 semaphore(%dma_wait3A_202 : memref<!tpu.dma_semaphore, #tpu.memory_space<semaphore_mem>>) src(%dma_wait3A_208 : memref<128x128xf32, #tpu.memory_space<vmem>>) dst(%dma_wait3A_204 : memref<128x128xf32, #tpu.memory_space<hbm>>)
    %dma_wait3A_209 = arith.constant 1 : i32
    %dma_wait3A_210 = arith.constant 1 : i32
    %dma_wait3A_211 = arith.constant 0 : i32
    %dma_wait3A_212 = arith.constant 0 : i32
    %dma_wait3A_213 = tpu.memref_slice %arg6[%dma_wait3A_209, %dma_wait3A_211, %dma_wait3A_212] : memref<4x128x128xf32, #tpu.memory_space<vmem>> -> memref<1x128x128xf32, #tpu.memory_space<vmem>>
    %dma_wait3A_214 = tpu.memref_squeeze %dma_wait3A_213 : memref<1x128x128xf32, #tpu.memory_space<vmem>> -> memref<128x128xf32, #tpu.memory_space<vmem>>
    %dma_wait3A_215 = arith.constant 0 : i32
    %dma_wait3A_216 = tpu.memref_slice %arg4[%add3A_110, %dma_wait3A_215] : memref<16384x128xf32, #tpu.memory_space<hbm>> -> memref<128x128xf32, #tpu.memory_space<hbm>>
    %dma_wait3A_217 = tpu.memref_slice %arg8[%dma_wait3A_210] : memref<4x!tpu.dma_semaphore, #tpu.memory_space<semaphore_mem>> -> memref<1x!tpu.dma_semaphore, #tpu.memory_space<semaphore_mem>>
    %dma_wait3A_218 = tpu.memref_squeeze %dma_wait3A_217 : memref<1x!tpu.dma_semaphore, #tpu.memory_space<semaphore_mem>> -> memref<!tpu.dma_semaphore, #tpu.memory_space<semaphore_mem>>
    %dma_wait3A_219 = arith.constant 0 : i32
    %dma_wait3A_220 = tpu.memref_slice %arg4[%add3A_110, %dma_wait3A_219] : memref<16384x128xf32, #tpu.memory_space<hbm>> -> memref<128x128xf32, #tpu.memory_space<hbm>>
    %dma_wait3A_221 = arith.constant 0 : i32
    %dma_wait3A_222 = arith.constant 0 : i32
    %dma_wait3A_223 = tpu.memref_slice %arg6[%dma_wait3A_209, %dma_wait3A_221, %dma_wait3A_222] : memref<4x128x128xf32, #tpu.memory_space<vmem>> -> memref<1x128x128xf32, #tpu.memory_space<vmem>>
    %dma_wait3A_224 = tpu.memref_squeeze %dma_wait3A_223 : memref<1x128x128xf32, #tpu.memory_space<vmem>> -> memref<128x128xf32, #tpu.memory_space<vmem>>
    tpu.wait_dma2 semaphore(%dma_wait3A_218 : memref<!tpu.dma_semaphore, #tpu.memory_space<semaphore_mem>>) src(%dma_wait3A_224 : memref<128x128xf32, #tpu.memory_space<vmem>>) dst(%dma_wait3A_220 : memref<128x128xf32, #tpu.memory_space<hbm>>)
    %dma_wait3A_225 = arith.constant 2 : i32
    %dma_wait3A_226 = arith.constant 2 : i32
    %dma_wait3A_227 = arith.constant 0 : i32
    %dma_wait3A_228 = arith.constant 0 : i32
    %dma_wait3A_229 = tpu.memref_slice %arg6[%dma_wait3A_225, %dma_wait3A_227, %dma_wait3A_228] : memref<4x128x128xf32, #tpu.memory_space<vmem>> -> memref<1x128x128xf32, #tpu.memory_space<vmem>>
    %dma_wait3A_230 = tpu.memref_squeeze %dma_wait3A_229 : memref<1x128x128xf32, #tpu.memory_space<vmem>> -> memref<128x128xf32, #tpu.memory_space<vmem>>
    %dma_wait3A_231 = arith.constant 0 : i32
    %dma_wait3A_232 = tpu.memref_slice %arg4[%add3A_143, %dma_wait3A_231] : memref<16384x128xf32, #tpu.memory_space<hbm>> -> memref<128x128xf32, #tpu.memory_space<hbm>>
    %dma_wait3A_233 = tpu.memref_slice %arg8[%dma_wait3A_226] : memref<4x!tpu.dma_semaphore, #tpu.memory_space<semaphore_mem>> -> memref<1x!tpu.dma_semaphore, #tpu.memory_space<semaphore_mem>>
    %dma_wait3A_234 = tpu.memref_squeeze %dma_wait3A_233 : memref<1x!tpu.dma_semaphore, #tpu.memory_space<semaphore_mem>> -> memref<!tpu.dma_semaphore, #tpu.memory_space<semaphore_mem>>
    %dma_wait3A_235 = arith.constant 0 : i32
    %dma_wait3A_236 = tpu.memref_slice %arg4[%add3A_143, %dma_wait3A_235] : memref<16384x128xf32, #tpu.memory_space<hbm>> -> memref<128x128xf32, #tpu.memory_space<hbm>>
    %dma_wait3A_237 = arith.constant 0 : i32
    %dma_wait3A_238 = arith.constant 0 : i32
    %dma_wait3A_239 = tpu.memref_slice %arg6[%dma_wait3A_225, %dma_wait3A_237, %dma_wait3A_238] : memref<4x128x128xf32, #tpu.memory_space<vmem>> -> memref<1x128x128xf32, #tpu.memory_space<vmem>>
    %dma_wait3A_240 = tpu.memref_squeeze %dma_wait3A_239 : memref<1x128x128xf32, #tpu.memory_space<vmem>> -> memref<128x128xf32, #tpu.memory_space<vmem>>
    tpu.wait_dma2 semaphore(%dma_wait3A_234 : memref<!tpu.dma_semaphore, #tpu.memory_space<semaphore_mem>>) src(%dma_wait3A_240 : memref<128x128xf32, #tpu.memory_space<vmem>>) dst(%dma_wait3A_236 : memref<128x128xf32, #tpu.memory_space<hbm>>)
    %dma_wait3A_241 = arith.constant 3 : i32
    %dma_wait3A_242 = arith.constant 3 : i32
    %dma_wait3A_243 = arith.constant 0 : i32
    %dma_wait3A_244 = arith.constant 0 : i32
    %dma_wait3A_245 = tpu.memref_slice %arg6[%dma_wait3A_241, %dma_wait3A_243, %dma_wait3A_244] : memref<4x128x128xf32, #tpu.memory_space<vmem>> -> memref<1x128x128xf32, #tpu.memory_space<vmem>>
    %dma_wait3A_246 = tpu.memref_squeeze %dma_wait3A_245 : memref<1x128x128xf32, #tpu.memory_space<vmem>> -> memref<128x128xf32, #tpu.memory_space<vmem>>
    %dma_wait3A_247 = arith.constant 0 : i32
    %dma_wait3A_248 = tpu.memref_slice %arg4[%add3A_176, %dma_wait3A_247] : memref<16384x128xf32, #tpu.memory_space<hbm>> -> memref<128x128xf32, #tpu.memory_space<hbm>>
    %dma_wait3A_249 = tpu.memref_slice %arg8[%dma_wait3A_242] : memref<4x!tpu.dma_semaphore, #tpu.memory_space<semaphore_mem>> -> memref<1x!tpu.dma_semaphore, #tpu.memory_space<semaphore_mem>>
    %dma_wait3A_250 = tpu.memref_squeeze %dma_wait3A_249 : memref<1x!tpu.dma_semaphore, #tpu.memory_space<semaphore_mem>> -> memref<!tpu.dma_semaphore, #tpu.memory_space<semaphore_mem>>
    %dma_wait3A_251 = arith.constant 0 : i32
    %dma_wait3A_252 = tpu.memref_slice %arg4[%add3A_176, %dma_wait3A_251] : memref<16384x128xf32, #tpu.memory_space<hbm>> -> memref<128x128xf32, #tpu.memory_space<hbm>>
    %dma_wait3A_253 = arith.constant 0 : i32
    %dma_wait3A_254 = arith.constant 0 : i32
    %dma_wait3A_255 = tpu.memref_slice %arg6[%dma_wait3A_241, %dma_wait3A_253, %dma_wait3A_254] : memref<4x128x128xf32, #tpu.memory_space<vmem>> -> memref<1x128x128xf32, #tpu.memory_space<vmem>>
    %dma_wait3A_256 = tpu.memref_squeeze %dma_wait3A_255 : memref<1x128x128xf32, #tpu.memory_space<vmem>> -> memref<128x128xf32, #tpu.memory_space<vmem>>
    tpu.wait_dma2 semaphore(%dma_wait3A_250 : memref<!tpu.dma_semaphore, #tpu.memory_space<semaphore_mem>>) src(%dma_wait3A_256 : memref<128x128xf32, #tpu.memory_space<vmem>>) dst(%dma_wait3A_252 : memref<128x128xf32, #tpu.memory_space<hbm>>)
    return
  }
}

#map = affine_map<(d0, d1) -> (0, 0, 0)>
#map1 = affine_map<(d0, d1) -> (0, 0)>
module attributes {stable_mosaic.version = 14 : i64} {
  func.func @sc_gather(%arg0: i32, %arg1: i32, %arg2: memref<32x8x128xi32, #tpu.memory_space<hbm>>, %arg3: memref<57344x128xf32, #tpu.memory_space<hbm>>, %arg4: memref<16384x128xf32, #tpu.memory_space<hbm>>, %arg5: memref<8x128xi32, #tpu.memory_space<vmem>>, %arg6: memref<4x128x128xf32, #tpu.memory_space<vmem>>, %arg7: memref<4x!tpu.dma_semaphore, #tpu.memory_space<semaphore_mem>>, %arg8: memref<4x!tpu.dma_semaphore, #tpu.memory_space<semaphore_mem>>) attributes {dimension_semantics = [#tpu.dimension_semantics<core_parallel>, #tpu.dimension_semantics<subcore_parallel>], iteration_bounds = array<i64: 2, 16>, scalar_prefetch = 0 : i64, scratch_operands = 4 : i64, tpu.core_type = #tpu.core_type<sc_vector_subcore>, window_params = [{transform_indices = #map}, {transform_indices = #map1}, {transform_indices = #map1}]} {
    %mul3A = arith.constant 2 : i32
    %mul3A_0 = arith.muli %arg1, %mul3A : i32
    %add3A = arith.addi %mul3A_0, %arg0 : i32
    %mul3A_1 = arith.constant 512 : i32
    %mul3A_2 = arith.muli %add3A, %mul3A_1 : i32
    "tpu.region"() ({
      %run_scoped3A = tpu.sem_alloc : memref<!tpu.dma_semaphore, #tpu.memory_space<semaphore_mem>>
      %dma_start3A_257 = arith.constant 0 : i32
      %dma_start3A_258 = arith.constant 0 : i32
      %dma_start3A_259 = tpu.memref_slice %arg2[%add3A, %dma_start3A_257, %dma_start3A_258] : memref<32x8x128xi32, #tpu.memory_space<hbm>> -> memref<1x8x128xi32, #tpu.memory_space<hbm>>
      %dma_start3A_260 = tpu.memref_squeeze %dma_start3A_259 : memref<1x8x128xi32, #tpu.memory_space<hbm>> -> memref<8x128xi32, #tpu.memory_space<hbm>>
      %dma_start3A_261 = arith.constant 0 : i32
      %dma_start3A_262 = arith.constant 0 : i32
      %dma_start3A_263 = tpu.memref_slice %arg2[%add3A, %dma_start3A_261, %dma_start3A_262] : memref<32x8x128xi32, #tpu.memory_space<hbm>> -> memref<1x8x128xi32, #tpu.memory_space<hbm>>
      %dma_start3A_264 = tpu.memref_squeeze %dma_start3A_263 : memref<1x8x128xi32, #tpu.memory_space<hbm>> -> memref<8x128xi32, #tpu.memory_space<hbm>>
      tpu.enqueue_dma source(%dma_start3A_264 : memref<8x128xi32, #tpu.memory_space<hbm>>) target(%arg5 : memref<8x128xi32, #tpu.memory_space<vmem>>) target_semaphore(%run_scoped3A : memref<!tpu.dma_semaphore, #tpu.memory_space<semaphore_mem>>)
      %dma_wait3A_265 = arith.constant 0 : i32
      %dma_wait3A_266 = arith.constant 0 : i32
      %dma_wait3A_267 = tpu.memref_slice %arg2[%add3A, %dma_wait3A_265, %dma_wait3A_266] : memref<32x8x128xi32, #tpu.memory_space<hbm>> -> memref<1x8x128xi32, #tpu.memory_space<hbm>>
      %dma_wait3A_268 = tpu.memref_squeeze %dma_wait3A_267 : memref<1x8x128xi32, #tpu.memory_space<hbm>> -> memref<8x128xi32, #tpu.memory_space<hbm>>
      %dma_wait3A_269 = arith.constant 0 : i32
      %dma_wait3A_270 = arith.constant 0 : i32
      %dma_wait3A_271 = tpu.memref_slice %arg2[%add3A, %dma_wait3A_269, %dma_wait3A_270] : memref<32x8x128xi32, #tpu.memory_space<hbm>> -> memref<1x8x128xi32, #tpu.memory_space<hbm>>
      %dma_wait3A_272 = tpu.memref_squeeze %dma_wait3A_271 : memref<1x8x128xi32, #tpu.memory_space<hbm>> -> memref<8x128xi32, #tpu.memory_space<hbm>>
      tpu.wait_dma2 semaphore(%run_scoped3A : memref<!tpu.dma_semaphore, #tpu.memory_space<semaphore_mem>>) src(%dma_wait3A_272 : memref<8x128xi32, #tpu.memory_space<hbm>>) dst(%arg5 : memref<8x128xi32, #tpu.memory_space<vmem>>)
      tpu.yield
    }) : () -> ()
    %dma_start3A = arith.constant 0 : i32
    %dma_start3A_3 = arith.constant 0 : i32
    %dma_start3A_4 = arith.constant 0 : i32
    %dma_start3A_5 = arith.constant 0 : i32
    %dma_start3A_6 = arith.constant 0 : i32
    %dma_start3A_7 = tpu.memref_slice %arg6[%dma_start3A_3, %dma_start3A_5, %dma_start3A_6] : memref<4x128x128xf32, #tpu.memory_space<vmem>> -> memref<1x128x128xf32, #tpu.memory_space<vmem>>
    %dma_start3A_8 = tpu.memref_squeeze %dma_start3A_7 : memref<1x128x128xf32, #tpu.memory_space<vmem>> -> memref<128x128xf32, #tpu.memory_space<vmem>>
    %dma_start3A_9 = arith.constant 0 : i32
    %dma_start3A_10 = tpu.memref_slice %arg5[%dma_start3A, %dma_start3A_9] : memref<8x128xi32, #tpu.memory_space<vmem>> -> memref<1x128xi32, #tpu.memory_space<vmem>>
    %dma_start3A_11 = tpu.memref_squeeze %dma_start3A_10 : memref<1x128xi32, #tpu.memory_space<vmem>> -> memref<128xi32, #tpu.memory_space<vmem>>
    %dma_start3A_12 = arith.constant 0 : i32
    %dma_start3A_13 = arith.constant 0 : i32
    %dma_start3A_14 = tpu.memref_slice %arg3[%dma_start3A_12, %dma_start3A_13] : memref<57344x128xf32, #tpu.memory_space<hbm>> -> memref<57344x128xf32, #tpu.memory_space<hbm>>
    %dma_start3A_15 = tpu.memref_slice %arg7[%dma_start3A_4] : memref<4x!tpu.dma_semaphore, #tpu.memory_space<semaphore_mem>> -> memref<1x!tpu.dma_semaphore, #tpu.memory_space<semaphore_mem>>
    %dma_start3A_16 = tpu.memref_squeeze %dma_start3A_15 : memref<1x!tpu.dma_semaphore, #tpu.memory_space<semaphore_mem>> -> memref<!tpu.dma_semaphore, #tpu.memory_space<semaphore_mem>>
    tpu.enqueue_indirect_dma source(%dma_start3A_14 : memref<57344x128xf32, #tpu.memory_space<hbm>>) target(%dma_start3A_8 : memref<128x128xf32, #tpu.memory_space<vmem>>) offsets(%dma_start3A_11 : memref<128xi32, #tpu.memory_space<vmem>>) semaphore(%dma_start3A_16 : memref<!tpu.dma_semaphore, #tpu.memory_space<semaphore_mem>>)
    %dma_start3A_17 = arith.constant 1 : i32
    %dma_start3A_18 = arith.constant 1 : i32
    %dma_start3A_19 = arith.constant 1 : i32
    %dma_start3A_20 = arith.constant 0 : i32
    %dma_start3A_21 = arith.constant 0 : i32
    %dma_start3A_22 = tpu.memref_slice %arg6[%dma_start3A_18, %dma_start3A_20, %dma_start3A_21] : memref<4x128x128xf32, #tpu.memory_space<vmem>> -> memref<1x128x128xf32, #tpu.memory_space<vmem>>
    %dma_start3A_23 = tpu.memref_squeeze %dma_start3A_22 : memref<1x128x128xf32, #tpu.memory_space<vmem>> -> memref<128x128xf32, #tpu.memory_space<vmem>>
    %dma_start3A_24 = arith.constant 0 : i32
    %dma_start3A_25 = tpu.memref_slice %arg5[%dma_start3A_17, %dma_start3A_24] : memref<8x128xi32, #tpu.memory_space<vmem>> -> memref<1x128xi32, #tpu.memory_space<vmem>>
    %dma_start3A_26 = tpu.memref_squeeze %dma_start3A_25 : memref<1x128xi32, #tpu.memory_space<vmem>> -> memref<128xi32, #tpu.memory_space<vmem>>
    %dma_start3A_27 = arith.constant 0 : i32
    %dma_start3A_28 = arith.constant 0 : i32
    %dma_start3A_29 = tpu.memref_slice %arg3[%dma_start3A_27, %dma_start3A_28] : memref<57344x128xf32, #tpu.memory_space<hbm>> -> memref<57344x128xf32, #tpu.memory_space<hbm>>
    %dma_start3A_30 = tpu.memref_slice %arg7[%dma_start3A_19] : memref<4x!tpu.dma_semaphore, #tpu.memory_space<semaphore_mem>> -> memref<1x!tpu.dma_semaphore, #tpu.memory_space<semaphore_mem>>
    %dma_start3A_31 = tpu.memref_squeeze %dma_start3A_30 : memref<1x!tpu.dma_semaphore, #tpu.memory_space<semaphore_mem>> -> memref<!tpu.dma_semaphore, #tpu.memory_space<semaphore_mem>>
    tpu.enqueue_indirect_dma source(%dma_start3A_29 : memref<57344x128xf32, #tpu.memory_space<hbm>>) target(%dma_start3A_23 : memref<128x128xf32, #tpu.memory_space<vmem>>) offsets(%dma_start3A_26 : memref<128xi32, #tpu.memory_space<vmem>>) semaphore(%dma_start3A_31 : memref<!tpu.dma_semaphore, #tpu.memory_space<semaphore_mem>>)
    %dma_start3A_32 = arith.constant 2 : i32
    %dma_start3A_33 = arith.constant 2 : i32
    %dma_start3A_34 = arith.constant 2 : i32
    %dma_start3A_35 = arith.constant 0 : i32
    %dma_start3A_36 = arith.constant 0 : i32
    %dma_start3A_37 = tpu.memref_slice %arg6[%dma_start3A_33, %dma_start3A_35, %dma_start3A_36] : memref<4x128x128xf32, #tpu.memory_space<vmem>> -> memref<1x128x128xf32, #tpu.memory_space<vmem>>
    %dma_start3A_38 = tpu.memref_squeeze %dma_start3A_37 : memref<1x128x128xf32, #tpu.memory_space<vmem>> -> memref<128x128xf32, #tpu.memory_space<vmem>>
    %dma_start3A_39 = arith.constant 0 : i32
    %dma_start3A_40 = tpu.memref_slice %arg5[%dma_start3A_32, %dma_start3A_39] : memref<8x128xi32, #tpu.memory_space<vmem>> -> memref<1x128xi32, #tpu.memory_space<vmem>>
    %dma_start3A_41 = tpu.memref_squeeze %dma_start3A_40 : memref<1x128xi32, #tpu.memory_space<vmem>> -> memref<128xi32, #tpu.memory_space<vmem>>
    %dma_start3A_42 = arith.constant 0 : i32
    %dma_start3A_43 = arith.constant 0 : i32
    %dma_start3A_44 = tpu.memref_slice %arg3[%dma_start3A_42, %dma_start3A_43] : memref<57344x128xf32, #tpu.memory_space<hbm>> -> memref<57344x128xf32, #tpu.memory_space<hbm>>
    %dma_start3A_45 = tpu.memref_slice %arg7[%dma_start3A_34] : memref<4x!tpu.dma_semaphore, #tpu.memory_space<semaphore_mem>> -> memref<1x!tpu.dma_semaphore, #tpu.memory_space<semaphore_mem>>
    %dma_start3A_46 = tpu.memref_squeeze %dma_start3A_45 : memref<1x!tpu.dma_semaphore, #tpu.memory_space<semaphore_mem>> -> memref<!tpu.dma_semaphore, #tpu.memory_space<semaphore_mem>>
    tpu.enqueue_indirect_dma source(%dma_start3A_44 : memref<57344x128xf32, #tpu.memory_space<hbm>>) target(%dma_start3A_38 : memref<128x128xf32, #tpu.memory_space<vmem>>) offsets(%dma_start3A_41 : memref<128xi32, #tpu.memory_space<vmem>>) semaphore(%dma_start3A_46 : memref<!tpu.dma_semaphore, #tpu.memory_space<semaphore_mem>>)
    %dma_start3A_47 = arith.constant 3 : i32
    %dma_start3A_48 = arith.constant 3 : i32
    %dma_start3A_49 = arith.constant 3 : i32
    %dma_start3A_50 = arith.constant 0 : i32
    %dma_start3A_51 = arith.constant 0 : i32
    %dma_start3A_52 = tpu.memref_slice %arg6[%dma_start3A_48, %dma_start3A_50, %dma_start3A_51] : memref<4x128x128xf32, #tpu.memory_space<vmem>> -> memref<1x128x128xf32, #tpu.memory_space<vmem>>
    %dma_start3A_53 = tpu.memref_squeeze %dma_start3A_52 : memref<1x128x128xf32, #tpu.memory_space<vmem>> -> memref<128x128xf32, #tpu.memory_space<vmem>>
    %dma_start3A_54 = arith.constant 0 : i32
    %dma_start3A_55 = tpu.memref_slice %arg5[%dma_start3A_47, %dma_start3A_54] : memref<8x128xi32, #tpu.memory_space<vmem>> -> memref<1x128xi32, #tpu.memory_space<vmem>>
    %dma_start3A_56 = tpu.memref_squeeze %dma_start3A_55 : memref<1x128xi32, #tpu.memory_space<vmem>> -> memref<128xi32, #tpu.memory_space<vmem>>
    %dma_start3A_57 = arith.constant 0 : i32
    %dma_start3A_58 = arith.constant 0 : i32
    %dma_start3A_59 = tpu.memref_slice %arg3[%dma_start3A_57, %dma_start3A_58] : memref<57344x128xf32, #tpu.memory_space<hbm>> -> memref<57344x128xf32, #tpu.memory_space<hbm>>
    %dma_start3A_60 = tpu.memref_slice %arg7[%dma_start3A_49] : memref<4x!tpu.dma_semaphore, #tpu.memory_space<semaphore_mem>> -> memref<1x!tpu.dma_semaphore, #tpu.memory_space<semaphore_mem>>
    %dma_start3A_61 = tpu.memref_squeeze %dma_start3A_60 : memref<1x!tpu.dma_semaphore, #tpu.memory_space<semaphore_mem>> -> memref<!tpu.dma_semaphore, #tpu.memory_space<semaphore_mem>>
    tpu.enqueue_indirect_dma source(%dma_start3A_59 : memref<57344x128xf32, #tpu.memory_space<hbm>>) target(%dma_start3A_53 : memref<128x128xf32, #tpu.memory_space<vmem>>) offsets(%dma_start3A_56 : memref<128xi32, #tpu.memory_space<vmem>>) semaphore(%dma_start3A_61 : memref<!tpu.dma_semaphore, #tpu.memory_space<semaphore_mem>>)
    %dma_wait3A = arith.constant 0 : i32
    %dma_wait3A_62 = arith.constant 0 : i32
    %dma_wait3A_63 = arith.constant 0 : i32
    %dma_wait3A_64 = arith.constant 0 : i32
    %dma_wait3A_65 = arith.constant 0 : i32
    %dma_wait3A_66 = tpu.memref_slice %arg6[%dma_wait3A_62, %dma_wait3A_64, %dma_wait3A_65] : memref<4x128x128xf32, #tpu.memory_space<vmem>> -> memref<1x128x128xf32, #tpu.memory_space<vmem>>
    %dma_wait3A_67 = tpu.memref_squeeze %dma_wait3A_66 : memref<1x128x128xf32, #tpu.memory_space<vmem>> -> memref<128x128xf32, #tpu.memory_space<vmem>>
    %dma_wait3A_68 = arith.constant 0 : i32
    %dma_wait3A_69 = tpu.memref_slice %arg5[%dma_wait3A, %dma_wait3A_68] : memref<8x128xi32, #tpu.memory_space<vmem>> -> memref<1x128xi32, #tpu.memory_space<vmem>>
    %dma_wait3A_70 = tpu.memref_squeeze %dma_wait3A_69 : memref<1x128xi32, #tpu.memory_space<vmem>> -> memref<128xi32, #tpu.memory_space<vmem>>
    %dma_wait3A_71 = arith.constant 0 : i32
    %dma_wait3A_72 = arith.constant 0 : i32
    %dma_wait3A_73 = tpu.memref_slice %arg3[%dma_wait3A_71, %dma_wait3A_72] : memref<57344x128xf32, #tpu.memory_space<hbm>> -> memref<57344x128xf32, #tpu.memory_space<hbm>>
    %dma_wait3A_74 = tpu.memref_slice %arg7[%dma_wait3A_63] : memref<4x!tpu.dma_semaphore, #tpu.memory_space<semaphore_mem>> -> memref<1x!tpu.dma_semaphore, #tpu.memory_space<semaphore_mem>>
    %dma_wait3A_75 = tpu.memref_squeeze %dma_wait3A_74 : memref<1x!tpu.dma_semaphore, #tpu.memory_space<semaphore_mem>> -> memref<!tpu.dma_semaphore, #tpu.memory_space<semaphore_mem>>
    tpu.wait_indirect_dma semaphore(%dma_wait3A_75 : memref<!tpu.dma_semaphore, #tpu.memory_space<semaphore_mem>>) src(%dma_wait3A_73 : memref<57344x128xf32, #tpu.memory_space<hbm>>) dst(%dma_wait3A_67 : memref<128x128xf32, #tpu.memory_space<vmem>>)
    %add3A_76 = arith.constant 0 : i32
    %add3A_77 = arith.addi %mul3A_2, %add3A_76 : i32
    %dma_start3A_78 = arith.constant 0 : i32
    %dma_start3A_79 = arith.constant 0 : i32
    %dma_start3A_80 = arith.constant 0 : i32
    %dma_start3A_81 = arith.constant 0 : i32
    %dma_start3A_82 = tpu.memref_slice %arg6[%dma_start3A_78, %dma_start3A_80, %dma_start3A_81] : memref<4x128x128xf32, #tpu.memory_space<vmem>> -> memref<1x128x128xf32, #tpu.memory_space<vmem>>
    %dma_start3A_83 = tpu.memref_squeeze %dma_start3A_82 : memref<1x128x128xf32, #tpu.memory_space<vmem>> -> memref<128x128xf32, #tpu.memory_space<vmem>>
    %dma_start3A_84 = arith.constant 0 : i32
    %dma_start3A_85 = tpu.memref_slice %arg4[%add3A_77, %dma_start3A_84] : memref<16384x128xf32, #tpu.memory_space<hbm>> -> memref<128x128xf32, #tpu.memory_space<hbm>>
    %dma_start3A_86 = tpu.memref_slice %arg8[%dma_start3A_79] : memref<4x!tpu.dma_semaphore, #tpu.memory_space<semaphore_mem>> -> memref<1x!tpu.dma_semaphore, #tpu.memory_space<semaphore_mem>>
    %dma_start3A_87 = tpu.memref_squeeze %dma_start3A_86 : memref<1x!tpu.dma_semaphore, #tpu.memory_space<semaphore_mem>> -> memref<!tpu.dma_semaphore, #tpu.memory_space<semaphore_mem>>
    %dma_start3A_88 = arith.constant 0 : i32
    %dma_start3A_89 = tpu.memref_slice %arg4[%add3A_77, %dma_start3A_88] : memref<16384x128xf32, #tpu.memory_space<hbm>> -> memref<128x128xf32, #tpu.memory_space<hbm>>
    %dma_start3A_90 = arith.constant 0 : i32
    %dma_start3A_91 = arith.constant 0 : i32
    %dma_start3A_92 = tpu.memref_slice %arg6[%dma_start3A_78, %dma_start3A_90, %dma_start3A_91] : memref<4x128x128xf32, #tpu.memory_space<vmem>> -> memref<1x128x128xf32, #tpu.memory_space<vmem>>
    %dma_start3A_93 = tpu.memref_squeeze %dma_start3A_92 : memref<1x128x128xf32, #tpu.memory_space<vmem>> -> memref<128x128xf32, #tpu.memory_space<vmem>>
    tpu.enqueue_dma source(%dma_start3A_93 : memref<128x128xf32, #tpu.memory_space<vmem>>) target(%dma_start3A_89 : memref<128x128xf32, #tpu.memory_space<hbm>>) target_semaphore(%dma_start3A_87 : memref<!tpu.dma_semaphore, #tpu.memory_space<semaphore_mem>>)
    %dma_wait3A_94 = arith.constant 1 : i32
    %dma_wait3A_95 = arith.constant 1 : i32
    %dma_wait3A_96 = arith.constant 1 : i32
    %dma_wait3A_97 = arith.constant 0 : i32
    %dma_wait3A_98 = arith.constant 0 : i32
    %dma_wait3A_99 = tpu.memref_slice %arg6[%dma_wait3A_95, %dma_wait3A_97, %dma_wait3A_98] : memref<4x128x128xf32, #tpu.memory_space<vmem>> -> memref<1x128x128xf32, #tpu.memory_space<vmem>>
    %dma_wait3A_100 = tpu.memref_squeeze %dma_wait3A_99 : memref<1x128x128xf32, #tpu.memory_space<vmem>> -> memref<128x128xf32, #tpu.memory_space<vmem>>
    %dma_wait3A_101 = arith.constant 0 : i32
    %dma_wait3A_102 = tpu.memref_slice %arg5[%dma_wait3A_94, %dma_wait3A_101] : memref<8x128xi32, #tpu.memory_space<vmem>> -> memref<1x128xi32, #tpu.memory_space<vmem>>
    %dma_wait3A_103 = tpu.memref_squeeze %dma_wait3A_102 : memref<1x128xi32, #tpu.memory_space<vmem>> -> memref<128xi32, #tpu.memory_space<vmem>>
    %dma_wait3A_104 = arith.constant 0 : i32
    %dma_wait3A_105 = arith.constant 0 : i32
    %dma_wait3A_106 = tpu.memref_slice %arg3[%dma_wait3A_104, %dma_wait3A_105] : memref<57344x128xf32, #tpu.memory_space<hbm>> -> memref<57344x128xf32, #tpu.memory_space<hbm>>
    %dma_wait3A_107 = tpu.memref_slice %arg7[%dma_wait3A_96] : memref<4x!tpu.dma_semaphore, #tpu.memory_space<semaphore_mem>> -> memref<1x!tpu.dma_semaphore, #tpu.memory_space<semaphore_mem>>
    %dma_wait3A_108 = tpu.memref_squeeze %dma_wait3A_107 : memref<1x!tpu.dma_semaphore, #tpu.memory_space<semaphore_mem>> -> memref<!tpu.dma_semaphore, #tpu.memory_space<semaphore_mem>>
    tpu.wait_indirect_dma semaphore(%dma_wait3A_108 : memref<!tpu.dma_semaphore, #tpu.memory_space<semaphore_mem>>) src(%dma_wait3A_106 : memref<57344x128xf32, #tpu.memory_space<hbm>>) dst(%dma_wait3A_100 : memref<128x128xf32, #tpu.memory_space<vmem>>)
    %add3A_109 = arith.constant 128 : i32
    %add3A_110 = arith.addi %mul3A_2, %add3A_109 : i32
    %dma_start3A_111 = arith.constant 1 : i32
    %dma_start3A_112 = arith.constant 1 : i32
    %dma_start3A_113 = arith.constant 0 : i32
    %dma_start3A_114 = arith.constant 0 : i32
    %dma_start3A_115 = tpu.memref_slice %arg6[%dma_start3A_111, %dma_start3A_113, %dma_start3A_114] : memref<4x128x128xf32, #tpu.memory_space<vmem>> -> memref<1x128x128xf32, #tpu.memory_space<vmem>>
    %dma_start3A_116 = tpu.memref_squeeze %dma_start3A_115 : memref<1x128x128xf32, #tpu.memory_space<vmem>> -> memref<128x128xf32, #tpu.memory_space<vmem>>
    %dma_start3A_117 = arith.constant 0 : i32
    %dma_start3A_118 = tpu.memref_slice %arg4[%add3A_110, %dma_start3A_117] : memref<16384x128xf32, #tpu.memory_space<hbm>> -> memref<128x128xf32, #tpu.memory_space<hbm>>
    %dma_start3A_119 = tpu.memref_slice %arg8[%dma_start3A_112] : memref<4x!tpu.dma_semaphore, #tpu.memory_space<semaphore_mem>> -> memref<1x!tpu.dma_semaphore, #tpu.memory_space<semaphore_mem>>
    %dma_start3A_120 = tpu.memref_squeeze %dma_start3A_119 : memref<1x!tpu.dma_semaphore, #tpu.memory_space<semaphore_mem>> -> memref<!tpu.dma_semaphore, #tpu.memory_space<semaphore_mem>>
    %dma_start3A_121 = arith.constant 0 : i32
    %dma_start3A_122 = tpu.memref_slice %arg4[%add3A_110, %dma_start3A_121] : memref<16384x128xf32, #tpu.memory_space<hbm>> -> memref<128x128xf32, #tpu.memory_space<hbm>>
    %dma_start3A_123 = arith.constant 0 : i32
    %dma_start3A_124 = arith.constant 0 : i32
    %dma_start3A_125 = tpu.memref_slice %arg6[%dma_start3A_111, %dma_start3A_123, %dma_start3A_124] : memref<4x128x128xf32, #tpu.memory_space<vmem>> -> memref<1x128x128xf32, #tpu.memory_space<vmem>>
    %dma_start3A_126 = tpu.memref_squeeze %dma_start3A_125 : memref<1x128x128xf32, #tpu.memory_space<vmem>> -> memref<128x128xf32, #tpu.memory_space<vmem>>
    tpu.enqueue_dma source(%dma_start3A_126 : memref<128x128xf32, #tpu.memory_space<vmem>>) target(%dma_start3A_122 : memref<128x128xf32, #tpu.memory_space<hbm>>) target_semaphore(%dma_start3A_120 : memref<!tpu.dma_semaphore, #tpu.memory_space<semaphore_mem>>)
    %dma_wait3A_127 = arith.constant 2 : i32
    %dma_wait3A_128 = arith.constant 2 : i32
    %dma_wait3A_129 = arith.constant 2 : i32
    %dma_wait3A_130 = arith.constant 0 : i32
    %dma_wait3A_131 = arith.constant 0 : i32
    %dma_wait3A_132 = tpu.memref_slice %arg6[%dma_wait3A_128, %dma_wait3A_130, %dma_wait3A_131] : memref<4x128x128xf32, #tpu.memory_space<vmem>> -> memref<1x128x128xf32, #tpu.memory_space<vmem>>
    %dma_wait3A_133 = tpu.memref_squeeze %dma_wait3A_132 : memref<1x128x128xf32, #tpu.memory_space<vmem>> -> memref<128x128xf32, #tpu.memory_space<vmem>>
    %dma_wait3A_134 = arith.constant 0 : i32
    %dma_wait3A_135 = tpu.memref_slice %arg5[%dma_wait3A_127, %dma_wait3A_134] : memref<8x128xi32, #tpu.memory_space<vmem>> -> memref<1x128xi32, #tpu.memory_space<vmem>>
    %dma_wait3A_136 = tpu.memref_squeeze %dma_wait3A_135 : memref<1x128xi32, #tpu.memory_space<vmem>> -> memref<128xi32, #tpu.memory_space<vmem>>
    %dma_wait3A_137 = arith.constant 0 : i32
    %dma_wait3A_138 = arith.constant 0 : i32
    %dma_wait3A_139 = tpu.memref_slice %arg3[%dma_wait3A_137, %dma_wait3A_138] : memref<57344x128xf32, #tpu.memory_space<hbm>> -> memref<57344x128xf32, #tpu.memory_space<hbm>>
    %dma_wait3A_140 = tpu.memref_slice %arg7[%dma_wait3A_129] : memref<4x!tpu.dma_semaphore, #tpu.memory_space<semaphore_mem>> -> memref<1x!tpu.dma_semaphore, #tpu.memory_space<semaphore_mem>>
    %dma_wait3A_141 = tpu.memref_squeeze %dma_wait3A_140 : memref<1x!tpu.dma_semaphore, #tpu.memory_space<semaphore_mem>> -> memref<!tpu.dma_semaphore, #tpu.memory_space<semaphore_mem>>
    tpu.wait_indirect_dma semaphore(%dma_wait3A_141 : memref<!tpu.dma_semaphore, #tpu.memory_space<semaphore_mem>>) src(%dma_wait3A_139 : memref<57344x128xf32, #tpu.memory_space<hbm>>) dst(%dma_wait3A_133 : memref<128x128xf32, #tpu.memory_space<vmem>>)
    %add3A_142 = arith.constant 256 : i32
    %add3A_143 = arith.addi %mul3A_2, %add3A_142 : i32
    %dma_start3A_144 = arith.constant 2 : i32
    %dma_start3A_145 = arith.constant 2 : i32
    %dma_start3A_146 = arith.constant 0 : i32
    %dma_start3A_147 = arith.constant 0 : i32
    %dma_start3A_148 = tpu.memref_slice %arg6[%dma_start3A_144, %dma_start3A_146, %dma_start3A_147] : memref<4x128x128xf32, #tpu.memory_space<vmem>> -> memref<1x128x128xf32, #tpu.memory_space<vmem>>
    %dma_start3A_149 = tpu.memref_squeeze %dma_start3A_148 : memref<1x128x128xf32, #tpu.memory_space<vmem>> -> memref<128x128xf32, #tpu.memory_space<vmem>>
    %dma_start3A_150 = arith.constant 0 : i32
    %dma_start3A_151 = tpu.memref_slice %arg4[%add3A_143, %dma_start3A_150] : memref<16384x128xf32, #tpu.memory_space<hbm>> -> memref<128x128xf32, #tpu.memory_space<hbm>>
    %dma_start3A_152 = tpu.memref_slice %arg8[%dma_start3A_145] : memref<4x!tpu.dma_semaphore, #tpu.memory_space<semaphore_mem>> -> memref<1x!tpu.dma_semaphore, #tpu.memory_space<semaphore_mem>>
    %dma_start3A_153 = tpu.memref_squeeze %dma_start3A_152 : memref<1x!tpu.dma_semaphore, #tpu.memory_space<semaphore_mem>> -> memref<!tpu.dma_semaphore, #tpu.memory_space<semaphore_mem>>
    %dma_start3A_154 = arith.constant 0 : i32
    %dma_start3A_155 = tpu.memref_slice %arg4[%add3A_143, %dma_start3A_154] : memref<16384x128xf32, #tpu.memory_space<hbm>> -> memref<128x128xf32, #tpu.memory_space<hbm>>
    %dma_start3A_156 = arith.constant 0 : i32
    %dma_start3A_157 = arith.constant 0 : i32
    %dma_start3A_158 = tpu.memref_slice %arg6[%dma_start3A_144, %dma_start3A_156, %dma_start3A_157] : memref<4x128x128xf32, #tpu.memory_space<vmem>> -> memref<1x128x128xf32, #tpu.memory_space<vmem>>
    %dma_start3A_159 = tpu.memref_squeeze %dma_start3A_158 : memref<1x128x128xf32, #tpu.memory_space<vmem>> -> memref<128x128xf32, #tpu.memory_space<vmem>>
    tpu.enqueue_dma source(%dma_start3A_159 : memref<128x128xf32, #tpu.memory_space<vmem>>) target(%dma_start3A_155 : memref<128x128xf32, #tpu.memory_space<hbm>>) target_semaphore(%dma_start3A_153 : memref<!tpu.dma_semaphore, #tpu.memory_space<semaphore_mem>>)
    %dma_wait3A_160 = arith.constant 3 : i32
    %dma_wait3A_161 = arith.constant 3 : i32
    %dma_wait3A_162 = arith.constant 3 : i32
    %dma_wait3A_163 = arith.constant 0 : i32
    %dma_wait3A_164 = arith.constant 0 : i32
    %dma_wait3A_165 = tpu.memref_slice %arg6[%dma_wait3A_161, %dma_wait3A_163, %dma_wait3A_164] : memref<4x128x128xf32, #tpu.memory_space<vmem>> -> memref<1x128x128xf32, #tpu.memory_space<vmem>>
    %dma_wait3A_166 = tpu.memref_squeeze %dma_wait3A_165 : memref<1x128x128xf32, #tpu.memory_space<vmem>> -> memref<128x128xf32, #tpu.memory_space<vmem>>
    %dma_wait3A_167 = arith.constant 0 : i32
    %dma_wait3A_168 = tpu.memref_slice %arg5[%dma_wait3A_160, %dma_wait3A_167] : memref<8x128xi32, #tpu.memory_space<vmem>> -> memref<1x128xi32, #tpu.memory_space<vmem>>
    %dma_wait3A_169 = tpu.memref_squeeze %dma_wait3A_168 : memref<1x128xi32, #tpu.memory_space<vmem>> -> memref<128xi32, #tpu.memory_space<vmem>>
    %dma_wait3A_170 = arith.constant 0 : i32
    %dma_wait3A_171 = arith.constant 0 : i32
    %dma_wait3A_172 = tpu.memref_slice %arg3[%dma_wait3A_170, %dma_wait3A_171] : memref<57344x128xf32, #tpu.memory_space<hbm>> -> memref<57344x128xf32, #tpu.memory_space<hbm>>
    %dma_wait3A_173 = tpu.memref_slice %arg7[%dma_wait3A_162] : memref<4x!tpu.dma_semaphore, #tpu.memory_space<semaphore_mem>> -> memref<1x!tpu.dma_semaphore, #tpu.memory_space<semaphore_mem>>
    %dma_wait3A_174 = tpu.memref_squeeze %dma_wait3A_173 : memref<1x!tpu.dma_semaphore, #tpu.memory_space<semaphore_mem>> -> memref<!tpu.dma_semaphore, #tpu.memory_space<semaphore_mem>>
    tpu.wait_indirect_dma semaphore(%dma_wait3A_174 : memref<!tpu.dma_semaphore, #tpu.memory_space<semaphore_mem>>) src(%dma_wait3A_172 : memref<57344x128xf32, #tpu.memory_space<hbm>>) dst(%dma_wait3A_166 : memref<128x128xf32, #tpu.memory_space<vmem>>)
    %add3A_175 = arith.constant 384 : i32
    %add3A_176 = arith.addi %mul3A_2, %add3A_175 : i32
    %dma_start3A_177 = arith.constant 3 : i32
    %dma_start3A_178 = arith.constant 3 : i32
    %dma_start3A_179 = arith.constant 0 : i32
    %dma_start3A_180 = arith.constant 0 : i32
    %dma_start3A_181 = tpu.memref_slice %arg6[%dma_start3A_177, %dma_start3A_179, %dma_start3A_180] : memref<4x128x128xf32, #tpu.memory_space<vmem>> -> memref<1x128x128xf32, #tpu.memory_space<vmem>>
    %dma_start3A_182 = tpu.memref_squeeze %dma_start3A_181 : memref<1x128x128xf32, #tpu.memory_space<vmem>> -> memref<128x128xf32, #tpu.memory_space<vmem>>
    %dma_start3A_183 = arith.constant 0 : i32
    %dma_start3A_184 = tpu.memref_slice %arg4[%add3A_176, %dma_start3A_183] : memref<16384x128xf32, #tpu.memory_space<hbm>> -> memref<128x128xf32, #tpu.memory_space<hbm>>
    %dma_start3A_185 = tpu.memref_slice %arg8[%dma_start3A_178] : memref<4x!tpu.dma_semaphore, #tpu.memory_space<semaphore_mem>> -> memref<1x!tpu.dma_semaphore, #tpu.memory_space<semaphore_mem>>
    %dma_start3A_186 = tpu.memref_squeeze %dma_start3A_185 : memref<1x!tpu.dma_semaphore, #tpu.memory_space<semaphore_mem>> -> memref<!tpu.dma_semaphore, #tpu.memory_space<semaphore_mem>>
    %dma_start3A_187 = arith.constant 0 : i32
    %dma_start3A_188 = tpu.memref_slice %arg4[%add3A_176, %dma_start3A_187] : memref<16384x128xf32, #tpu.memory_space<hbm>> -> memref<128x128xf32, #tpu.memory_space<hbm>>
    %dma_start3A_189 = arith.constant 0 : i32
    %dma_start3A_190 = arith.constant 0 : i32
    %dma_start3A_191 = tpu.memref_slice %arg6[%dma_start3A_177, %dma_start3A_189, %dma_start3A_190] : memref<4x128x128xf32, #tpu.memory_space<vmem>> -> memref<1x128x128xf32, #tpu.memory_space<vmem>>
    %dma_start3A_192 = tpu.memref_squeeze %dma_start3A_191 : memref<1x128x128xf32, #tpu.memory_space<vmem>> -> memref<128x128xf32, #tpu.memory_space<vmem>>
    tpu.enqueue_dma source(%dma_start3A_192 : memref<128x128xf32, #tpu.memory_space<vmem>>) target(%dma_start3A_188 : memref<128x128xf32, #tpu.memory_space<hbm>>) target_semaphore(%dma_start3A_186 : memref<!tpu.dma_semaphore, #tpu.memory_space<semaphore_mem>>)
    %dma_wait3A_193 = arith.constant 0 : i32
    %dma_wait3A_194 = arith.constant 0 : i32
    %dma_wait3A_195 = arith.constant 0 : i32
    %dma_wait3A_196 = arith.constant 0 : i32
    %dma_wait3A_197 = tpu.memref_slice %arg6[%dma_wait3A_193, %dma_wait3A_195, %dma_wait3A_196] : memref<4x128x128xf32, #tpu.memory_space<vmem>> -> memref<1x128x128xf32, #tpu.memory_space<vmem>>
    %dma_wait3A_198 = tpu.memref_squeeze %dma_wait3A_197 : memref<1x128x128xf32, #tpu.memory_space<vmem>> -> memref<128x128xf32, #tpu.memory_space<vmem>>
    %dma_wait3A_199 = arith.constant 0 : i32
    %dma_wait3A_200 = tpu.memref_slice %arg4[%add3A_77, %dma_wait3A_199] : memref<16384x128xf32, #tpu.memory_space<hbm>> -> memref<128x128xf32, #tpu.memory_space<hbm>>
    %dma_wait3A_201 = tpu.memref_slice %arg8[%dma_wait3A_194] : memref<4x!tpu.dma_semaphore, #tpu.memory_space<semaphore_mem>> -> memref<1x!tpu.dma_semaphore, #tpu.memory_space<semaphore_mem>>
    %dma_wait3A_202 = tpu.memref_squeeze %dma_wait3A_201 : memref<1x!tpu.dma_semaphore, #tpu.memory_space<semaphore_mem>> -> memref<!tpu.dma_semaphore, #tpu.memory_space<semaphore_mem>>
    %dma_wait3A_203 = arith.constant 0 : i32
    %dma_wait3A_204 = tpu.memref_slice %arg4[%add3A_77, %dma_wait3A_203] : memref<16384x128xf32, #tpu.memory_space<hbm>> -> memref<128x128xf32, #tpu.memory_space<hbm>>
    %dma_wait3A_205 = arith.constant 0 : i32
    %dma_wait3A_206 = arith.constant 0 : i32
    %dma_wait3A_207 = tpu.memref_slice %arg6[%dma_wait3A_193, %dma_wait3A_205, %dma_wait3A_206] : memref<4x128x128xf32, #tpu.memory_space<vmem>> -> memref<1x128x128xf32, #tpu.memory_space<vmem>>
    %dma_wait3A_208 = tpu.memref_squeeze %dma_wait3A_207 : memref<1x128x128xf32, #tpu.memory_space<vmem>> -> memref<128x128xf32, #tpu.memory_space<vmem>>
    tpu.wait_dma2 semaphore(%dma_wait3A_202 : memref<!tpu.dma_semaphore, #tpu.memory_space<semaphore_mem>>) src(%dma_wait3A_208 : memref<128x128xf32, #tpu.memory_space<vmem>>) dst(%dma_wait3A_204 : memref<128x128xf32, #tpu.memory_space<hbm>>)
    %dma_wait3A_209 = arith.constant 1 : i32
    %dma_wait3A_210 = arith.constant 1 : i32
    %dma_wait3A_211 = arith.constant 0 : i32
    %dma_wait3A_212 = arith.constant 0 : i32
    %dma_wait3A_213 = tpu.memref_slice %arg6[%dma_wait3A_209, %dma_wait3A_211, %dma_wait3A_212] : memref<4x128x128xf32, #tpu.memory_space<vmem>> -> memref<1x128x128xf32, #tpu.memory_space<vmem>>
    %dma_wait3A_214 = tpu.memref_squeeze %dma_wait3A_213 : memref<1x128x128xf32, #tpu.memory_space<vmem>> -> memref<128x128xf32, #tpu.memory_space<vmem>>
    %dma_wait3A_215 = arith.constant 0 : i32
    %dma_wait3A_216 = tpu.memref_slice %arg4[%add3A_110, %dma_wait3A_215] : memref<16384x128xf32, #tpu.memory_space<hbm>> -> memref<128x128xf32, #tpu.memory_space<hbm>>
    %dma_wait3A_217 = tpu.memref_slice %arg8[%dma_wait3A_210] : memref<4x!tpu.dma_semaphore, #tpu.memory_space<semaphore_mem>> -> memref<1x!tpu.dma_semaphore, #tpu.memory_space<semaphore_mem>>
    %dma_wait3A_218 = tpu.memref_squeeze %dma_wait3A_217 : memref<1x!tpu.dma_semaphore, #tpu.memory_space<semaphore_mem>> -> memref<!tpu.dma_semaphore, #tpu.memory_space<semaphore_mem>>
    %dma_wait3A_219 = arith.constant 0 : i32
    %dma_wait3A_220 = tpu.memref_slice %arg4[%add3A_110, %dma_wait3A_219] : memref<16384x128xf32, #tpu.memory_space<hbm>> -> memref<128x128xf32, #tpu.memory_space<hbm>>
    %dma_wait3A_221 = arith.constant 0 : i32
    %dma_wait3A_222 = arith.constant 0 : i32
    %dma_wait3A_223 = tpu.memref_slice %arg6[%dma_wait3A_209, %dma_wait3A_221, %dma_wait3A_222] : memref<4x128x128xf32, #tpu.memory_space<vmem>> -> memref<1x128x128xf32, #tpu.memory_space<vmem>>
    %dma_wait3A_224 = tpu.memref_squeeze %dma_wait3A_223 : memref<1x128x128xf32, #tpu.memory_space<vmem>> -> memref<128x128xf32, #tpu.memory_space<vmem>>
    tpu.wait_dma2 semaphore(%dma_wait3A_218 : memref<!tpu.dma_semaphore, #tpu.memory_space<semaphore_mem>>) src(%dma_wait3A_224 : memref<128x128xf32, #tpu.memory_space<vmem>>) dst(%dma_wait3A_220 : memref<128x128xf32, #tpu.memory_space<hbm>>)
    %dma_wait3A_225 = arith.constant 2 : i32
    %dma_wait3A_226 = arith.constant 2 : i32
    %dma_wait3A_227 = arith.constant 0 : i32
    %dma_wait3A_228 = arith.constant 0 : i32
    %dma_wait3A_229 = tpu.memref_slice %arg6[%dma_wait3A_225, %dma_wait3A_227, %dma_wait3A_228] : memref<4x128x128xf32, #tpu.memory_space<vmem>> -> memref<1x128x128xf32, #tpu.memory_space<vmem>>
    %dma_wait3A_230 = tpu.memref_squeeze %dma_wait3A_229 : memref<1x128x128xf32, #tpu.memory_space<vmem>> -> memref<128x128xf32, #tpu.memory_space<vmem>>
    %dma_wait3A_231 = arith.constant 0 : i32
    %dma_wait3A_232 = tpu.memref_slice %arg4[%add3A_143, %dma_wait3A_231] : memref<16384x128xf32, #tpu.memory_space<hbm>> -> memref<128x128xf32, #tpu.memory_space<hbm>>
    %dma_wait3A_233 = tpu.memref_slice %arg8[%dma_wait3A_226] : memref<4x!tpu.dma_semaphore, #tpu.memory_space<semaphore_mem>> -> memref<1x!tpu.dma_semaphore, #tpu.memory_space<semaphore_mem>>
    %dma_wait3A_234 = tpu.memref_squeeze %dma_wait3A_233 : memref<1x!tpu.dma_semaphore, #tpu.memory_space<semaphore_mem>> -> memref<!tpu.dma_semaphore, #tpu.memory_space<semaphore_mem>>
    %dma_wait3A_235 = arith.constant 0 : i32
    %dma_wait3A_236 = tpu.memref_slice %arg4[%add3A_143, %dma_wait3A_235] : memref<16384x128xf32, #tpu.memory_space<hbm>> -> memref<128x128xf32, #tpu.memory_space<hbm>>
    %dma_wait3A_237 = arith.constant 0 : i32
    %dma_wait3A_238 = arith.constant 0 : i32
    %dma_wait3A_239 = tpu.memref_slice %arg6[%dma_wait3A_225, %dma_wait3A_237, %dma_wait3A_238] : memref<4x128x128xf32, #tpu.memory_space<vmem>> -> memref<1x128x128xf32, #tpu.memory_space<vmem>>
    %dma_wait3A_240 = tpu.memref_squeeze %dma_wait3A_239 : memref<1x128x128xf32, #tpu.memory_space<vmem>> -> memref<128x128xf32, #tpu.memory_space<vmem>>
    tpu.wait_dma2 semaphore(%dma_wait3A_234 : memref<!tpu.dma_semaphore, #tpu.memory_space<semaphore_mem>>) src(%dma_wait3A_240 : memref<128x128xf32, #tpu.memory_space<vmem>>) dst(%dma_wait3A_236 : memref<128x128xf32, #tpu.memory_space<hbm>>)
    %dma_wait3A_241 = arith.constant 3 : i32
    %dma_wait3A_242 = arith.constant 3 : i32
    %dma_wait3A_243 = arith.constant 0 : i32
    %dma_wait3A_244 = arith.constant 0 : i32
    %dma_wait3A_245 = tpu.memref_slice %arg6[%dma_wait3A_241, %dma_wait3A_243, %dma_wait3A_244] : memref<4x128x128xf32, #tpu.memory_space<vmem>> -> memref<1x128x128xf32, #tpu.memory_space<vmem>>
    %dma_wait3A_246 = tpu.memref_squeeze %dma_wait3A_245 : memref<1x128x128xf32, #tpu.memory_space<vmem>> -> memref<128x128xf32, #tpu.memory_space<vmem>>
    %dma_wait3A_247 = arith.constant 0 : i32
    %dma_wait3A_248 = tpu.memref_slice %arg4[%add3A_176, %dma_wait3A_247] : memref<16384x128xf32, #tpu.memory_space<hbm>> -> memref<128x128xf32, #tpu.memory_space<hbm>>
    %dma_wait3A_249 = tpu.memref_slice %arg8[%dma_wait3A_242] : memref<4x!tpu.dma_semaphore, #tpu.memory_space<semaphore_mem>> -> memref<1x!tpu.dma_semaphore, #tpu.memory_space<semaphore_mem>>
    %dma_wait3A_250 = tpu.memref_squeeze %dma_wait3A_249 : memref<1x!tpu.dma_semaphore, #tpu.memory_space<semaphore_mem>> -> memref<!tpu.dma_semaphore, #tpu.memory_space<semaphore_mem>>
    %dma_wait3A_251 = arith.constant 0 : i32
    %dma_wait3A_252 = tpu.memref_slice %arg4[%add3A_176, %dma_wait3A_251] : memref<16384x128xf32, #tpu.memory_space<hbm>> -> memref<128x128xf32, #tpu.memory_space<hbm>>
    %dma_wait3A_253 = arith.constant 0 : i32
    %dma_wait3A_254 = arith.constant 0 : i32
    %dma_wait3A_255 = tpu.memref_slice %arg6[%dma_wait3A_241, %dma_wait3A_253, %dma_wait3A_254] : memref<4x128x128xf32, #tpu.memory_space<vmem>> -> memref<1x128x128xf32, #tpu.memory_space<vmem>>
    %dma_wait3A_256 = tpu.memref_squeeze %dma_wait3A_255 : memref<1x128x128xf32, #tpu.memory_space<vmem>> -> memref<128x128xf32, #tpu.memory_space<vmem>>
    tpu.wait_dma2 semaphore(%dma_wait3A_250 : memref<!tpu.dma_semaphore, #tpu.memory_space<semaphore_mem>>) src(%dma_wait3A_256 : memref<128x128xf32, #tpu.memory_space<vmem>>) dst(%dma_wait3A_252 : memref<128x128xf32, #tpu.memory_space<hbm>>)
    return
  }
}

#map = affine_map<(d0, d1) -> (0, 0, 0)>
#map1 = affine_map<(d0, d1) -> (0, 0)>
module attributes {stable_mosaic.version = 14 : i64} {
  func.func @sc_gather(%arg0: i32, %arg1: i32, %arg2: memref<32x8x128xi32, #tpu.memory_space<hbm>>, %arg3: memref<57344x128xf32, #tpu.memory_space<hbm>>, %arg4: memref<16384x128xf32, #tpu.memory_space<hbm>>, %arg5: memref<8x128xi32, #tpu.memory_space<vmem>>, %arg6: memref<4x128x128xf32, #tpu.memory_space<vmem>>, %arg7: memref<4x!tpu.dma_semaphore, #tpu.memory_space<semaphore_mem>>, %arg8: memref<4x!tpu.dma_semaphore, #tpu.memory_space<semaphore_mem>>) attributes {dimension_semantics = [#tpu.dimension_semantics<core_parallel>, #tpu.dimension_semantics<subcore_parallel>], iteration_bounds = array<i64: 2, 16>, scalar_prefetch = 0 : i64, scratch_operands = 4 : i64, tpu.core_type = #tpu.core_type<sc_vector_subcore>, window_params = [{transform_indices = #map}, {transform_indices = #map1}, {transform_indices = #map1}]} {
    %mul3A = arith.constant 2 : i32
    %mul3A_0 = arith.muli %arg1, %mul3A : i32
    %add3A = arith.addi %mul3A_0, %arg0 : i32
    %mul3A_1 = arith.constant 512 : i32
    %mul3A_2 = arith.muli %add3A, %mul3A_1 : i32
    "tpu.region"() ({
      %run_scoped3A = tpu.sem_alloc : memref<!tpu.dma_semaphore, #tpu.memory_space<semaphore_mem>>
      %dma_start3A_257 = arith.constant 0 : i32
      %dma_start3A_258 = arith.constant 0 : i32
      %dma_start3A_259 = tpu.memref_slice %arg2[%add3A, %dma_start3A_257, %dma_start3A_258] : memref<32x8x128xi32, #tpu.memory_space<hbm>> -> memref<1x8x128xi32, #tpu.memory_space<hbm>>
      %dma_start3A_260 = tpu.memref_squeeze %dma_start3A_259 : memref<1x8x128xi32, #tpu.memory_space<hbm>> -> memref<8x128xi32, #tpu.memory_space<hbm>>
      %dma_start3A_261 = arith.constant 0 : i32
      %dma_start3A_262 = arith.constant 0 : i32
      %dma_start3A_263 = tpu.memref_slice %arg2[%add3A, %dma_start3A_261, %dma_start3A_262] : memref<32x8x128xi32, #tpu.memory_space<hbm>> -> memref<1x8x128xi32, #tpu.memory_space<hbm>>
      %dma_start3A_264 = tpu.memref_squeeze %dma_start3A_263 : memref<1x8x128xi32, #tpu.memory_space<hbm>> -> memref<8x128xi32, #tpu.memory_space<hbm>>
      tpu.enqueue_dma source(%dma_start3A_264 : memref<8x128xi32, #tpu.memory_space<hbm>>) target(%arg5 : memref<8x128xi32, #tpu.memory_space<vmem>>) target_semaphore(%run_scoped3A : memref<!tpu.dma_semaphore, #tpu.memory_space<semaphore_mem>>)
      %dma_wait3A_265 = arith.constant 0 : i32
      %dma_wait3A_266 = arith.constant 0 : i32
      %dma_wait3A_267 = tpu.memref_slice %arg2[%add3A, %dma_wait3A_265, %dma_wait3A_266] : memref<32x8x128xi32, #tpu.memory_space<hbm>> -> memref<1x8x128xi32, #tpu.memory_space<hbm>>
      %dma_wait3A_268 = tpu.memref_squeeze %dma_wait3A_267 : memref<1x8x128xi32, #tpu.memory_space<hbm>> -> memref<8x128xi32, #tpu.memory_space<hbm>>
      %dma_wait3A_269 = arith.constant 0 : i32
      %dma_wait3A_270 = arith.constant 0 : i32
      %dma_wait3A_271 = tpu.memref_slice %arg2[%add3A, %dma_wait3A_269, %dma_wait3A_270] : memref<32x8x128xi32, #tpu.memory_space<hbm>> -> memref<1x8x128xi32, #tpu.memory_space<hbm>>
      %dma_wait3A_272 = tpu.memref_squeeze %dma_wait3A_271 : memref<1x8x128xi32, #tpu.memory_space<hbm>> -> memref<8x128xi32, #tpu.memory_space<hbm>>
      tpu.wait_dma2 semaphore(%run_scoped3A : memref<!tpu.dma_semaphore, #tpu.memory_space<semaphore_mem>>) src(%dma_wait3A_272 : memref<8x128xi32, #tpu.memory_space<hbm>>) dst(%arg5 : memref<8x128xi32, #tpu.memory_space<vmem>>)
      tpu.yield
    }) : () -> ()
    %dma_start3A = arith.constant 0 : i32
    %dma_start3A_3 = arith.constant 0 : i32
    %dma_start3A_4 = arith.constant 0 : i32
    %dma_start3A_5 = arith.constant 0 : i32
    %dma_start3A_6 = arith.constant 0 : i32
    %dma_start3A_7 = tpu.memref_slice %arg6[%dma_start3A_3, %dma_start3A_5, %dma_start3A_6] : memref<4x128x128xf32, #tpu.memory_space<vmem>> -> memref<1x128x128xf32, #tpu.memory_space<vmem>>
    %dma_start3A_8 = tpu.memref_squeeze %dma_start3A_7 : memref<1x128x128xf32, #tpu.memory_space<vmem>> -> memref<128x128xf32, #tpu.memory_space<vmem>>
    %dma_start3A_9 = arith.constant 0 : i32
    %dma_start3A_10 = tpu.memref_slice %arg5[%dma_start3A, %dma_start3A_9] : memref<8x128xi32, #tpu.memory_space<vmem>> -> memref<1x128xi32, #tpu.memory_space<vmem>>
    %dma_start3A_11 = tpu.memref_squeeze %dma_start3A_10 : memref<1x128xi32, #tpu.memory_space<vmem>> -> memref<128xi32, #tpu.memory_space<vmem>>
    %dma_start3A_12 = arith.constant 0 : i32
    %dma_start3A_13 = arith.constant 0 : i32
    %dma_start3A_14 = tpu.memref_slice %arg3[%dma_start3A_12, %dma_start3A_13] : memref<57344x128xf32, #tpu.memory_space<hbm>> -> memref<57344x128xf32, #tpu.memory_space<hbm>>
    %dma_start3A_15 = tpu.memref_slice %arg7[%dma_start3A_4] : memref<4x!tpu.dma_semaphore, #tpu.memory_space<semaphore_mem>> -> memref<1x!tpu.dma_semaphore, #tpu.memory_space<semaphore_mem>>
    %dma_start3A_16 = tpu.memref_squeeze %dma_start3A_15 : memref<1x!tpu.dma_semaphore, #tpu.memory_space<semaphore_mem>> -> memref<!tpu.dma_semaphore, #tpu.memory_space<semaphore_mem>>
    tpu.enqueue_indirect_dma source(%dma_start3A_14 : memref<57344x128xf32, #tpu.memory_space<hbm>>) target(%dma_start3A_8 : memref<128x128xf32, #tpu.memory_space<vmem>>) offsets(%dma_start3A_11 : memref<128xi32, #tpu.memory_space<vmem>>) semaphore(%dma_start3A_16 : memref<!tpu.dma_semaphore, #tpu.memory_space<semaphore_mem>>)
    %dma_start3A_17 = arith.constant 1 : i32
    %dma_start3A_18 = arith.constant 1 : i32
    %dma_start3A_19 = arith.constant 1 : i32
    %dma_start3A_20 = arith.constant 0 : i32
    %dma_start3A_21 = arith.constant 0 : i32
    %dma_start3A_22 = tpu.memref_slice %arg6[%dma_start3A_18, %dma_start3A_20, %dma_start3A_21] : memref<4x128x128xf32, #tpu.memory_space<vmem>> -> memref<1x128x128xf32, #tpu.memory_space<vmem>>
    %dma_start3A_23 = tpu.memref_squeeze %dma_start3A_22 : memref<1x128x128xf32, #tpu.memory_space<vmem>> -> memref<128x128xf32, #tpu.memory_space<vmem>>
    %dma_start3A_24 = arith.constant 0 : i32
    %dma_start3A_25 = tpu.memref_slice %arg5[%dma_start3A_17, %dma_start3A_24] : memref<8x128xi32, #tpu.memory_space<vmem>> -> memref<1x128xi32, #tpu.memory_space<vmem>>
    %dma_start3A_26 = tpu.memref_squeeze %dma_start3A_25 : memref<1x128xi32, #tpu.memory_space<vmem>> -> memref<128xi32, #tpu.memory_space<vmem>>
    %dma_start3A_27 = arith.constant 0 : i32
    %dma_start3A_28 = arith.constant 0 : i32
    %dma_start3A_29 = tpu.memref_slice %arg3[%dma_start3A_27, %dma_start3A_28] : memref<57344x128xf32, #tpu.memory_space<hbm>> -> memref<57344x128xf32, #tpu.memory_space<hbm>>
    %dma_start3A_30 = tpu.memref_slice %arg7[%dma_start3A_19] : memref<4x!tpu.dma_semaphore, #tpu.memory_space<semaphore_mem>> -> memref<1x!tpu.dma_semaphore, #tpu.memory_space<semaphore_mem>>
    %dma_start3A_31 = tpu.memref_squeeze %dma_start3A_30 : memref<1x!tpu.dma_semaphore, #tpu.memory_space<semaphore_mem>> -> memref<!tpu.dma_semaphore, #tpu.memory_space<semaphore_mem>>
    tpu.enqueue_indirect_dma source(%dma_start3A_29 : memref<57344x128xf32, #tpu.memory_space<hbm>>) target(%dma_start3A_23 : memref<128x128xf32, #tpu.memory_space<vmem>>) offsets(%dma_start3A_26 : memref<128xi32, #tpu.memory_space<vmem>>) semaphore(%dma_start3A_31 : memref<!tpu.dma_semaphore, #tpu.memory_space<semaphore_mem>>)
    %dma_start3A_32 = arith.constant 2 : i32
    %dma_start3A_33 = arith.constant 2 : i32
    %dma_start3A_34 = arith.constant 2 : i32
    %dma_start3A_35 = arith.constant 0 : i32
    %dma_start3A_36 = arith.constant 0 : i32
    %dma_start3A_37 = tpu.memref_slice %arg6[%dma_start3A_33, %dma_start3A_35, %dma_start3A_36] : memref<4x128x128xf32, #tpu.memory_space<vmem>> -> memref<1x128x128xf32, #tpu.memory_space<vmem>>
    %dma_start3A_38 = tpu.memref_squeeze %dma_start3A_37 : memref<1x128x128xf32, #tpu.memory_space<vmem>> -> memref<128x128xf32, #tpu.memory_space<vmem>>
    %dma_start3A_39 = arith.constant 0 : i32
    %dma_start3A_40 = tpu.memref_slice %arg5[%dma_start3A_32, %dma_start3A_39] : memref<8x128xi32, #tpu.memory_space<vmem>> -> memref<1x128xi32, #tpu.memory_space<vmem>>
    %dma_start3A_41 = tpu.memref_squeeze %dma_start3A_40 : memref<1x128xi32, #tpu.memory_space<vmem>> -> memref<128xi32, #tpu.memory_space<vmem>>
    %dma_start3A_42 = arith.constant 0 : i32
    %dma_start3A_43 = arith.constant 0 : i32
    %dma_start3A_44 = tpu.memref_slice %arg3[%dma_start3A_42, %dma_start3A_43] : memref<57344x128xf32, #tpu.memory_space<hbm>> -> memref<57344x128xf32, #tpu.memory_space<hbm>>
    %dma_start3A_45 = tpu.memref_slice %arg7[%dma_start3A_34] : memref<4x!tpu.dma_semaphore, #tpu.memory_space<semaphore_mem>> -> memref<1x!tpu.dma_semaphore, #tpu.memory_space<semaphore_mem>>
    %dma_start3A_46 = tpu.memref_squeeze %dma_start3A_45 : memref<1x!tpu.dma_semaphore, #tpu.memory_space<semaphore_mem>> -> memref<!tpu.dma_semaphore, #tpu.memory_space<semaphore_mem>>
    tpu.enqueue_indirect_dma source(%dma_start3A_44 : memref<57344x128xf32, #tpu.memory_space<hbm>>) target(%dma_start3A_38 : memref<128x128xf32, #tpu.memory_space<vmem>>) offsets(%dma_start3A_41 : memref<128xi32, #tpu.memory_space<vmem>>) semaphore(%dma_start3A_46 : memref<!tpu.dma_semaphore, #tpu.memory_space<semaphore_mem>>)
    %dma_start3A_47 = arith.constant 3 : i32
    %dma_start3A_48 = arith.constant 3 : i32
    %dma_start3A_49 = arith.constant 3 : i32
    %dma_start3A_50 = arith.constant 0 : i32
    %dma_start3A_51 = arith.constant 0 : i32
    %dma_start3A_52 = tpu.memref_slice %arg6[%dma_start3A_48, %dma_start3A_50, %dma_start3A_51] : memref<4x128x128xf32, #tpu.memory_space<vmem>> -> memref<1x128x128xf32, #tpu.memory_space<vmem>>
    %dma_start3A_53 = tpu.memref_squeeze %dma_start3A_52 : memref<1x128x128xf32, #tpu.memory_space<vmem>> -> memref<128x128xf32, #tpu.memory_space<vmem>>
    %dma_start3A_54 = arith.constant 0 : i32
    %dma_start3A_55 = tpu.memref_slice %arg5[%dma_start3A_47, %dma_start3A_54] : memref<8x128xi32, #tpu.memory_space<vmem>> -> memref<1x128xi32, #tpu.memory_space<vmem>>
    %dma_start3A_56 = tpu.memref_squeeze %dma_start3A_55 : memref<1x128xi32, #tpu.memory_space<vmem>> -> memref<128xi32, #tpu.memory_space<vmem>>
    %dma_start3A_57 = arith.constant 0 : i32
    %dma_start3A_58 = arith.constant 0 : i32
    %dma_start3A_59 = tpu.memref_slice %arg3[%dma_start3A_57, %dma_start3A_58] : memref<57344x128xf32, #tpu.memory_space<hbm>> -> memref<57344x128xf32, #tpu.memory_space<hbm>>
    %dma_start3A_60 = tpu.memref_slice %arg7[%dma_start3A_49] : memref<4x!tpu.dma_semaphore, #tpu.memory_space<semaphore_mem>> -> memref<1x!tpu.dma_semaphore, #tpu.memory_space<semaphore_mem>>
    %dma_start3A_61 = tpu.memref_squeeze %dma_start3A_60 : memref<1x!tpu.dma_semaphore, #tpu.memory_space<semaphore_mem>> -> memref<!tpu.dma_semaphore, #tpu.memory_space<semaphore_mem>>
    tpu.enqueue_indirect_dma source(%dma_start3A_59 : memref<57344x128xf32, #tpu.memory_space<hbm>>) target(%dma_start3A_53 : memref<128x128xf32, #tpu.memory_space<vmem>>) offsets(%dma_start3A_56 : memref<128xi32, #tpu.memory_space<vmem>>) semaphore(%dma_start3A_61 : memref<!tpu.dma_semaphore, #tpu.memory_space<semaphore_mem>>)
    %dma_wait3A = arith.constant 0 : i32
    %dma_wait3A_62 = arith.constant 0 : i32
    %dma_wait3A_63 = arith.constant 0 : i32
    %dma_wait3A_64 = arith.constant 0 : i32
    %dma_wait3A_65 = arith.constant 0 : i32
    %dma_wait3A_66 = tpu.memref_slice %arg6[%dma_wait3A_62, %dma_wait3A_64, %dma_wait3A_65] : memref<4x128x128xf32, #tpu.memory_space<vmem>> -> memref<1x128x128xf32, #tpu.memory_space<vmem>>
    %dma_wait3A_67 = tpu.memref_squeeze %dma_wait3A_66 : memref<1x128x128xf32, #tpu.memory_space<vmem>> -> memref<128x128xf32, #tpu.memory_space<vmem>>
    %dma_wait3A_68 = arith.constant 0 : i32
    %dma_wait3A_69 = tpu.memref_slice %arg5[%dma_wait3A, %dma_wait3A_68] : memref<8x128xi32, #tpu.memory_space<vmem>> -> memref<1x128xi32, #tpu.memory_space<vmem>>
    %dma_wait3A_70 = tpu.memref_squeeze %dma_wait3A_69 : memref<1x128xi32, #tpu.memory_space<vmem>> -> memref<128xi32, #tpu.memory_space<vmem>>
    %dma_wait3A_71 = arith.constant 0 : i32
    %dma_wait3A_72 = arith.constant 0 : i32
    %dma_wait3A_73 = tpu.memref_slice %arg3[%dma_wait3A_71, %dma_wait3A_72] : memref<57344x128xf32, #tpu.memory_space<hbm>> -> memref<57344x128xf32, #tpu.memory_space<hbm>>
    %dma_wait3A_74 = tpu.memref_slice %arg7[%dma_wait3A_63] : memref<4x!tpu.dma_semaphore, #tpu.memory_space<semaphore_mem>> -> memref<1x!tpu.dma_semaphore, #tpu.memory_space<semaphore_mem>>
    %dma_wait3A_75 = tpu.memref_squeeze %dma_wait3A_74 : memref<1x!tpu.dma_semaphore, #tpu.memory_space<semaphore_mem>> -> memref<!tpu.dma_semaphore, #tpu.memory_space<semaphore_mem>>
    tpu.wait_indirect_dma semaphore(%dma_wait3A_75 : memref<!tpu.dma_semaphore, #tpu.memory_space<semaphore_mem>>) src(%dma_wait3A_73 : memref<57344x128xf32, #tpu.memory_space<hbm>>) dst(%dma_wait3A_67 : memref<128x128xf32, #tpu.memory_space<vmem>>)
    %add3A_76 = arith.constant 0 : i32
    %add3A_77 = arith.addi %mul3A_2, %add3A_76 : i32
    %dma_start3A_78 = arith.constant 0 : i32
    %dma_start3A_79 = arith.constant 0 : i32
    %dma_start3A_80 = arith.constant 0 : i32
    %dma_start3A_81 = arith.constant 0 : i32
    %dma_start3A_82 = tpu.memref_slice %arg6[%dma_start3A_78, %dma_start3A_80, %dma_start3A_81] : memref<4x128x128xf32, #tpu.memory_space<vmem>> -> memref<1x128x128xf32, #tpu.memory_space<vmem>>
    %dma_start3A_83 = tpu.memref_squeeze %dma_start3A_82 : memref<1x128x128xf32, #tpu.memory_space<vmem>> -> memref<128x128xf32, #tpu.memory_space<vmem>>
    %dma_start3A_84 = arith.constant 0 : i32
    %dma_start3A_85 = tpu.memref_slice %arg4[%add3A_77, %dma_start3A_84] : memref<16384x128xf32, #tpu.memory_space<hbm>> -> memref<128x128xf32, #tpu.memory_space<hbm>>
    %dma_start3A_86 = tpu.memref_slice %arg8[%dma_start3A_79] : memref<4x!tpu.dma_semaphore, #tpu.memory_space<semaphore_mem>> -> memref<1x!tpu.dma_semaphore, #tpu.memory_space<semaphore_mem>>
    %dma_start3A_87 = tpu.memref_squeeze %dma_start3A_86 : memref<1x!tpu.dma_semaphore, #tpu.memory_space<semaphore_mem>> -> memref<!tpu.dma_semaphore, #tpu.memory_space<semaphore_mem>>
    %dma_start3A_88 = arith.constant 0 : i32
    %dma_start3A_89 = tpu.memref_slice %arg4[%add3A_77, %dma_start3A_88] : memref<16384x128xf32, #tpu.memory_space<hbm>> -> memref<128x128xf32, #tpu.memory_space<hbm>>
    %dma_start3A_90 = arith.constant 0 : i32
    %dma_start3A_91 = arith.constant 0 : i32
    %dma_start3A_92 = tpu.memref_slice %arg6[%dma_start3A_78, %dma_start3A_90, %dma_start3A_91] : memref<4x128x128xf32, #tpu.memory_space<vmem>> -> memref<1x128x128xf32, #tpu.memory_space<vmem>>
    %dma_start3A_93 = tpu.memref_squeeze %dma_start3A_92 : memref<1x128x128xf32, #tpu.memory_space<vmem>> -> memref<128x128xf32, #tpu.memory_space<vmem>>
    tpu.enqueue_dma source(%dma_start3A_93 : memref<128x128xf32, #tpu.memory_space<vmem>>) target(%dma_start3A_89 : memref<128x128xf32, #tpu.memory_space<hbm>>) target_semaphore(%dma_start3A_87 : memref<!tpu.dma_semaphore, #tpu.memory_space<semaphore_mem>>)
    %dma_wait3A_94 = arith.constant 1 : i32
    %dma_wait3A_95 = arith.constant 1 : i32
    %dma_wait3A_96 = arith.constant 1 : i32
    %dma_wait3A_97 = arith.constant 0 : i32
    %dma_wait3A_98 = arith.constant 0 : i32
    %dma_wait3A_99 = tpu.memref_slice %arg6[%dma_wait3A_95, %dma_wait3A_97, %dma_wait3A_98] : memref<4x128x128xf32, #tpu.memory_space<vmem>> -> memref<1x128x128xf32, #tpu.memory_space<vmem>>
    %dma_wait3A_100 = tpu.memref_squeeze %dma_wait3A_99 : memref<1x128x128xf32, #tpu.memory_space<vmem>> -> memref<128x128xf32, #tpu.memory_space<vmem>>
    %dma_wait3A_101 = arith.constant 0 : i32
    %dma_wait3A_102 = tpu.memref_slice %arg5[%dma_wait3A_94, %dma_wait3A_101] : memref<8x128xi32, #tpu.memory_space<vmem>> -> memref<1x128xi32, #tpu.memory_space<vmem>>
    %dma_wait3A_103 = tpu.memref_squeeze %dma_wait3A_102 : memref<1x128xi32, #tpu.memory_space<vmem>> -> memref<128xi32, #tpu.memory_space<vmem>>
    %dma_wait3A_104 = arith.constant 0 : i32
    %dma_wait3A_105 = arith.constant 0 : i32
    %dma_wait3A_106 = tpu.memref_slice %arg3[%dma_wait3A_104, %dma_wait3A_105] : memref<57344x128xf32, #tpu.memory_space<hbm>> -> memref<57344x128xf32, #tpu.memory_space<hbm>>
    %dma_wait3A_107 = tpu.memref_slice %arg7[%dma_wait3A_96] : memref<4x!tpu.dma_semaphore, #tpu.memory_space<semaphore_mem>> -> memref<1x!tpu.dma_semaphore, #tpu.memory_space<semaphore_mem>>
    %dma_wait3A_108 = tpu.memref_squeeze %dma_wait3A_107 : memref<1x!tpu.dma_semaphore, #tpu.memory_space<semaphore_mem>> -> memref<!tpu.dma_semaphore, #tpu.memory_space<semaphore_mem>>
    tpu.wait_indirect_dma semaphore(%dma_wait3A_108 : memref<!tpu.dma_semaphore, #tpu.memory_space<semaphore_mem>>) src(%dma_wait3A_106 : memref<57344x128xf32, #tpu.memory_space<hbm>>) dst(%dma_wait3A_100 : memref<128x128xf32, #tpu.memory_space<vmem>>)
    %add3A_109 = arith.constant 128 : i32
    %add3A_110 = arith.addi %mul3A_2, %add3A_109 : i32
    %dma_start3A_111 = arith.constant 1 : i32
    %dma_start3A_112 = arith.constant 1 : i32
    %dma_start3A_113 = arith.constant 0 : i32
    %dma_start3A_114 = arith.constant 0 : i32
    %dma_start3A_115 = tpu.memref_slice %arg6[%dma_start3A_111, %dma_start3A_113, %dma_start3A_114] : memref<4x128x128xf32, #tpu.memory_space<vmem>> -> memref<1x128x128xf32, #tpu.memory_space<vmem>>
    %dma_start3A_116 = tpu.memref_squeeze %dma_start3A_115 : memref<1x128x128xf32, #tpu.memory_space<vmem>> -> memref<128x128xf32, #tpu.memory_space<vmem>>
    %dma_start3A_117 = arith.constant 0 : i32
    %dma_start3A_118 = tpu.memref_slice %arg4[%add3A_110, %dma_start3A_117] : memref<16384x128xf32, #tpu.memory_space<hbm>> -> memref<128x128xf32, #tpu.memory_space<hbm>>
    %dma_start3A_119 = tpu.memref_slice %arg8[%dma_start3A_112] : memref<4x!tpu.dma_semaphore, #tpu.memory_space<semaphore_mem>> -> memref<1x!tpu.dma_semaphore, #tpu.memory_space<semaphore_mem>>
    %dma_start3A_120 = tpu.memref_squeeze %dma_start3A_119 : memref<1x!tpu.dma_semaphore, #tpu.memory_space<semaphore_mem>> -> memref<!tpu.dma_semaphore, #tpu.memory_space<semaphore_mem>>
    %dma_start3A_121 = arith.constant 0 : i32
    %dma_start3A_122 = tpu.memref_slice %arg4[%add3A_110, %dma_start3A_121] : memref<16384x128xf32, #tpu.memory_space<hbm>> -> memref<128x128xf32, #tpu.memory_space<hbm>>
    %dma_start3A_123 = arith.constant 0 : i32
    %dma_start3A_124 = arith.constant 0 : i32
    %dma_start3A_125 = tpu.memref_slice %arg6[%dma_start3A_111, %dma_start3A_123, %dma_start3A_124] : memref<4x128x128xf32, #tpu.memory_space<vmem>> -> memref<1x128x128xf32, #tpu.memory_space<vmem>>
    %dma_start3A_126 = tpu.memref_squeeze %dma_start3A_125 : memref<1x128x128xf32, #tpu.memory_space<vmem>> -> memref<128x128xf32, #tpu.memory_space<vmem>>
    tpu.enqueue_dma source(%dma_start3A_126 : memref<128x128xf32, #tpu.memory_space<vmem>>) target(%dma_start3A_122 : memref<128x128xf32, #tpu.memory_space<hbm>>) target_semaphore(%dma_start3A_120 : memref<!tpu.dma_semaphore, #tpu.memory_space<semaphore_mem>>)
    %dma_wait3A_127 = arith.constant 2 : i32
    %dma_wait3A_128 = arith.constant 2 : i32
    %dma_wait3A_129 = arith.constant 2 : i32
    %dma_wait3A_130 = arith.constant 0 : i32
    %dma_wait3A_131 = arith.constant 0 : i32
    %dma_wait3A_132 = tpu.memref_slice %arg6[%dma_wait3A_128, %dma_wait3A_130, %dma_wait3A_131] : memref<4x128x128xf32, #tpu.memory_space<vmem>> -> memref<1x128x128xf32, #tpu.memory_space<vmem>>
    %dma_wait3A_133 = tpu.memref_squeeze %dma_wait3A_132 : memref<1x128x128xf32, #tpu.memory_space<vmem>> -> memref<128x128xf32, #tpu.memory_space<vmem>>
    %dma_wait3A_134 = arith.constant 0 : i32
    %dma_wait3A_135 = tpu.memref_slice %arg5[%dma_wait3A_127, %dma_wait3A_134] : memref<8x128xi32, #tpu.memory_space<vmem>> -> memref<1x128xi32, #tpu.memory_space<vmem>>
    %dma_wait3A_136 = tpu.memref_squeeze %dma_wait3A_135 : memref<1x128xi32, #tpu.memory_space<vmem>> -> memref<128xi32, #tpu.memory_space<vmem>>
    %dma_wait3A_137 = arith.constant 0 : i32
    %dma_wait3A_138 = arith.constant 0 : i32
    %dma_wait3A_139 = tpu.memref_slice %arg3[%dma_wait3A_137, %dma_wait3A_138] : memref<57344x128xf32, #tpu.memory_space<hbm>> -> memref<57344x128xf32, #tpu.memory_space<hbm>>
    %dma_wait3A_140 = tpu.memref_slice %arg7[%dma_wait3A_129] : memref<4x!tpu.dma_semaphore, #tpu.memory_space<semaphore_mem>> -> memref<1x!tpu.dma_semaphore, #tpu.memory_space<semaphore_mem>>
    %dma_wait3A_141 = tpu.memref_squeeze %dma_wait3A_140 : memref<1x!tpu.dma_semaphore, #tpu.memory_space<semaphore_mem>> -> memref<!tpu.dma_semaphore, #tpu.memory_space<semaphore_mem>>
    tpu.wait_indirect_dma semaphore(%dma_wait3A_141 : memref<!tpu.dma_semaphore, #tpu.memory_space<semaphore_mem>>) src(%dma_wait3A_139 : memref<57344x128xf32, #tpu.memory_space<hbm>>) dst(%dma_wait3A_133 : memref<128x128xf32, #tpu.memory_space<vmem>>)
    %add3A_142 = arith.constant 256 : i32
    %add3A_143 = arith.addi %mul3A_2, %add3A_142 : i32
    %dma_start3A_144 = arith.constant 2 : i32
    %dma_start3A_145 = arith.constant 2 : i32
    %dma_start3A_146 = arith.constant 0 : i32
    %dma_start3A_147 = arith.constant 0 : i32
    %dma_start3A_148 = tpu.memref_slice %arg6[%dma_start3A_144, %dma_start3A_146, %dma_start3A_147] : memref<4x128x128xf32, #tpu.memory_space<vmem>> -> memref<1x128x128xf32, #tpu.memory_space<vmem>>
    %dma_start3A_149 = tpu.memref_squeeze %dma_start3A_148 : memref<1x128x128xf32, #tpu.memory_space<vmem>> -> memref<128x128xf32, #tpu.memory_space<vmem>>
    %dma_start3A_150 = arith.constant 0 : i32
    %dma_start3A_151 = tpu.memref_slice %arg4[%add3A_143, %dma_start3A_150] : memref<16384x128xf32, #tpu.memory_space<hbm>> -> memref<128x128xf32, #tpu.memory_space<hbm>>
    %dma_start3A_152 = tpu.memref_slice %arg8[%dma_start3A_145] : memref<4x!tpu.dma_semaphore, #tpu.memory_space<semaphore_mem>> -> memref<1x!tpu.dma_semaphore, #tpu.memory_space<semaphore_mem>>
    %dma_start3A_153 = tpu.memref_squeeze %dma_start3A_152 : memref<1x!tpu.dma_semaphore, #tpu.memory_space<semaphore_mem>> -> memref<!tpu.dma_semaphore, #tpu.memory_space<semaphore_mem>>
    %dma_start3A_154 = arith.constant 0 : i32
    %dma_start3A_155 = tpu.memref_slice %arg4[%add3A_143, %dma_start3A_154] : memref<16384x128xf32, #tpu.memory_space<hbm>> -> memref<128x128xf32, #tpu.memory_space<hbm>>
    %dma_start3A_156 = arith.constant 0 : i32
    %dma_start3A_157 = arith.constant 0 : i32
    %dma_start3A_158 = tpu.memref_slice %arg6[%dma_start3A_144, %dma_start3A_156, %dma_start3A_157] : memref<4x128x128xf32, #tpu.memory_space<vmem>> -> memref<1x128x128xf32, #tpu.memory_space<vmem>>
    %dma_start3A_159 = tpu.memref_squeeze %dma_start3A_158 : memref<1x128x128xf32, #tpu.memory_space<vmem>> -> memref<128x128xf32, #tpu.memory_space<vmem>>
    tpu.enqueue_dma source(%dma_start3A_159 : memref<128x128xf32, #tpu.memory_space<vmem>>) target(%dma_start3A_155 : memref<128x128xf32, #tpu.memory_space<hbm>>) target_semaphore(%dma_start3A_153 : memref<!tpu.dma_semaphore, #tpu.memory_space<semaphore_mem>>)
    %dma_wait3A_160 = arith.constant 3 : i32
    %dma_wait3A_161 = arith.constant 3 : i32
    %dma_wait3A_162 = arith.constant 3 : i32
    %dma_wait3A_163 = arith.constant 0 : i32
    %dma_wait3A_164 = arith.constant 0 : i32
    %dma_wait3A_165 = tpu.memref_slice %arg6[%dma_wait3A_161, %dma_wait3A_163, %dma_wait3A_164] : memref<4x128x128xf32, #tpu.memory_space<vmem>> -> memref<1x128x128xf32, #tpu.memory_space<vmem>>
    %dma_wait3A_166 = tpu.memref_squeeze %dma_wait3A_165 : memref<1x128x128xf32, #tpu.memory_space<vmem>> -> memref<128x128xf32, #tpu.memory_space<vmem>>
    %dma_wait3A_167 = arith.constant 0 : i32
    %dma_wait3A_168 = tpu.memref_slice %arg5[%dma_wait3A_160, %dma_wait3A_167] : memref<8x128xi32, #tpu.memory_space<vmem>> -> memref<1x128xi32, #tpu.memory_space<vmem>>
    %dma_wait3A_169 = tpu.memref_squeeze %dma_wait3A_168 : memref<1x128xi32, #tpu.memory_space<vmem>> -> memref<128xi32, #tpu.memory_space<vmem>>
    %dma_wait3A_170 = arith.constant 0 : i32
    %dma_wait3A_171 = arith.constant 0 : i32
    %dma_wait3A_172 = tpu.memref_slice %arg3[%dma_wait3A_170, %dma_wait3A_171] : memref<57344x128xf32, #tpu.memory_space<hbm>> -> memref<57344x128xf32, #tpu.memory_space<hbm>>
    %dma_wait3A_173 = tpu.memref_slice %arg7[%dma_wait3A_162] : memref<4x!tpu.dma_semaphore, #tpu.memory_space<semaphore_mem>> -> memref<1x!tpu.dma_semaphore, #tpu.memory_space<semaphore_mem>>
    %dma_wait3A_174 = tpu.memref_squeeze %dma_wait3A_173 : memref<1x!tpu.dma_semaphore, #tpu.memory_space<semaphore_mem>> -> memref<!tpu.dma_semaphore, #tpu.memory_space<semaphore_mem>>
    tpu.wait_indirect_dma semaphore(%dma_wait3A_174 : memref<!tpu.dma_semaphore, #tpu.memory_space<semaphore_mem>>) src(%dma_wait3A_172 : memref<57344x128xf32, #tpu.memory_space<hbm>>) dst(%dma_wait3A_166 : memref<128x128xf32, #tpu.memory_space<vmem>>)
    %add3A_175 = arith.constant 384 : i32
    %add3A_176 = arith.addi %mul3A_2, %add3A_175 : i32
    %dma_start3A_177 = arith.constant 3 : i32
    %dma_start3A_178 = arith.constant 3 : i32
    %dma_start3A_179 = arith.constant 0 : i32
    %dma_start3A_180 = arith.constant 0 : i32
    %dma_start3A_181 = tpu.memref_slice %arg6[%dma_start3A_177, %dma_start3A_179, %dma_start3A_180] : memref<4x128x128xf32, #tpu.memory_space<vmem>> -> memref<1x128x128xf32, #tpu.memory_space<vmem>>
    %dma_start3A_182 = tpu.memref_squeeze %dma_start3A_181 : memref<1x128x128xf32, #tpu.memory_space<vmem>> -> memref<128x128xf32, #tpu.memory_space<vmem>>
    %dma_start3A_183 = arith.constant 0 : i32
    %dma_start3A_184 = tpu.memref_slice %arg4[%add3A_176, %dma_start3A_183] : memref<16384x128xf32, #tpu.memory_space<hbm>> -> memref<128x128xf32, #tpu.memory_space<hbm>>
    %dma_start3A_185 = tpu.memref_slice %arg8[%dma_start3A_178] : memref<4x!tpu.dma_semaphore, #tpu.memory_space<semaphore_mem>> -> memref<1x!tpu.dma_semaphore, #tpu.memory_space<semaphore_mem>>
    %dma_start3A_186 = tpu.memref_squeeze %dma_start3A_185 : memref<1x!tpu.dma_semaphore, #tpu.memory_space<semaphore_mem>> -> memref<!tpu.dma_semaphore, #tpu.memory_space<semaphore_mem>>
    %dma_start3A_187 = arith.constant 0 : i32
    %dma_start3A_188 = tpu.memref_slice %arg4[%add3A_176, %dma_start3A_187] : memref<16384x128xf32, #tpu.memory_space<hbm>> -> memref<128x128xf32, #tpu.memory_space<hbm>>
    %dma_start3A_189 = arith.constant 0 : i32
    %dma_start3A_190 = arith.constant 0 : i32
    %dma_start3A_191 = tpu.memref_slice %arg6[%dma_start3A_177, %dma_start3A_189, %dma_start3A_190] : memref<4x128x128xf32, #tpu.memory_space<vmem>> -> memref<1x128x128xf32, #tpu.memory_space<vmem>>
    %dma_start3A_192 = tpu.memref_squeeze %dma_start3A_191 : memref<1x128x128xf32, #tpu.memory_space<vmem>> -> memref<128x128xf32, #tpu.memory_space<vmem>>
    tpu.enqueue_dma source(%dma_start3A_192 : memref<128x128xf32, #tpu.memory_space<vmem>>) target(%dma_start3A_188 : memref<128x128xf32, #tpu.memory_space<hbm>>) target_semaphore(%dma_start3A_186 : memref<!tpu.dma_semaphore, #tpu.memory_space<semaphore_mem>>)
    %dma_wait3A_193 = arith.constant 0 : i32
    %dma_wait3A_194 = arith.constant 0 : i32
    %dma_wait3A_195 = arith.constant 0 : i32
    %dma_wait3A_196 = arith.constant 0 : i32
    %dma_wait3A_197 = tpu.memref_slice %arg6[%dma_wait3A_193, %dma_wait3A_195, %dma_wait3A_196] : memref<4x128x128xf32, #tpu.memory_space<vmem>> -> memref<1x128x128xf32, #tpu.memory_space<vmem>>
    %dma_wait3A_198 = tpu.memref_squeeze %dma_wait3A_197 : memref<1x128x128xf32, #tpu.memory_space<vmem>> -> memref<128x128xf32, #tpu.memory_space<vmem>>
    %dma_wait3A_199 = arith.constant 0 : i32
    %dma_wait3A_200 = tpu.memref_slice %arg4[%add3A_77, %dma_wait3A_199] : memref<16384x128xf32, #tpu.memory_space<hbm>> -> memref<128x128xf32, #tpu.memory_space<hbm>>
    %dma_wait3A_201 = tpu.memref_slice %arg8[%dma_wait3A_194] : memref<4x!tpu.dma_semaphore, #tpu.memory_space<semaphore_mem>> -> memref<1x!tpu.dma_semaphore, #tpu.memory_space<semaphore_mem>>
    %dma_wait3A_202 = tpu.memref_squeeze %dma_wait3A_201 : memref<1x!tpu.dma_semaphore, #tpu.memory_space<semaphore_mem>> -> memref<!tpu.dma_semaphore, #tpu.memory_space<semaphore_mem>>
    %dma_wait3A_203 = arith.constant 0 : i32
    %dma_wait3A_204 = tpu.memref_slice %arg4[%add3A_77, %dma_wait3A_203] : memref<16384x128xf32, #tpu.memory_space<hbm>> -> memref<128x128xf32, #tpu.memory_space<hbm>>
    %dma_wait3A_205 = arith.constant 0 : i32
    %dma_wait3A_206 = arith.constant 0 : i32
    %dma_wait3A_207 = tpu.memref_slice %arg6[%dma_wait3A_193, %dma_wait3A_205, %dma_wait3A_206] : memref<4x128x128xf32, #tpu.memory_space<vmem>> -> memref<1x128x128xf32, #tpu.memory_space<vmem>>
    %dma_wait3A_208 = tpu.memref_squeeze %dma_wait3A_207 : memref<1x128x128xf32, #tpu.memory_space<vmem>> -> memref<128x128xf32, #tpu.memory_space<vmem>>
    tpu.wait_dma2 semaphore(%dma_wait3A_202 : memref<!tpu.dma_semaphore, #tpu.memory_space<semaphore_mem>>) src(%dma_wait3A_208 : memref<128x128xf32, #tpu.memory_space<vmem>>) dst(%dma_wait3A_204 : memref<128x128xf32, #tpu.memory_space<hbm>>)
    %dma_wait3A_209 = arith.constant 1 : i32
    %dma_wait3A_210 = arith.constant 1 : i32
    %dma_wait3A_211 = arith.constant 0 : i32
    %dma_wait3A_212 = arith.constant 0 : i32
    %dma_wait3A_213 = tpu.memref_slice %arg6[%dma_wait3A_209, %dma_wait3A_211, %dma_wait3A_212] : memref<4x128x128xf32, #tpu.memory_space<vmem>> -> memref<1x128x128xf32, #tpu.memory_space<vmem>>
    %dma_wait3A_214 = tpu.memref_squeeze %dma_wait3A_213 : memref<1x128x128xf32, #tpu.memory_space<vmem>> -> memref<128x128xf32, #tpu.memory_space<vmem>>
    %dma_wait3A_215 = arith.constant 0 : i32
    %dma_wait3A_216 = tpu.memref_slice %arg4[%add3A_110, %dma_wait3A_215] : memref<16384x128xf32, #tpu.memory_space<hbm>> -> memref<128x128xf32, #tpu.memory_space<hbm>>
    %dma_wait3A_217 = tpu.memref_slice %arg8[%dma_wait3A_210] : memref<4x!tpu.dma_semaphore, #tpu.memory_space<semaphore_mem>> -> memref<1x!tpu.dma_semaphore, #tpu.memory_space<semaphore_mem>>
    %dma_wait3A_218 = tpu.memref_squeeze %dma_wait3A_217 : memref<1x!tpu.dma_semaphore, #tpu.memory_space<semaphore_mem>> -> memref<!tpu.dma_semaphore, #tpu.memory_space<semaphore_mem>>
    %dma_wait3A_219 = arith.constant 0 : i32
    %dma_wait3A_220 = tpu.memref_slice %arg4[%add3A_110, %dma_wait3A_219] : memref<16384x128xf32, #tpu.memory_space<hbm>> -> memref<128x128xf32, #tpu.memory_space<hbm>>
    %dma_wait3A_221 = arith.constant 0 : i32
    %dma_wait3A_222 = arith.constant 0 : i32
    %dma_wait3A_223 = tpu.memref_slice %arg6[%dma_wait3A_209, %dma_wait3A_221, %dma_wait3A_222] : memref<4x128x128xf32, #tpu.memory_space<vmem>> -> memref<1x128x128xf32, #tpu.memory_space<vmem>>
    %dma_wait3A_224 = tpu.memref_squeeze %dma_wait3A_223 : memref<1x128x128xf32, #tpu.memory_space<vmem>> -> memref<128x128xf32, #tpu.memory_space<vmem>>
    tpu.wait_dma2 semaphore(%dma_wait3A_218 : memref<!tpu.dma_semaphore, #tpu.memory_space<semaphore_mem>>) src(%dma_wait3A_224 : memref<128x128xf32, #tpu.memory_space<vmem>>) dst(%dma_wait3A_220 : memref<128x128xf32, #tpu.memory_space<hbm>>)
    %dma_wait3A_225 = arith.constant 2 : i32
    %dma_wait3A_226 = arith.constant 2 : i32
    %dma_wait3A_227 = arith.constant 0 : i32
    %dma_wait3A_228 = arith.constant 0 : i32
    %dma_wait3A_229 = tpu.memref_slice %arg6[%dma_wait3A_225, %dma_wait3A_227, %dma_wait3A_228] : memref<4x128x128xf32, #tpu.memory_space<vmem>> -> memref<1x128x128xf32, #tpu.memory_space<vmem>>
    %dma_wait3A_230 = tpu.memref_squeeze %dma_wait3A_229 : memref<1x128x128xf32, #tpu.memory_space<vmem>> -> memref<128x128xf32, #tpu.memory_space<vmem>>
    %dma_wait3A_231 = arith.constant 0 : i32
    %dma_wait3A_232 = tpu.memref_slice %arg4[%add3A_143, %dma_wait3A_231] : memref<16384x128xf32, #tpu.memory_space<hbm>> -> memref<128x128xf32, #tpu.memory_space<hbm>>
    %dma_wait3A_233 = tpu.memref_slice %arg8[%dma_wait3A_226] : memref<4x!tpu.dma_semaphore, #tpu.memory_space<semaphore_mem>> -> memref<1x!tpu.dma_semaphore, #tpu.memory_space<semaphore_mem>>
    %dma_wait3A_234 = tpu.memref_squeeze %dma_wait3A_233 : memref<1x!tpu.dma_semaphore, #tpu.memory_space<semaphore_mem>> -> memref<!tpu.dma_semaphore, #tpu.memory_space<semaphore_mem>>
    %dma_wait3A_235 = arith.constant 0 : i32
    %dma_wait3A_236 = tpu.memref_slice %arg4[%add3A_143, %dma_wait3A_235] : memref<16384x128xf32, #tpu.memory_space<hbm>> -> memref<128x128xf32, #tpu.memory_space<hbm>>
    %dma_wait3A_237 = arith.constant 0 : i32
    %dma_wait3A_238 = arith.constant 0 : i32
    %dma_wait3A_239 = tpu.memref_slice %arg6[%dma_wait3A_225, %dma_wait3A_237, %dma_wait3A_238] : memref<4x128x128xf32, #tpu.memory_space<vmem>> -> memref<1x128x128xf32, #tpu.memory_space<vmem>>
    %dma_wait3A_240 = tpu.memref_squeeze %dma_wait3A_239 : memref<1x128x128xf32, #tpu.memory_space<vmem>> -> memref<128x128xf32, #tpu.memory_space<vmem>>
    tpu.wait_dma2 semaphore(%dma_wait3A_234 : memref<!tpu.dma_semaphore, #tpu.memory_space<semaphore_mem>>) src(%dma_wait3A_240 : memref<128x128xf32, #tpu.memory_space<vmem>>) dst(%dma_wait3A_236 : memref<128x128xf32, #tpu.memory_space<hbm>>)
    %dma_wait3A_241 = arith.constant 3 : i32
    %dma_wait3A_242 = arith.constant 3 : i32
    %dma_wait3A_243 = arith.constant 0 : i32
    %dma_wait3A_244 = arith.constant 0 : i32
    %dma_wait3A_245 = tpu.memref_slice %arg6[%dma_wait3A_241, %dma_wait3A_243, %dma_wait3A_244] : memref<4x128x128xf32, #tpu.memory_space<vmem>> -> memref<1x128x128xf32, #tpu.memory_space<vmem>>
    %dma_wait3A_246 = tpu.memref_squeeze %dma_wait3A_245 : memref<1x128x128xf32, #tpu.memory_space<vmem>> -> memref<128x128xf32, #tpu.memory_space<vmem>>
    %dma_wait3A_247 = arith.constant 0 : i32
    %dma_wait3A_248 = tpu.memref_slice %arg4[%add3A_176, %dma_wait3A_247] : memref<16384x128xf32, #tpu.memory_space<hbm>> -> memref<128x128xf32, #tpu.memory_space<hbm>>
    %dma_wait3A_249 = tpu.memref_slice %arg8[%dma_wait3A_242] : memref<4x!tpu.dma_semaphore, #tpu.memory_space<semaphore_mem>> -> memref<1x!tpu.dma_semaphore, #tpu.memory_space<semaphore_mem>>
    %dma_wait3A_250 = tpu.memref_squeeze %dma_wait3A_249 : memref<1x!tpu.dma_semaphore, #tpu.memory_space<semaphore_mem>> -> memref<!tpu.dma_semaphore, #tpu.memory_space<semaphore_mem>>
    %dma_wait3A_251 = arith.constant 0 : i32
    %dma_wait3A_252 = tpu.memref_slice %arg4[%add3A_176, %dma_wait3A_251] : memref<16384x128xf32, #tpu.memory_space<hbm>> -> memref<128x128xf32, #tpu.memory_space<hbm>>
    %dma_wait3A_253 = arith.constant 0 : i32
    %dma_wait3A_254 = arith.constant 0 : i32
    %dma_wait3A_255 = tpu.memref_slice %arg6[%dma_wait3A_241, %dma_wait3A_253, %dma_wait3A_254] : memref<4x128x128xf32, #tpu.memory_space<vmem>> -> memref<1x128x128xf32, #tpu.memory_space<vmem>>
    %dma_wait3A_256 = tpu.memref_squeeze %dma_wait3A_255 : memref<1x128x128xf32, #tpu.memory_space<vmem>> -> memref<128x128xf32, #tpu.memory_space<vmem>>
    tpu.wait_dma2 semaphore(%dma_wait3A_250 : memref<!tpu.dma_semaphore, #tpu.memory_space<semaphore_mem>>) src(%dma_wait3A_256 : memref<128x128xf32, #tpu.memory_space<vmem>>) dst(%dma_wait3A_252 : memref<128x128xf32, #tpu.memory_space<hbm>>)
    return
  }
}

#map = affine_map<(d0, d1) -> (0, 0, 0)>
#map1 = affine_map<(d0, d1) -> (0, 0)>
module attributes {stable_mosaic.version = 14 : i64} {
  func.func @sc_gather(%arg0: i32, %arg1: i32, %arg2: memref<32x8x128xi32, #tpu.memory_space<hbm>>, %arg3: memref<57344x128xf32, #tpu.memory_space<hbm>>, %arg4: memref<16384x128xf32, #tpu.memory_space<hbm>>, %arg5: memref<8x128xi32, #tpu.memory_space<vmem>>, %arg6: memref<4x128x128xf32, #tpu.memory_space<vmem>>, %arg7: memref<4x!tpu.dma_semaphore, #tpu.memory_space<semaphore_mem>>, %arg8: memref<4x!tpu.dma_semaphore, #tpu.memory_space<semaphore_mem>>) attributes {dimension_semantics = [#tpu.dimension_semantics<core_parallel>, #tpu.dimension_semantics<subcore_parallel>], iteration_bounds = array<i64: 2, 16>, scalar_prefetch = 0 : i64, scratch_operands = 4 : i64, tpu.core_type = #tpu.core_type<sc_vector_subcore>, window_params = [{transform_indices = #map}, {transform_indices = #map1}, {transform_indices = #map1}]} {
    %mul3A = arith.constant 2 : i32
    %mul3A_0 = arith.muli %arg1, %mul3A : i32
    %add3A = arith.addi %mul3A_0, %arg0 : i32
    %mul3A_1 = arith.constant 512 : i32
    %mul3A_2 = arith.muli %add3A, %mul3A_1 : i32
    "tpu.region"() ({
      %run_scoped3A = tpu.sem_alloc : memref<!tpu.dma_semaphore, #tpu.memory_space<semaphore_mem>>
      %dma_start3A_257 = arith.constant 0 : i32
      %dma_start3A_258 = arith.constant 0 : i32
      %dma_start3A_259 = tpu.memref_slice %arg2[%add3A, %dma_start3A_257, %dma_start3A_258] : memref<32x8x128xi32, #tpu.memory_space<hbm>> -> memref<1x8x128xi32, #tpu.memory_space<hbm>>
      %dma_start3A_260 = tpu.memref_squeeze %dma_start3A_259 : memref<1x8x128xi32, #tpu.memory_space<hbm>> -> memref<8x128xi32, #tpu.memory_space<hbm>>
      %dma_start3A_261 = arith.constant 0 : i32
      %dma_start3A_262 = arith.constant 0 : i32
      %dma_start3A_263 = tpu.memref_slice %arg2[%add3A, %dma_start3A_261, %dma_start3A_262] : memref<32x8x128xi32, #tpu.memory_space<hbm>> -> memref<1x8x128xi32, #tpu.memory_space<hbm>>
      %dma_start3A_264 = tpu.memref_squeeze %dma_start3A_263 : memref<1x8x128xi32, #tpu.memory_space<hbm>> -> memref<8x128xi32, #tpu.memory_space<hbm>>
      tpu.enqueue_dma source(%dma_start3A_264 : memref<8x128xi32, #tpu.memory_space<hbm>>) target(%arg5 : memref<8x128xi32, #tpu.memory_space<vmem>>) target_semaphore(%run_scoped3A : memref<!tpu.dma_semaphore, #tpu.memory_space<semaphore_mem>>)
      %dma_wait3A_265 = arith.constant 0 : i32
      %dma_wait3A_266 = arith.constant 0 : i32
      %dma_wait3A_267 = tpu.memref_slice %arg2[%add3A, %dma_wait3A_265, %dma_wait3A_266] : memref<32x8x128xi32, #tpu.memory_space<hbm>> -> memref<1x8x128xi32, #tpu.memory_space<hbm>>
      %dma_wait3A_268 = tpu.memref_squeeze %dma_wait3A_267 : memref<1x8x128xi32, #tpu.memory_space<hbm>> -> memref<8x128xi32, #tpu.memory_space<hbm>>
      %dma_wait3A_269 = arith.constant 0 : i32
      %dma_wait3A_270 = arith.constant 0 : i32
      %dma_wait3A_271 = tpu.memref_slice %arg2[%add3A, %dma_wait3A_269, %dma_wait3A_270] : memref<32x8x128xi32, #tpu.memory_space<hbm>> -> memref<1x8x128xi32, #tpu.memory_space<hbm>>
      %dma_wait3A_272 = tpu.memref_squeeze %dma_wait3A_271 : memref<1x8x128xi32, #tpu.memory_space<hbm>> -> memref<8x128xi32, #tpu.memory_space<hbm>>
      tpu.wait_dma2 semaphore(%run_scoped3A : memref<!tpu.dma_semaphore, #tpu.memory_space<semaphore_mem>>) src(%dma_wait3A_272 : memref<8x128xi32, #tpu.memory_space<hbm>>) dst(%arg5 : memref<8x128xi32, #tpu.memory_space<vmem>>)
      tpu.yield
    }) : () -> ()
    %dma_start3A = arith.constant 0 : i32
    %dma_start3A_3 = arith.constant 0 : i32
    %dma_start3A_4 = arith.constant 0 : i32
    %dma_start3A_5 = arith.constant 0 : i32
    %dma_start3A_6 = arith.constant 0 : i32
    %dma_start3A_7 = tpu.memref_slice %arg6[%dma_start3A_3, %dma_start3A_5, %dma_start3A_6] : memref<4x128x128xf32, #tpu.memory_space<vmem>> -> memref<1x128x128xf32, #tpu.memory_space<vmem>>
    %dma_start3A_8 = tpu.memref_squeeze %dma_start3A_7 : memref<1x128x128xf32, #tpu.memory_space<vmem>> -> memref<128x128xf32, #tpu.memory_space<vmem>>
    %dma_start3A_9 = arith.constant 0 : i32
    %dma_start3A_10 = tpu.memref_slice %arg5[%dma_start3A, %dma_start3A_9] : memref<8x128xi32, #tpu.memory_space<vmem>> -> memref<1x128xi32, #tpu.memory_space<vmem>>
    %dma_start3A_11 = tpu.memref_squeeze %dma_start3A_10 : memref<1x128xi32, #tpu.memory_space<vmem>> -> memref<128xi32, #tpu.memory_space<vmem>>
    %dma_start3A_12 = arith.constant 0 : i32
    %dma_start3A_13 = arith.constant 0 : i32
    %dma_start3A_14 = tpu.memref_slice %arg3[%dma_start3A_12, %dma_start3A_13] : memref<57344x128xf32, #tpu.memory_space<hbm>> -> memref<57344x128xf32, #tpu.memory_space<hbm>>
    %dma_start3A_15 = tpu.memref_slice %arg7[%dma_start3A_4] : memref<4x!tpu.dma_semaphore, #tpu.memory_space<semaphore_mem>> -> memref<1x!tpu.dma_semaphore, #tpu.memory_space<semaphore_mem>>
    %dma_start3A_16 = tpu.memref_squeeze %dma_start3A_15 : memref<1x!tpu.dma_semaphore, #tpu.memory_space<semaphore_mem>> -> memref<!tpu.dma_semaphore, #tpu.memory_space<semaphore_mem>>
    tpu.enqueue_indirect_dma source(%dma_start3A_14 : memref<57344x128xf32, #tpu.memory_space<hbm>>) target(%dma_start3A_8 : memref<128x128xf32, #tpu.memory_space<vmem>>) offsets(%dma_start3A_11 : memref<128xi32, #tpu.memory_space<vmem>>) semaphore(%dma_start3A_16 : memref<!tpu.dma_semaphore, #tpu.memory_space<semaphore_mem>>)
    %dma_start3A_17 = arith.constant 1 : i32
    %dma_start3A_18 = arith.constant 1 : i32
    %dma_start3A_19 = arith.constant 1 : i32
    %dma_start3A_20 = arith.constant 0 : i32
    %dma_start3A_21 = arith.constant 0 : i32
    %dma_start3A_22 = tpu.memref_slice %arg6[%dma_start3A_18, %dma_start3A_20, %dma_start3A_21] : memref<4x128x128xf32, #tpu.memory_space<vmem>> -> memref<1x128x128xf32, #tpu.memory_space<vmem>>
    %dma_start3A_23 = tpu.memref_squeeze %dma_start3A_22 : memref<1x128x128xf32, #tpu.memory_space<vmem>> -> memref<128x128xf32, #tpu.memory_space<vmem>>
    %dma_start3A_24 = arith.constant 0 : i32
    %dma_start3A_25 = tpu.memref_slice %arg5[%dma_start3A_17, %dma_start3A_24] : memref<8x128xi32, #tpu.memory_space<vmem>> -> memref<1x128xi32, #tpu.memory_space<vmem>>
    %dma_start3A_26 = tpu.memref_squeeze %dma_start3A_25 : memref<1x128xi32, #tpu.memory_space<vmem>> -> memref<128xi32, #tpu.memory_space<vmem>>
    %dma_start3A_27 = arith.constant 0 : i32
    %dma_start3A_28 = arith.constant 0 : i32
    %dma_start3A_29 = tpu.memref_slice %arg3[%dma_start3A_27, %dma_start3A_28] : memref<57344x128xf32, #tpu.memory_space<hbm>> -> memref<57344x128xf32, #tpu.memory_space<hbm>>
    %dma_start3A_30 = tpu.memref_slice %arg7[%dma_start3A_19] : memref<4x!tpu.dma_semaphore, #tpu.memory_space<semaphore_mem>> -> memref<1x!tpu.dma_semaphore, #tpu.memory_space<semaphore_mem>>
    %dma_start3A_31 = tpu.memref_squeeze %dma_start3A_30 : memref<1x!tpu.dma_semaphore, #tpu.memory_space<semaphore_mem>> -> memref<!tpu.dma_semaphore, #tpu.memory_space<semaphore_mem>>
    tpu.enqueue_indirect_dma source(%dma_start3A_29 : memref<57344x128xf32, #tpu.memory_space<hbm>>) target(%dma_start3A_23 : memref<128x128xf32, #tpu.memory_space<vmem>>) offsets(%dma_start3A_26 : memref<128xi32, #tpu.memory_space<vmem>>) semaphore(%dma_start3A_31 : memref<!tpu.dma_semaphore, #tpu.memory_space<semaphore_mem>>)
    %dma_start3A_32 = arith.constant 2 : i32
    %dma_start3A_33 = arith.constant 2 : i32
    %dma_start3A_34 = arith.constant 2 : i32
    %dma_start3A_35 = arith.constant 0 : i32
    %dma_start3A_36 = arith.constant 0 : i32
    %dma_start3A_37 = tpu.memref_slice %arg6[%dma_start3A_33, %dma_start3A_35, %dma_start3A_36] : memref<4x128x128xf32, #tpu.memory_space<vmem>> -> memref<1x128x128xf32, #tpu.memory_space<vmem>>
    %dma_start3A_38 = tpu.memref_squeeze %dma_start3A_37 : memref<1x128x128xf32, #tpu.memory_space<vmem>> -> memref<128x128xf32, #tpu.memory_space<vmem>>
    %dma_start3A_39 = arith.constant 0 : i32
    %dma_start3A_40 = tpu.memref_slice %arg5[%dma_start3A_32, %dma_start3A_39] : memref<8x128xi32, #tpu.memory_space<vmem>> -> memref<1x128xi32, #tpu.memory_space<vmem>>
    %dma_start3A_41 = tpu.memref_squeeze %dma_start3A_40 : memref<1x128xi32, #tpu.memory_space<vmem>> -> memref<128xi32, #tpu.memory_space<vmem>>
    %dma_start3A_42 = arith.constant 0 : i32
    %dma_start3A_43 = arith.constant 0 : i32
    %dma_start3A_44 = tpu.memref_slice %arg3[%dma_start3A_42, %dma_start3A_43] : memref<57344x128xf32, #tpu.memory_space<hbm>> -> memref<57344x128xf32, #tpu.memory_space<hbm>>
    %dma_start3A_45 = tpu.memref_slice %arg7[%dma_start3A_34] : memref<4x!tpu.dma_semaphore, #tpu.memory_space<semaphore_mem>> -> memref<1x!tpu.dma_semaphore, #tpu.memory_space<semaphore_mem>>
    %dma_start3A_46 = tpu.memref_squeeze %dma_start3A_45 : memref<1x!tpu.dma_semaphore, #tpu.memory_space<semaphore_mem>> -> memref<!tpu.dma_semaphore, #tpu.memory_space<semaphore_mem>>
    tpu.enqueue_indirect_dma source(%dma_start3A_44 : memref<57344x128xf32, #tpu.memory_space<hbm>>) target(%dma_start3A_38 : memref<128x128xf32, #tpu.memory_space<vmem>>) offsets(%dma_start3A_41 : memref<128xi32, #tpu.memory_space<vmem>>) semaphore(%dma_start3A_46 : memref<!tpu.dma_semaphore, #tpu.memory_space<semaphore_mem>>)
    %dma_start3A_47 = arith.constant 3 : i32
    %dma_start3A_48 = arith.constant 3 : i32
    %dma_start3A_49 = arith.constant 3 : i32
    %dma_start3A_50 = arith.constant 0 : i32
    %dma_start3A_51 = arith.constant 0 : i32
    %dma_start3A_52 = tpu.memref_slice %arg6[%dma_start3A_48, %dma_start3A_50, %dma_start3A_51] : memref<4x128x128xf32, #tpu.memory_space<vmem>> -> memref<1x128x128xf32, #tpu.memory_space<vmem>>
    %dma_start3A_53 = tpu.memref_squeeze %dma_start3A_52 : memref<1x128x128xf32, #tpu.memory_space<vmem>> -> memref<128x128xf32, #tpu.memory_space<vmem>>
    %dma_start3A_54 = arith.constant 0 : i32
    %dma_start3A_55 = tpu.memref_slice %arg5[%dma_start3A_47, %dma_start3A_54] : memref<8x128xi32, #tpu.memory_space<vmem>> -> memref<1x128xi32, #tpu.memory_space<vmem>>
    %dma_start3A_56 = tpu.memref_squeeze %dma_start3A_55 : memref<1x128xi32, #tpu.memory_space<vmem>> -> memref<128xi32, #tpu.memory_space<vmem>>
    %dma_start3A_57 = arith.constant 0 : i32
    %dma_start3A_58 = arith.constant 0 : i32
    %dma_start3A_59 = tpu.memref_slice %arg3[%dma_start3A_57, %dma_start3A_58] : memref<57344x128xf32, #tpu.memory_space<hbm>> -> memref<57344x128xf32, #tpu.memory_space<hbm>>
    %dma_start3A_60 = tpu.memref_slice %arg7[%dma_start3A_49] : memref<4x!tpu.dma_semaphore, #tpu.memory_space<semaphore_mem>> -> memref<1x!tpu.dma_semaphore, #tpu.memory_space<semaphore_mem>>
    %dma_start3A_61 = tpu.memref_squeeze %dma_start3A_60 : memref<1x!tpu.dma_semaphore, #tpu.memory_space<semaphore_mem>> -> memref<!tpu.dma_semaphore, #tpu.memory_space<semaphore_mem>>
    tpu.enqueue_indirect_dma source(%dma_start3A_59 : memref<57344x128xf32, #tpu.memory_space<hbm>>) target(%dma_start3A_53 : memref<128x128xf32, #tpu.memory_space<vmem>>) offsets(%dma_start3A_56 : memref<128xi32, #tpu.memory_space<vmem>>) semaphore(%dma_start3A_61 : memref<!tpu.dma_semaphore, #tpu.memory_space<semaphore_mem>>)
    %dma_wait3A = arith.constant 0 : i32
    %dma_wait3A_62 = arith.constant 0 : i32
    %dma_wait3A_63 = arith.constant 0 : i32
    %dma_wait3A_64 = arith.constant 0 : i32
    %dma_wait3A_65 = arith.constant 0 : i32
    %dma_wait3A_66 = tpu.memref_slice %arg6[%dma_wait3A_62, %dma_wait3A_64, %dma_wait3A_65] : memref<4x128x128xf32, #tpu.memory_space<vmem>> -> memref<1x128x128xf32, #tpu.memory_space<vmem>>
    %dma_wait3A_67 = tpu.memref_squeeze %dma_wait3A_66 : memref<1x128x128xf32, #tpu.memory_space<vmem>> -> memref<128x128xf32, #tpu.memory_space<vmem>>
    %dma_wait3A_68 = arith.constant 0 : i32
    %dma_wait3A_69 = tpu.memref_slice %arg5[%dma_wait3A, %dma_wait3A_68] : memref<8x128xi32, #tpu.memory_space<vmem>> -> memref<1x128xi32, #tpu.memory_space<vmem>>
    %dma_wait3A_70 = tpu.memref_squeeze %dma_wait3A_69 : memref<1x128xi32, #tpu.memory_space<vmem>> -> memref<128xi32, #tpu.memory_space<vmem>>
    %dma_wait3A_71 = arith.constant 0 : i32
    %dma_wait3A_72 = arith.constant 0 : i32
    %dma_wait3A_73 = tpu.memref_slice %arg3[%dma_wait3A_71, %dma_wait3A_72] : memref<57344x128xf32, #tpu.memory_space<hbm>> -> memref<57344x128xf32, #tpu.memory_space<hbm>>
    %dma_wait3A_74 = tpu.memref_slice %arg7[%dma_wait3A_63] : memref<4x!tpu.dma_semaphore, #tpu.memory_space<semaphore_mem>> -> memref<1x!tpu.dma_semaphore, #tpu.memory_space<semaphore_mem>>
    %dma_wait3A_75 = tpu.memref_squeeze %dma_wait3A_74 : memref<1x!tpu.dma_semaphore, #tpu.memory_space<semaphore_mem>> -> memref<!tpu.dma_semaphore, #tpu.memory_space<semaphore_mem>>
    tpu.wait_indirect_dma semaphore(%dma_wait3A_75 : memref<!tpu.dma_semaphore, #tpu.memory_space<semaphore_mem>>) src(%dma_wait3A_73 : memref<57344x128xf32, #tpu.memory_space<hbm>>) dst(%dma_wait3A_67 : memref<128x128xf32, #tpu.memory_space<vmem>>)
    %add3A_76 = arith.constant 0 : i32
    %add3A_77 = arith.addi %mul3A_2, %add3A_76 : i32
    %dma_start3A_78 = arith.constant 0 : i32
    %dma_start3A_79 = arith.constant 0 : i32
    %dma_start3A_80 = arith.constant 0 : i32
    %dma_start3A_81 = arith.constant 0 : i32
    %dma_start3A_82 = tpu.memref_slice %arg6[%dma_start3A_78, %dma_start3A_80, %dma_start3A_81] : memref<4x128x128xf32, #tpu.memory_space<vmem>> -> memref<1x128x128xf32, #tpu.memory_space<vmem>>
    %dma_start3A_83 = tpu.memref_squeeze %dma_start3A_82 : memref<1x128x128xf32, #tpu.memory_space<vmem>> -> memref<128x128xf32, #tpu.memory_space<vmem>>
    %dma_start3A_84 = arith.constant 0 : i32
    %dma_start3A_85 = tpu.memref_slice %arg4[%add3A_77, %dma_start3A_84] : memref<16384x128xf32, #tpu.memory_space<hbm>> -> memref<128x128xf32, #tpu.memory_space<hbm>>
    %dma_start3A_86 = tpu.memref_slice %arg8[%dma_start3A_79] : memref<4x!tpu.dma_semaphore, #tpu.memory_space<semaphore_mem>> -> memref<1x!tpu.dma_semaphore, #tpu.memory_space<semaphore_mem>>
    %dma_start3A_87 = tpu.memref_squeeze %dma_start3A_86 : memref<1x!tpu.dma_semaphore, #tpu.memory_space<semaphore_mem>> -> memref<!tpu.dma_semaphore, #tpu.memory_space<semaphore_mem>>
    %dma_start3A_88 = arith.constant 0 : i32
    %dma_start3A_89 = tpu.memref_slice %arg4[%add3A_77, %dma_start3A_88] : memref<16384x128xf32, #tpu.memory_space<hbm>> -> memref<128x128xf32, #tpu.memory_space<hbm>>
    %dma_start3A_90 = arith.constant 0 : i32
    %dma_start3A_91 = arith.constant 0 : i32
    %dma_start3A_92 = tpu.memref_slice %arg6[%dma_start3A_78, %dma_start3A_90, %dma_start3A_91] : memref<4x128x128xf32, #tpu.memory_space<vmem>> -> memref<1x128x128xf32, #tpu.memory_space<vmem>>
    %dma_start3A_93 = tpu.memref_squeeze %dma_start3A_92 : memref<1x128x128xf32, #tpu.memory_space<vmem>> -> memref<128x128xf32, #tpu.memory_space<vmem>>
    tpu.enqueue_dma source(%dma_start3A_93 : memref<128x128xf32, #tpu.memory_space<vmem>>) target(%dma_start3A_89 : memref<128x128xf32, #tpu.memory_space<hbm>>) target_semaphore(%dma_start3A_87 : memref<!tpu.dma_semaphore, #tpu.memory_space<semaphore_mem>>)
    %dma_wait3A_94 = arith.constant 1 : i32
    %dma_wait3A_95 = arith.constant 1 : i32
    %dma_wait3A_96 = arith.constant 1 : i32
    %dma_wait3A_97 = arith.constant 0 : i32
    %dma_wait3A_98 = arith.constant 0 : i32
    %dma_wait3A_99 = tpu.memref_slice %arg6[%dma_wait3A_95, %dma_wait3A_97, %dma_wait3A_98] : memref<4x128x128xf32, #tpu.memory_space<vmem>> -> memref<1x128x128xf32, #tpu.memory_space<vmem>>
    %dma_wait3A_100 = tpu.memref_squeeze %dma_wait3A_99 : memref<1x128x128xf32, #tpu.memory_space<vmem>> -> memref<128x128xf32, #tpu.memory_space<vmem>>
    %dma_wait3A_101 = arith.constant 0 : i32
    %dma_wait3A_102 = tpu.memref_slice %arg5[%dma_wait3A_94, %dma_wait3A_101] : memref<8x128xi32, #tpu.memory_space<vmem>> -> memref<1x128xi32, #tpu.memory_space<vmem>>
    %dma_wait3A_103 = tpu.memref_squeeze %dma_wait3A_102 : memref<1x128xi32, #tpu.memory_space<vmem>> -> memref<128xi32, #tpu.memory_space<vmem>>
    %dma_wait3A_104 = arith.constant 0 : i32
    %dma_wait3A_105 = arith.constant 0 : i32
    %dma_wait3A_106 = tpu.memref_slice %arg3[%dma_wait3A_104, %dma_wait3A_105] : memref<57344x128xf32, #tpu.memory_space<hbm>> -> memref<57344x128xf32, #tpu.memory_space<hbm>>
    %dma_wait3A_107 = tpu.memref_slice %arg7[%dma_wait3A_96] : memref<4x!tpu.dma_semaphore, #tpu.memory_space<semaphore_mem>> -> memref<1x!tpu.dma_semaphore, #tpu.memory_space<semaphore_mem>>
    %dma_wait3A_108 = tpu.memref_squeeze %dma_wait3A_107 : memref<1x!tpu.dma_semaphore, #tpu.memory_space<semaphore_mem>> -> memref<!tpu.dma_semaphore, #tpu.memory_space<semaphore_mem>>
    tpu.wait_indirect_dma semaphore(%dma_wait3A_108 : memref<!tpu.dma_semaphore, #tpu.memory_space<semaphore_mem>>) src(%dma_wait3A_106 : memref<57344x128xf32, #tpu.memory_space<hbm>>) dst(%dma_wait3A_100 : memref<128x128xf32, #tpu.memory_space<vmem>>)
    %add3A_109 = arith.constant 128 : i32
    %add3A_110 = arith.addi %mul3A_2, %add3A_109 : i32
    %dma_start3A_111 = arith.constant 1 : i32
    %dma_start3A_112 = arith.constant 1 : i32
    %dma_start3A_113 = arith.constant 0 : i32
    %dma_start3A_114 = arith.constant 0 : i32
    %dma_start3A_115 = tpu.memref_slice %arg6[%dma_start3A_111, %dma_start3A_113, %dma_start3A_114] : memref<4x128x128xf32, #tpu.memory_space<vmem>> -> memref<1x128x128xf32, #tpu.memory_space<vmem>>
    %dma_start3A_116 = tpu.memref_squeeze %dma_start3A_115 : memref<1x128x128xf32, #tpu.memory_space<vmem>> -> memref<128x128xf32, #tpu.memory_space<vmem>>
    %dma_start3A_117 = arith.constant 0 : i32
    %dma_start3A_118 = tpu.memref_slice %arg4[%add3A_110, %dma_start3A_117] : memref<16384x128xf32, #tpu.memory_space<hbm>> -> memref<128x128xf32, #tpu.memory_space<hbm>>
    %dma_start3A_119 = tpu.memref_slice %arg8[%dma_start3A_112] : memref<4x!tpu.dma_semaphore, #tpu.memory_space<semaphore_mem>> -> memref<1x!tpu.dma_semaphore, #tpu.memory_space<semaphore_mem>>
    %dma_start3A_120 = tpu.memref_squeeze %dma_start3A_119 : memref<1x!tpu.dma_semaphore, #tpu.memory_space<semaphore_mem>> -> memref<!tpu.dma_semaphore, #tpu.memory_space<semaphore_mem>>
    %dma_start3A_121 = arith.constant 0 : i32
    %dma_start3A_122 = tpu.memref_slice %arg4[%add3A_110, %dma_start3A_121] : memref<16384x128xf32, #tpu.memory_space<hbm>> -> memref<128x128xf32, #tpu.memory_space<hbm>>
    %dma_start3A_123 = arith.constant 0 : i32
    %dma_start3A_124 = arith.constant 0 : i32
    %dma_start3A_125 = tpu.memref_slice %arg6[%dma_start3A_111, %dma_start3A_123, %dma_start3A_124] : memref<4x128x128xf32, #tpu.memory_space<vmem>> -> memref<1x128x128xf32, #tpu.memory_space<vmem>>
    %dma_start3A_126 = tpu.memref_squeeze %dma_start3A_125 : memref<1x128x128xf32, #tpu.memory_space<vmem>> -> memref<128x128xf32, #tpu.memory_space<vmem>>
    tpu.enqueue_dma source(%dma_start3A_126 : memref<128x128xf32, #tpu.memory_space<vmem>>) target(%dma_start3A_122 : memref<128x128xf32, #tpu.memory_space<hbm>>) target_semaphore(%dma_start3A_120 : memref<!tpu.dma_semaphore, #tpu.memory_space<semaphore_mem>>)
    %dma_wait3A_127 = arith.constant 2 : i32
    %dma_wait3A_128 = arith.constant 2 : i32
    %dma_wait3A_129 = arith.constant 2 : i32
    %dma_wait3A_130 = arith.constant 0 : i32
    %dma_wait3A_131 = arith.constant 0 : i32
    %dma_wait3A_132 = tpu.memref_slice %arg6[%dma_wait3A_128, %dma_wait3A_130, %dma_wait3A_131] : memref<4x128x128xf32, #tpu.memory_space<vmem>> -> memref<1x128x128xf32, #tpu.memory_space<vmem>>
    %dma_wait3A_133 = tpu.memref_squeeze %dma_wait3A_132 : memref<1x128x128xf32, #tpu.memory_space<vmem>> -> memref<128x128xf32, #tpu.memory_space<vmem>>
    %dma_wait3A_134 = arith.constant 0 : i32
    %dma_wait3A_135 = tpu.memref_slice %arg5[%dma_wait3A_127, %dma_wait3A_134] : memref<8x128xi32, #tpu.memory_space<vmem>> -> memref<1x128xi32, #tpu.memory_space<vmem>>
    %dma_wait3A_136 = tpu.memref_squeeze %dma_wait3A_135 : memref<1x128xi32, #tpu.memory_space<vmem>> -> memref<128xi32, #tpu.memory_space<vmem>>
    %dma_wait3A_137 = arith.constant 0 : i32
    %dma_wait3A_138 = arith.constant 0 : i32
    %dma_wait3A_139 = tpu.memref_slice %arg3[%dma_wait3A_137, %dma_wait3A_138] : memref<57344x128xf32, #tpu.memory_space<hbm>> -> memref<57344x128xf32, #tpu.memory_space<hbm>>
    %dma_wait3A_140 = tpu.memref_slice %arg7[%dma_wait3A_129] : memref<4x!tpu.dma_semaphore, #tpu.memory_space<semaphore_mem>> -> memref<1x!tpu.dma_semaphore, #tpu.memory_space<semaphore_mem>>
    %dma_wait3A_141 = tpu.memref_squeeze %dma_wait3A_140 : memref<1x!tpu.dma_semaphore, #tpu.memory_space<semaphore_mem>> -> memref<!tpu.dma_semaphore, #tpu.memory_space<semaphore_mem>>
    tpu.wait_indirect_dma semaphore(%dma_wait3A_141 : memref<!tpu.dma_semaphore, #tpu.memory_space<semaphore_mem>>) src(%dma_wait3A_139 : memref<57344x128xf32, #tpu.memory_space<hbm>>) dst(%dma_wait3A_133 : memref<128x128xf32, #tpu.memory_space<vmem>>)
    %add3A_142 = arith.constant 256 : i32
    %add3A_143 = arith.addi %mul3A_2, %add3A_142 : i32
    %dma_start3A_144 = arith.constant 2 : i32
    %dma_start3A_145 = arith.constant 2 : i32
    %dma_start3A_146 = arith.constant 0 : i32
    %dma_start3A_147 = arith.constant 0 : i32
    %dma_start3A_148 = tpu.memref_slice %arg6[%dma_start3A_144, %dma_start3A_146, %dma_start3A_147] : memref<4x128x128xf32, #tpu.memory_space<vmem>> -> memref<1x128x128xf32, #tpu.memory_space<vmem>>
    %dma_start3A_149 = tpu.memref_squeeze %dma_start3A_148 : memref<1x128x128xf32, #tpu.memory_space<vmem>> -> memref<128x128xf32, #tpu.memory_space<vmem>>
    %dma_start3A_150 = arith.constant 0 : i32
    %dma_start3A_151 = tpu.memref_slice %arg4[%add3A_143, %dma_start3A_150] : memref<16384x128xf32, #tpu.memory_space<hbm>> -> memref<128x128xf32, #tpu.memory_space<hbm>>
    %dma_start3A_152 = tpu.memref_slice %arg8[%dma_start3A_145] : memref<4x!tpu.dma_semaphore, #tpu.memory_space<semaphore_mem>> -> memref<1x!tpu.dma_semaphore, #tpu.memory_space<semaphore_mem>>
    %dma_start3A_153 = tpu.memref_squeeze %dma_start3A_152 : memref<1x!tpu.dma_semaphore, #tpu.memory_space<semaphore_mem>> -> memref<!tpu.dma_semaphore, #tpu.memory_space<semaphore_mem>>
    %dma_start3A_154 = arith.constant 0 : i32
    %dma_start3A_155 = tpu.memref_slice %arg4[%add3A_143, %dma_start3A_154] : memref<16384x128xf32, #tpu.memory_space<hbm>> -> memref<128x128xf32, #tpu.memory_space<hbm>>
    %dma_start3A_156 = arith.constant 0 : i32
    %dma_start3A_157 = arith.constant 0 : i32
    %dma_start3A_158 = tpu.memref_slice %arg6[%dma_start3A_144, %dma_start3A_156, %dma_start3A_157] : memref<4x128x128xf32, #tpu.memory_space<vmem>> -> memref<1x128x128xf32, #tpu.memory_space<vmem>>
    %dma_start3A_159 = tpu.memref_squeeze %dma_start3A_158 : memref<1x128x128xf32, #tpu.memory_space<vmem>> -> memref<128x128xf32, #tpu.memory_space<vmem>>
    tpu.enqueue_dma source(%dma_start3A_159 : memref<128x128xf32, #tpu.memory_space<vmem>>) target(%dma_start3A_155 : memref<128x128xf32, #tpu.memory_space<hbm>>) target_semaphore(%dma_start3A_153 : memref<!tpu.dma_semaphore, #tpu.memory_space<semaphore_mem>>)
    %dma_wait3A_160 = arith.constant 3 : i32
    %dma_wait3A_161 = arith.constant 3 : i32
    %dma_wait3A_162 = arith.constant 3 : i32
    %dma_wait3A_163 = arith.constant 0 : i32
    %dma_wait3A_164 = arith.constant 0 : i32
    %dma_wait3A_165 = tpu.memref_slice %arg6[%dma_wait3A_161, %dma_wait3A_163, %dma_wait3A_164] : memref<4x128x128xf32, #tpu.memory_space<vmem>> -> memref<1x128x128xf32, #tpu.memory_space<vmem>>
    %dma_wait3A_166 = tpu.memref_squeeze %dma_wait3A_165 : memref<1x128x128xf32, #tpu.memory_space<vmem>> -> memref<128x128xf32, #tpu.memory_space<vmem>>
    %dma_wait3A_167 = arith.constant 0 : i32
    %dma_wait3A_168 = tpu.memref_slice %arg5[%dma_wait3A_160, %dma_wait3A_167] : memref<8x128xi32, #tpu.memory_space<vmem>> -> memref<1x128xi32, #tpu.memory_space<vmem>>
    %dma_wait3A_169 = tpu.memref_squeeze %dma_wait3A_168 : memref<1x128xi32, #tpu.memory_space<vmem>> -> memref<128xi32, #tpu.memory_space<vmem>>
    %dma_wait3A_170 = arith.constant 0 : i32
    %dma_wait3A_171 = arith.constant 0 : i32
    %dma_wait3A_172 = tpu.memref_slice %arg3[%dma_wait3A_170, %dma_wait3A_171] : memref<57344x128xf32, #tpu.memory_space<hbm>> -> memref<57344x128xf32, #tpu.memory_space<hbm>>
    %dma_wait3A_173 = tpu.memref_slice %arg7[%dma_wait3A_162] : memref<4x!tpu.dma_semaphore, #tpu.memory_space<semaphore_mem>> -> memref<1x!tpu.dma_semaphore, #tpu.memory_space<semaphore_mem>>
    %dma_wait3A_174 = tpu.memref_squeeze %dma_wait3A_173 : memref<1x!tpu.dma_semaphore, #tpu.memory_space<semaphore_mem>> -> memref<!tpu.dma_semaphore, #tpu.memory_space<semaphore_mem>>
    tpu.wait_indirect_dma semaphore(%dma_wait3A_174 : memref<!tpu.dma_semaphore, #tpu.memory_space<semaphore_mem>>) src(%dma_wait3A_172 : memref<57344x128xf32, #tpu.memory_space<hbm>>) dst(%dma_wait3A_166 : memref<128x128xf32, #tpu.memory_space<vmem>>)
    %add3A_175 = arith.constant 384 : i32
    %add3A_176 = arith.addi %mul3A_2, %add3A_175 : i32
    %dma_start3A_177 = arith.constant 3 : i32
    %dma_start3A_178 = arith.constant 3 : i32
    %dma_start3A_179 = arith.constant 0 : i32
    %dma_start3A_180 = arith.constant 0 : i32
    %dma_start3A_181 = tpu.memref_slice %arg6[%dma_start3A_177, %dma_start3A_179, %dma_start3A_180] : memref<4x128x128xf32, #tpu.memory_space<vmem>> -> memref<1x128x128xf32, #tpu.memory_space<vmem>>
    %dma_start3A_182 = tpu.memref_squeeze %dma_start3A_181 : memref<1x128x128xf32, #tpu.memory_space<vmem>> -> memref<128x128xf32, #tpu.memory_space<vmem>>
    %dma_start3A_183 = arith.constant 0 : i32
    %dma_start3A_184 = tpu.memref_slice %arg4[%add3A_176, %dma_start3A_183] : memref<16384x128xf32, #tpu.memory_space<hbm>> -> memref<128x128xf32, #tpu.memory_space<hbm>>
    %dma_start3A_185 = tpu.memref_slice %arg8[%dma_start3A_178] : memref<4x!tpu.dma_semaphore, #tpu.memory_space<semaphore_mem>> -> memref<1x!tpu.dma_semaphore, #tpu.memory_space<semaphore_mem>>
    %dma_start3A_186 = tpu.memref_squeeze %dma_start3A_185 : memref<1x!tpu.dma_semaphore, #tpu.memory_space<semaphore_mem>> -> memref<!tpu.dma_semaphore, #tpu.memory_space<semaphore_mem>>
    %dma_start3A_187 = arith.constant 0 : i32
    %dma_start3A_188 = tpu.memref_slice %arg4[%add3A_176, %dma_start3A_187] : memref<16384x128xf32, #tpu.memory_space<hbm>> -> memref<128x128xf32, #tpu.memory_space<hbm>>
    %dma_start3A_189 = arith.constant 0 : i32
    %dma_start3A_190 = arith.constant 0 : i32
    %dma_start3A_191 = tpu.memref_slice %arg6[%dma_start3A_177, %dma_start3A_189, %dma_start3A_190] : memref<4x128x128xf32, #tpu.memory_space<vmem>> -> memref<1x128x128xf32, #tpu.memory_space<vmem>>
    %dma_start3A_192 = tpu.memref_squeeze %dma_start3A_191 : memref<1x128x128xf32, #tpu.memory_space<vmem>> -> memref<128x128xf32, #tpu.memory_space<vmem>>
    tpu.enqueue_dma source(%dma_start3A_192 : memref<128x128xf32, #tpu.memory_space<vmem>>) target(%dma_start3A_188 : memref<128x128xf32, #tpu.memory_space<hbm>>) target_semaphore(%dma_start3A_186 : memref<!tpu.dma_semaphore, #tpu.memory_space<semaphore_mem>>)
    %dma_wait3A_193 = arith.constant 0 : i32
    %dma_wait3A_194 = arith.constant 0 : i32
    %dma_wait3A_195 = arith.constant 0 : i32
    %dma_wait3A_196 = arith.constant 0 : i32
    %dma_wait3A_197 = tpu.memref_slice %arg6[%dma_wait3A_193, %dma_wait3A_195, %dma_wait3A_196] : memref<4x128x128xf32, #tpu.memory_space<vmem>> -> memref<1x128x128xf32, #tpu.memory_space<vmem>>
    %dma_wait3A_198 = tpu.memref_squeeze %dma_wait3A_197 : memref<1x128x128xf32, #tpu.memory_space<vmem>> -> memref<128x128xf32, #tpu.memory_space<vmem>>
    %dma_wait3A_199 = arith.constant 0 : i32
    %dma_wait3A_200 = tpu.memref_slice %arg4[%add3A_77, %dma_wait3A_199] : memref<16384x128xf32, #tpu.memory_space<hbm>> -> memref<128x128xf32, #tpu.memory_space<hbm>>
    %dma_wait3A_201 = tpu.memref_slice %arg8[%dma_wait3A_194] : memref<4x!tpu.dma_semaphore, #tpu.memory_space<semaphore_mem>> -> memref<1x!tpu.dma_semaphore, #tpu.memory_space<semaphore_mem>>
    %dma_wait3A_202 = tpu.memref_squeeze %dma_wait3A_201 : memref<1x!tpu.dma_semaphore, #tpu.memory_space<semaphore_mem>> -> memref<!tpu.dma_semaphore, #tpu.memory_space<semaphore_mem>>
    %dma_wait3A_203 = arith.constant 0 : i32
    %dma_wait3A_204 = tpu.memref_slice %arg4[%add3A_77, %dma_wait3A_203] : memref<16384x128xf32, #tpu.memory_space<hbm>> -> memref<128x128xf32, #tpu.memory_space<hbm>>
    %dma_wait3A_205 = arith.constant 0 : i32
    %dma_wait3A_206 = arith.constant 0 : i32
    %dma_wait3A_207 = tpu.memref_slice %arg6[%dma_wait3A_193, %dma_wait3A_205, %dma_wait3A_206] : memref<4x128x128xf32, #tpu.memory_space<vmem>> -> memref<1x128x128xf32, #tpu.memory_space<vmem>>
    %dma_wait3A_208 = tpu.memref_squeeze %dma_wait3A_207 : memref<1x128x128xf32, #tpu.memory_space<vmem>> -> memref<128x128xf32, #tpu.memory_space<vmem>>
    tpu.wait_dma2 semaphore(%dma_wait3A_202 : memref<!tpu.dma_semaphore, #tpu.memory_space<semaphore_mem>>) src(%dma_wait3A_208 : memref<128x128xf32, #tpu.memory_space<vmem>>) dst(%dma_wait3A_204 : memref<128x128xf32, #tpu.memory_space<hbm>>)
    %dma_wait3A_209 = arith.constant 1 : i32
    %dma_wait3A_210 = arith.constant 1 : i32
    %dma_wait3A_211 = arith.constant 0 : i32
    %dma_wait3A_212 = arith.constant 0 : i32
    %dma_wait3A_213 = tpu.memref_slice %arg6[%dma_wait3A_209, %dma_wait3A_211, %dma_wait3A_212] : memref<4x128x128xf32, #tpu.memory_space<vmem>> -> memref<1x128x128xf32, #tpu.memory_space<vmem>>
    %dma_wait3A_214 = tpu.memref_squeeze %dma_wait3A_213 : memref<1x128x128xf32, #tpu.memory_space<vmem>> -> memref<128x128xf32, #tpu.memory_space<vmem>>
    %dma_wait3A_215 = arith.constant 0 : i32
    %dma_wait3A_216 = tpu.memref_slice %arg4[%add3A_110, %dma_wait3A_215] : memref<16384x128xf32, #tpu.memory_space<hbm>> -> memref<128x128xf32, #tpu.memory_space<hbm>>
    %dma_wait3A_217 = tpu.memref_slice %arg8[%dma_wait3A_210] : memref<4x!tpu.dma_semaphore, #tpu.memory_space<semaphore_mem>> -> memref<1x!tpu.dma_semaphore, #tpu.memory_space<semaphore_mem>>
    %dma_wait3A_218 = tpu.memref_squeeze %dma_wait3A_217 : memref<1x!tpu.dma_semaphore, #tpu.memory_space<semaphore_mem>> -> memref<!tpu.dma_semaphore, #tpu.memory_space<semaphore_mem>>
    %dma_wait3A_219 = arith.constant 0 : i32
    %dma_wait3A_220 = tpu.memref_slice %arg4[%add3A_110, %dma_wait3A_219] : memref<16384x128xf32, #tpu.memory_space<hbm>> -> memref<128x128xf32, #tpu.memory_space<hbm>>
    %dma_wait3A_221 = arith.constant 0 : i32
    %dma_wait3A_222 = arith.constant 0 : i32
    %dma_wait3A_223 = tpu.memref_slice %arg6[%dma_wait3A_209, %dma_wait3A_221, %dma_wait3A_222] : memref<4x128x128xf32, #tpu.memory_space<vmem>> -> memref<1x128x128xf32, #tpu.memory_space<vmem>>
    %dma_wait3A_224 = tpu.memref_squeeze %dma_wait3A_223 : memref<1x128x128xf32, #tpu.memory_space<vmem>> -> memref<128x128xf32, #tpu.memory_space<vmem>>
    tpu.wait_dma2 semaphore(%dma_wait3A_218 : memref<!tpu.dma_semaphore, #tpu.memory_space<semaphore_mem>>) src(%dma_wait3A_224 : memref<128x128xf32, #tpu.memory_space<vmem>>) dst(%dma_wait3A_220 : memref<128x128xf32, #tpu.memory_space<hbm>>)
    %dma_wait3A_225 = arith.constant 2 : i32
    %dma_wait3A_226 = arith.constant 2 : i32
    %dma_wait3A_227 = arith.constant 0 : i32
    %dma_wait3A_228 = arith.constant 0 : i32
    %dma_wait3A_229 = tpu.memref_slice %arg6[%dma_wait3A_225, %dma_wait3A_227, %dma_wait3A_228] : memref<4x128x128xf32, #tpu.memory_space<vmem>> -> memref<1x128x128xf32, #tpu.memory_space<vmem>>
    %dma_wait3A_230 = tpu.memref_squeeze %dma_wait3A_229 : memref<1x128x128xf32, #tpu.memory_space<vmem>> -> memref<128x128xf32, #tpu.memory_space<vmem>>
    %dma_wait3A_231 = arith.constant 0 : i32
    %dma_wait3A_232 = tpu.memref_slice %arg4[%add3A_143, %dma_wait3A_231] : memref<16384x128xf32, #tpu.memory_space<hbm>> -> memref<128x128xf32, #tpu.memory_space<hbm>>
    %dma_wait3A_233 = tpu.memref_slice %arg8[%dma_wait3A_226] : memref<4x!tpu.dma_semaphore, #tpu.memory_space<semaphore_mem>> -> memref<1x!tpu.dma_semaphore, #tpu.memory_space<semaphore_mem>>
    %dma_wait3A_234 = tpu.memref_squeeze %dma_wait3A_233 : memref<1x!tpu.dma_semaphore, #tpu.memory_space<semaphore_mem>> -> memref<!tpu.dma_semaphore, #tpu.memory_space<semaphore_mem>>
    %dma_wait3A_235 = arith.constant 0 : i32
    %dma_wait3A_236 = tpu.memref_slice %arg4[%add3A_143, %dma_wait3A_235] : memref<16384x128xf32, #tpu.memory_space<hbm>> -> memref<128x128xf32, #tpu.memory_space<hbm>>
    %dma_wait3A_237 = arith.constant 0 : i32
    %dma_wait3A_238 = arith.constant 0 : i32
    %dma_wait3A_239 = tpu.memref_slice %arg6[%dma_wait3A_225, %dma_wait3A_237, %dma_wait3A_238] : memref<4x128x128xf32, #tpu.memory_space<vmem>> -> memref<1x128x128xf32, #tpu.memory_space<vmem>>
    %dma_wait3A_240 = tpu.memref_squeeze %dma_wait3A_239 : memref<1x128x128xf32, #tpu.memory_space<vmem>> -> memref<128x128xf32, #tpu.memory_space<vmem>>
    tpu.wait_dma2 semaphore(%dma_wait3A_234 : memref<!tpu.dma_semaphore, #tpu.memory_space<semaphore_mem>>) src(%dma_wait3A_240 : memref<128x128xf32, #tpu.memory_space<vmem>>) dst(%dma_wait3A_236 : memref<128x128xf32, #tpu.memory_space<hbm>>)
    %dma_wait3A_241 = arith.constant 3 : i32
    %dma_wait3A_242 = arith.constant 3 : i32
    %dma_wait3A_243 = arith.constant 0 : i32
    %dma_wait3A_244 = arith.constant 0 : i32
    %dma_wait3A_245 = tpu.memref_slice %arg6[%dma_wait3A_241, %dma_wait3A_243, %dma_wait3A_244] : memref<4x128x128xf32, #tpu.memory_space<vmem>> -> memref<1x128x128xf32, #tpu.memory_space<vmem>>
    %dma_wait3A_246 = tpu.memref_squeeze %dma_wait3A_245 : memref<1x128x128xf32, #tpu.memory_space<vmem>> -> memref<128x128xf32, #tpu.memory_space<vmem>>
    %dma_wait3A_247 = arith.constant 0 : i32
    %dma_wait3A_248 = tpu.memref_slice %arg4[%add3A_176, %dma_wait3A_247] : memref<16384x128xf32, #tpu.memory_space<hbm>> -> memref<128x128xf32, #tpu.memory_space<hbm>>
    %dma_wait3A_249 = tpu.memref_slice %arg8[%dma_wait3A_242] : memref<4x!tpu.dma_semaphore, #tpu.memory_space<semaphore_mem>> -> memref<1x!tpu.dma_semaphore, #tpu.memory_space<semaphore_mem>>
    %dma_wait3A_250 = tpu.memref_squeeze %dma_wait3A_249 : memref<1x!tpu.dma_semaphore, #tpu.memory_space<semaphore_mem>> -> memref<!tpu.dma_semaphore, #tpu.memory_space<semaphore_mem>>
    %dma_wait3A_251 = arith.constant 0 : i32
    %dma_wait3A_252 = tpu.memref_slice %arg4[%add3A_176, %dma_wait3A_251] : memref<16384x128xf32, #tpu.memory_space<hbm>> -> memref<128x128xf32, #tpu.memory_space<hbm>>
    %dma_wait3A_253 = arith.constant 0 : i32
    %dma_wait3A_254 = arith.constant 0 : i32
    %dma_wait3A_255 = tpu.memref_slice %arg6[%dma_wait3A_241, %dma_wait3A_253, %dma_wait3A_254] : memref<4x128x128xf32, #tpu.memory_space<vmem>> -> memref<1x128x128xf32, #tpu.memory_space<vmem>>
    %dma_wait3A_256 = tpu.memref_squeeze %dma_wait3A_255 : memref<1x128x128xf32, #tpu.memory_space<vmem>> -> memref<128x128xf32, #tpu.memory_space<vmem>>
    tpu.wait_dma2 semaphore(%dma_wait3A_250 : memref<!tpu.dma_semaphore, #tpu.memory_space<semaphore_mem>>) src(%dma_wait3A_256 : memref<128x128xf32, #tpu.memory_space<vmem>>) dst(%dma_wait3A_252 : memref<128x128xf32, #tpu.memory_space<hbm>>)
    return
  }
}

#map = affine_map<(d0, d1) -> (0, 0, 0)>
#map1 = affine_map<(d0, d1) -> (0, 0)>
module attributes {stable_mosaic.version = 14 : i64} {
  func.func @sc_gather(%arg0: i32, %arg1: i32, %arg2: memref<32x8x128xi32, #tpu.memory_space<hbm>>, %arg3: memref<57344x128xf32, #tpu.memory_space<hbm>>, %arg4: memref<16384x128xf32, #tpu.memory_space<hbm>>, %arg5: memref<8x128xi32, #tpu.memory_space<vmem>>, %arg6: memref<4x128x128xf32, #tpu.memory_space<vmem>>, %arg7: memref<4x!tpu.dma_semaphore, #tpu.memory_space<semaphore_mem>>, %arg8: memref<4x!tpu.dma_semaphore, #tpu.memory_space<semaphore_mem>>) attributes {dimension_semantics = [#tpu.dimension_semantics<core_parallel>, #tpu.dimension_semantics<subcore_parallel>], iteration_bounds = array<i64: 2, 16>, scalar_prefetch = 0 : i64, scratch_operands = 4 : i64, tpu.core_type = #tpu.core_type<sc_vector_subcore>, window_params = [{transform_indices = #map}, {transform_indices = #map1}, {transform_indices = #map1}]} {
    %mul3A = arith.constant 2 : i32
    %mul3A_0 = arith.muli %arg1, %mul3A : i32
    %add3A = arith.addi %mul3A_0, %arg0 : i32
    %mul3A_1 = arith.constant 512 : i32
    %mul3A_2 = arith.muli %add3A, %mul3A_1 : i32
    "tpu.region"() ({
      %run_scoped3A = tpu.sem_alloc : memref<!tpu.dma_semaphore, #tpu.memory_space<semaphore_mem>>
      %dma_start3A_257 = arith.constant 0 : i32
      %dma_start3A_258 = arith.constant 0 : i32
      %dma_start3A_259 = tpu.memref_slice %arg2[%add3A, %dma_start3A_257, %dma_start3A_258] : memref<32x8x128xi32, #tpu.memory_space<hbm>> -> memref<1x8x128xi32, #tpu.memory_space<hbm>>
      %dma_start3A_260 = tpu.memref_squeeze %dma_start3A_259 : memref<1x8x128xi32, #tpu.memory_space<hbm>> -> memref<8x128xi32, #tpu.memory_space<hbm>>
      %dma_start3A_261 = arith.constant 0 : i32
      %dma_start3A_262 = arith.constant 0 : i32
      %dma_start3A_263 = tpu.memref_slice %arg2[%add3A, %dma_start3A_261, %dma_start3A_262] : memref<32x8x128xi32, #tpu.memory_space<hbm>> -> memref<1x8x128xi32, #tpu.memory_space<hbm>>
      %dma_start3A_264 = tpu.memref_squeeze %dma_start3A_263 : memref<1x8x128xi32, #tpu.memory_space<hbm>> -> memref<8x128xi32, #tpu.memory_space<hbm>>
      tpu.enqueue_dma source(%dma_start3A_264 : memref<8x128xi32, #tpu.memory_space<hbm>>) target(%arg5 : memref<8x128xi32, #tpu.memory_space<vmem>>) target_semaphore(%run_scoped3A : memref<!tpu.dma_semaphore, #tpu.memory_space<semaphore_mem>>)
      %dma_wait3A_265 = arith.constant 0 : i32
      %dma_wait3A_266 = arith.constant 0 : i32
      %dma_wait3A_267 = tpu.memref_slice %arg2[%add3A, %dma_wait3A_265, %dma_wait3A_266] : memref<32x8x128xi32, #tpu.memory_space<hbm>> -> memref<1x8x128xi32, #tpu.memory_space<hbm>>
      %dma_wait3A_268 = tpu.memref_squeeze %dma_wait3A_267 : memref<1x8x128xi32, #tpu.memory_space<hbm>> -> memref<8x128xi32, #tpu.memory_space<hbm>>
      %dma_wait3A_269 = arith.constant 0 : i32
      %dma_wait3A_270 = arith.constant 0 : i32
      %dma_wait3A_271 = tpu.memref_slice %arg2[%add3A, %dma_wait3A_269, %dma_wait3A_270] : memref<32x8x128xi32, #tpu.memory_space<hbm>> -> memref<1x8x128xi32, #tpu.memory_space<hbm>>
      %dma_wait3A_272 = tpu.memref_squeeze %dma_wait3A_271 : memref<1x8x128xi32, #tpu.memory_space<hbm>> -> memref<8x128xi32, #tpu.memory_space<hbm>>
      tpu.wait_dma2 semaphore(%run_scoped3A : memref<!tpu.dma_semaphore, #tpu.memory_space<semaphore_mem>>) src(%dma_wait3A_272 : memref<8x128xi32, #tpu.memory_space<hbm>>) dst(%arg5 : memref<8x128xi32, #tpu.memory_space<vmem>>)
      tpu.yield
    }) : () -> ()
    %dma_start3A = arith.constant 0 : i32
    %dma_start3A_3 = arith.constant 0 : i32
    %dma_start3A_4 = arith.constant 0 : i32
    %dma_start3A_5 = arith.constant 0 : i32
    %dma_start3A_6 = arith.constant 0 : i32
    %dma_start3A_7 = tpu.memref_slice %arg6[%dma_start3A_3, %dma_start3A_5, %dma_start3A_6] : memref<4x128x128xf32, #tpu.memory_space<vmem>> -> memref<1x128x128xf32, #tpu.memory_space<vmem>>
    %dma_start3A_8 = tpu.memref_squeeze %dma_start3A_7 : memref<1x128x128xf32, #tpu.memory_space<vmem>> -> memref<128x128xf32, #tpu.memory_space<vmem>>
    %dma_start3A_9 = arith.constant 0 : i32
    %dma_start3A_10 = tpu.memref_slice %arg5[%dma_start3A, %dma_start3A_9] : memref<8x128xi32, #tpu.memory_space<vmem>> -> memref<1x128xi32, #tpu.memory_space<vmem>>
    %dma_start3A_11 = tpu.memref_squeeze %dma_start3A_10 : memref<1x128xi32, #tpu.memory_space<vmem>> -> memref<128xi32, #tpu.memory_space<vmem>>
    %dma_start3A_12 = arith.constant 0 : i32
    %dma_start3A_13 = arith.constant 0 : i32
    %dma_start3A_14 = tpu.memref_slice %arg3[%dma_start3A_12, %dma_start3A_13] : memref<57344x128xf32, #tpu.memory_space<hbm>> -> memref<57344x128xf32, #tpu.memory_space<hbm>>
    %dma_start3A_15 = tpu.memref_slice %arg7[%dma_start3A_4] : memref<4x!tpu.dma_semaphore, #tpu.memory_space<semaphore_mem>> -> memref<1x!tpu.dma_semaphore, #tpu.memory_space<semaphore_mem>>
    %dma_start3A_16 = tpu.memref_squeeze %dma_start3A_15 : memref<1x!tpu.dma_semaphore, #tpu.memory_space<semaphore_mem>> -> memref<!tpu.dma_semaphore, #tpu.memory_space<semaphore_mem>>
    tpu.enqueue_indirect_dma source(%dma_start3A_14 : memref<57344x128xf32, #tpu.memory_space<hbm>>) target(%dma_start3A_8 : memref<128x128xf32, #tpu.memory_space<vmem>>) offsets(%dma_start3A_11 : memref<128xi32, #tpu.memory_space<vmem>>) semaphore(%dma_start3A_16 : memref<!tpu.dma_semaphore, #tpu.memory_space<semaphore_mem>>)
    %dma_start3A_17 = arith.constant 1 : i32
    %dma_start3A_18 = arith.constant 1 : i32
    %dma_start3A_19 = arith.constant 1 : i32
    %dma_start3A_20 = arith.constant 0 : i32
    %dma_start3A_21 = arith.constant 0 : i32
    %dma_start3A_22 = tpu.memref_slice %arg6[%dma_start3A_18, %dma_start3A_20, %dma_start3A_21] : memref<4x128x128xf32, #tpu.memory_space<vmem>> -> memref<1x128x128xf32, #tpu.memory_space<vmem>>
    %dma_start3A_23 = tpu.memref_squeeze %dma_start3A_22 : memref<1x128x128xf32, #tpu.memory_space<vmem>> -> memref<128x128xf32, #tpu.memory_space<vmem>>
    %dma_start3A_24 = arith.constant 0 : i32
    %dma_start3A_25 = tpu.memref_slice %arg5[%dma_start3A_17, %dma_start3A_24] : memref<8x128xi32, #tpu.memory_space<vmem>> -> memref<1x128xi32, #tpu.memory_space<vmem>>
    %dma_start3A_26 = tpu.memref_squeeze %dma_start3A_25 : memref<1x128xi32, #tpu.memory_space<vmem>> -> memref<128xi32, #tpu.memory_space<vmem>>
    %dma_start3A_27 = arith.constant 0 : i32
    %dma_start3A_28 = arith.constant 0 : i32
    %dma_start3A_29 = tpu.memref_slice %arg3[%dma_start3A_27, %dma_start3A_28] : memref<57344x128xf32, #tpu.memory_space<hbm>> -> memref<57344x128xf32, #tpu.memory_space<hbm>>
    %dma_start3A_30 = tpu.memref_slice %arg7[%dma_start3A_19] : memref<4x!tpu.dma_semaphore, #tpu.memory_space<semaphore_mem>> -> memref<1x!tpu.dma_semaphore, #tpu.memory_space<semaphore_mem>>
    %dma_start3A_31 = tpu.memref_squeeze %dma_start3A_30 : memref<1x!tpu.dma_semaphore, #tpu.memory_space<semaphore_mem>> -> memref<!tpu.dma_semaphore, #tpu.memory_space<semaphore_mem>>
    tpu.enqueue_indirect_dma source(%dma_start3A_29 : memref<57344x128xf32, #tpu.memory_space<hbm>>) target(%dma_start3A_23 : memref<128x128xf32, #tpu.memory_space<vmem>>) offsets(%dma_start3A_26 : memref<128xi32, #tpu.memory_space<vmem>>) semaphore(%dma_start3A_31 : memref<!tpu.dma_semaphore, #tpu.memory_space<semaphore_mem>>)
    %dma_start3A_32 = arith.constant 2 : i32
    %dma_start3A_33 = arith.constant 2 : i32
    %dma_start3A_34 = arith.constant 2 : i32
    %dma_start3A_35 = arith.constant 0 : i32
    %dma_start3A_36 = arith.constant 0 : i32
    %dma_start3A_37 = tpu.memref_slice %arg6[%dma_start3A_33, %dma_start3A_35, %dma_start3A_36] : memref<4x128x128xf32, #tpu.memory_space<vmem>> -> memref<1x128x128xf32, #tpu.memory_space<vmem>>
    %dma_start3A_38 = tpu.memref_squeeze %dma_start3A_37 : memref<1x128x128xf32, #tpu.memory_space<vmem>> -> memref<128x128xf32, #tpu.memory_space<vmem>>
    %dma_start3A_39 = arith.constant 0 : i32
    %dma_start3A_40 = tpu.memref_slice %arg5[%dma_start3A_32, %dma_start3A_39] : memref<8x128xi32, #tpu.memory_space<vmem>> -> memref<1x128xi32, #tpu.memory_space<vmem>>
    %dma_start3A_41 = tpu.memref_squeeze %dma_start3A_40 : memref<1x128xi32, #tpu.memory_space<vmem>> -> memref<128xi32, #tpu.memory_space<vmem>>
    %dma_start3A_42 = arith.constant 0 : i32
    %dma_start3A_43 = arith.constant 0 : i32
    %dma_start3A_44 = tpu.memref_slice %arg3[%dma_start3A_42, %dma_start3A_43] : memref<57344x128xf32, #tpu.memory_space<hbm>> -> memref<57344x128xf32, #tpu.memory_space<hbm>>
    %dma_start3A_45 = tpu.memref_slice %arg7[%dma_start3A_34] : memref<4x!tpu.dma_semaphore, #tpu.memory_space<semaphore_mem>> -> memref<1x!tpu.dma_semaphore, #tpu.memory_space<semaphore_mem>>
    %dma_start3A_46 = tpu.memref_squeeze %dma_start3A_45 : memref<1x!tpu.dma_semaphore, #tpu.memory_space<semaphore_mem>> -> memref<!tpu.dma_semaphore, #tpu.memory_space<semaphore_mem>>
    tpu.enqueue_indirect_dma source(%dma_start3A_44 : memref<57344x128xf32, #tpu.memory_space<hbm>>) target(%dma_start3A_38 : memref<128x128xf32, #tpu.memory_space<vmem>>) offsets(%dma_start3A_41 : memref<128xi32, #tpu.memory_space<vmem>>) semaphore(%dma_start3A_46 : memref<!tpu.dma_semaphore, #tpu.memory_space<semaphore_mem>>)
    %dma_start3A_47 = arith.constant 3 : i32
    %dma_start3A_48 = arith.constant 3 : i32
    %dma_start3A_49 = arith.constant 3 : i32
    %dma_start3A_50 = arith.constant 0 : i32
    %dma_start3A_51 = arith.constant 0 : i32
    %dma_start3A_52 = tpu.memref_slice %arg6[%dma_start3A_48, %dma_start3A_50, %dma_start3A_51] : memref<4x128x128xf32, #tpu.memory_space<vmem>> -> memref<1x128x128xf32, #tpu.memory_space<vmem>>
    %dma_start3A_53 = tpu.memref_squeeze %dma_start3A_52 : memref<1x128x128xf32, #tpu.memory_space<vmem>> -> memref<128x128xf32, #tpu.memory_space<vmem>>
    %dma_start3A_54 = arith.constant 0 : i32
    %dma_start3A_55 = tpu.memref_slice %arg5[%dma_start3A_47, %dma_start3A_54] : memref<8x128xi32, #tpu.memory_space<vmem>> -> memref<1x128xi32, #tpu.memory_space<vmem>>
    %dma_start3A_56 = tpu.memref_squeeze %dma_start3A_55 : memref<1x128xi32, #tpu.memory_space<vmem>> -> memref<128xi32, #tpu.memory_space<vmem>>
    %dma_start3A_57 = arith.constant 0 : i32
    %dma_start3A_58 = arith.constant 0 : i32
    %dma_start3A_59 = tpu.memref_slice %arg3[%dma_start3A_57, %dma_start3A_58] : memref<57344x128xf32, #tpu.memory_space<hbm>> -> memref<57344x128xf32, #tpu.memory_space<hbm>>
    %dma_start3A_60 = tpu.memref_slice %arg7[%dma_start3A_49] : memref<4x!tpu.dma_semaphore, #tpu.memory_space<semaphore_mem>> -> memref<1x!tpu.dma_semaphore, #tpu.memory_space<semaphore_mem>>
    %dma_start3A_61 = tpu.memref_squeeze %dma_start3A_60 : memref<1x!tpu.dma_semaphore, #tpu.memory_space<semaphore_mem>> -> memref<!tpu.dma_semaphore, #tpu.memory_space<semaphore_mem>>
    tpu.enqueue_indirect_dma source(%dma_start3A_59 : memref<57344x128xf32, #tpu.memory_space<hbm>>) target(%dma_start3A_53 : memref<128x128xf32, #tpu.memory_space<vmem>>) offsets(%dma_start3A_56 : memref<128xi32, #tpu.memory_space<vmem>>) semaphore(%dma_start3A_61 : memref<!tpu.dma_semaphore, #tpu.memory_space<semaphore_mem>>)
    %dma_wait3A = arith.constant 0 : i32
    %dma_wait3A_62 = arith.constant 0 : i32
    %dma_wait3A_63 = arith.constant 0 : i32
    %dma_wait3A_64 = arith.constant 0 : i32
    %dma_wait3A_65 = arith.constant 0 : i32
    %dma_wait3A_66 = tpu.memref_slice %arg6[%dma_wait3A_62, %dma_wait3A_64, %dma_wait3A_65] : memref<4x128x128xf32, #tpu.memory_space<vmem>> -> memref<1x128x128xf32, #tpu.memory_space<vmem>>
    %dma_wait3A_67 = tpu.memref_squeeze %dma_wait3A_66 : memref<1x128x128xf32, #tpu.memory_space<vmem>> -> memref<128x128xf32, #tpu.memory_space<vmem>>
    %dma_wait3A_68 = arith.constant 0 : i32
    %dma_wait3A_69 = tpu.memref_slice %arg5[%dma_wait3A, %dma_wait3A_68] : memref<8x128xi32, #tpu.memory_space<vmem>> -> memref<1x128xi32, #tpu.memory_space<vmem>>
    %dma_wait3A_70 = tpu.memref_squeeze %dma_wait3A_69 : memref<1x128xi32, #tpu.memory_space<vmem>> -> memref<128xi32, #tpu.memory_space<vmem>>
    %dma_wait3A_71 = arith.constant 0 : i32
    %dma_wait3A_72 = arith.constant 0 : i32
    %dma_wait3A_73 = tpu.memref_slice %arg3[%dma_wait3A_71, %dma_wait3A_72] : memref<57344x128xf32, #tpu.memory_space<hbm>> -> memref<57344x128xf32, #tpu.memory_space<hbm>>
    %dma_wait3A_74 = tpu.memref_slice %arg7[%dma_wait3A_63] : memref<4x!tpu.dma_semaphore, #tpu.memory_space<semaphore_mem>> -> memref<1x!tpu.dma_semaphore, #tpu.memory_space<semaphore_mem>>
    %dma_wait3A_75 = tpu.memref_squeeze %dma_wait3A_74 : memref<1x!tpu.dma_semaphore, #tpu.memory_space<semaphore_mem>> -> memref<!tpu.dma_semaphore, #tpu.memory_space<semaphore_mem>>
    tpu.wait_indirect_dma semaphore(%dma_wait3A_75 : memref<!tpu.dma_semaphore, #tpu.memory_space<semaphore_mem>>) src(%dma_wait3A_73 : memref<57344x128xf32, #tpu.memory_space<hbm>>) dst(%dma_wait3A_67 : memref<128x128xf32, #tpu.memory_space<vmem>>)
    %add3A_76 = arith.constant 0 : i32
    %add3A_77 = arith.addi %mul3A_2, %add3A_76 : i32
    %dma_start3A_78 = arith.constant 0 : i32
    %dma_start3A_79 = arith.constant 0 : i32
    %dma_start3A_80 = arith.constant 0 : i32
    %dma_start3A_81 = arith.constant 0 : i32
    %dma_start3A_82 = tpu.memref_slice %arg6[%dma_start3A_78, %dma_start3A_80, %dma_start3A_81] : memref<4x128x128xf32, #tpu.memory_space<vmem>> -> memref<1x128x128xf32, #tpu.memory_space<vmem>>
    %dma_start3A_83 = tpu.memref_squeeze %dma_start3A_82 : memref<1x128x128xf32, #tpu.memory_space<vmem>> -> memref<128x128xf32, #tpu.memory_space<vmem>>
    %dma_start3A_84 = arith.constant 0 : i32
    %dma_start3A_85 = tpu.memref_slice %arg4[%add3A_77, %dma_start3A_84] : memref<16384x128xf32, #tpu.memory_space<hbm>> -> memref<128x128xf32, #tpu.memory_space<hbm>>
    %dma_start3A_86 = tpu.memref_slice %arg8[%dma_start3A_79] : memref<4x!tpu.dma_semaphore, #tpu.memory_space<semaphore_mem>> -> memref<1x!tpu.dma_semaphore, #tpu.memory_space<semaphore_mem>>
    %dma_start3A_87 = tpu.memref_squeeze %dma_start3A_86 : memref<1x!tpu.dma_semaphore, #tpu.memory_space<semaphore_mem>> -> memref<!tpu.dma_semaphore, #tpu.memory_space<semaphore_mem>>
    %dma_start3A_88 = arith.constant 0 : i32
    %dma_start3A_89 = tpu.memref_slice %arg4[%add3A_77, %dma_start3A_88] : memref<16384x128xf32, #tpu.memory_space<hbm>> -> memref<128x128xf32, #tpu.memory_space<hbm>>
    %dma_start3A_90 = arith.constant 0 : i32
    %dma_start3A_91 = arith.constant 0 : i32
    %dma_start3A_92 = tpu.memref_slice %arg6[%dma_start3A_78, %dma_start3A_90, %dma_start3A_91] : memref<4x128x128xf32, #tpu.memory_space<vmem>> -> memref<1x128x128xf32, #tpu.memory_space<vmem>>
    %dma_start3A_93 = tpu.memref_squeeze %dma_start3A_92 : memref<1x128x128xf32, #tpu.memory_space<vmem>> -> memref<128x128xf32, #tpu.memory_space<vmem>>
    tpu.enqueue_dma source(%dma_start3A_93 : memref<128x128xf32, #tpu.memory_space<vmem>>) target(%dma_start3A_89 : memref<128x128xf32, #tpu.memory_space<hbm>>) target_semaphore(%dma_start3A_87 : memref<!tpu.dma_semaphore, #tpu.memory_space<semaphore_mem>>)
    %dma_wait3A_94 = arith.constant 1 : i32
    %dma_wait3A_95 = arith.constant 1 : i32
    %dma_wait3A_96 = arith.constant 1 : i32
    %dma_wait3A_97 = arith.constant 0 : i32
    %dma_wait3A_98 = arith.constant 0 : i32
    %dma_wait3A_99 = tpu.memref_slice %arg6[%dma_wait3A_95, %dma_wait3A_97, %dma_wait3A_98] : memref<4x128x128xf32, #tpu.memory_space<vmem>> -> memref<1x128x128xf32, #tpu.memory_space<vmem>>
    %dma_wait3A_100 = tpu.memref_squeeze %dma_wait3A_99 : memref<1x128x128xf32, #tpu.memory_space<vmem>> -> memref<128x128xf32, #tpu.memory_space<vmem>>
    %dma_wait3A_101 = arith.constant 0 : i32
    %dma_wait3A_102 = tpu.memref_slice %arg5[%dma_wait3A_94, %dma_wait3A_101] : memref<8x128xi32, #tpu.memory_space<vmem>> -> memref<1x128xi32, #tpu.memory_space<vmem>>
    %dma_wait3A_103 = tpu.memref_squeeze %dma_wait3A_102 : memref<1x128xi32, #tpu.memory_space<vmem>> -> memref<128xi32, #tpu.memory_space<vmem>>
    %dma_wait3A_104 = arith.constant 0 : i32
    %dma_wait3A_105 = arith.constant 0 : i32
    %dma_wait3A_106 = tpu.memref_slice %arg3[%dma_wait3A_104, %dma_wait3A_105] : memref<57344x128xf32, #tpu.memory_space<hbm>> -> memref<57344x128xf32, #tpu.memory_space<hbm>>
    %dma_wait3A_107 = tpu.memref_slice %arg7[%dma_wait3A_96] : memref<4x!tpu.dma_semaphore, #tpu.memory_space<semaphore_mem>> -> memref<1x!tpu.dma_semaphore, #tpu.memory_space<semaphore_mem>>
    %dma_wait3A_108 = tpu.memref_squeeze %dma_wait3A_107 : memref<1x!tpu.dma_semaphore, #tpu.memory_space<semaphore_mem>> -> memref<!tpu.dma_semaphore, #tpu.memory_space<semaphore_mem>>
    tpu.wait_indirect_dma semaphore(%dma_wait3A_108 : memref<!tpu.dma_semaphore, #tpu.memory_space<semaphore_mem>>) src(%dma_wait3A_106 : memref<57344x128xf32, #tpu.memory_space<hbm>>) dst(%dma_wait3A_100 : memref<128x128xf32, #tpu.memory_space<vmem>>)
    %add3A_109 = arith.constant 128 : i32
    %add3A_110 = arith.addi %mul3A_2, %add3A_109 : i32
    %dma_start3A_111 = arith.constant 1 : i32
    %dma_start3A_112 = arith.constant 1 : i32
    %dma_start3A_113 = arith.constant 0 : i32
    %dma_start3A_114 = arith.constant 0 : i32
    %dma_start3A_115 = tpu.memref_slice %arg6[%dma_start3A_111, %dma_start3A_113, %dma_start3A_114] : memref<4x128x128xf32, #tpu.memory_space<vmem>> -> memref<1x128x128xf32, #tpu.memory_space<vmem>>
    %dma_start3A_116 = tpu.memref_squeeze %dma_start3A_115 : memref<1x128x128xf32, #tpu.memory_space<vmem>> -> memref<128x128xf32, #tpu.memory_space<vmem>>
    %dma_start3A_117 = arith.constant 0 : i32
    %dma_start3A_118 = tpu.memref_slice %arg4[%add3A_110, %dma_start3A_117] : memref<16384x128xf32, #tpu.memory_space<hbm>> -> memref<128x128xf32, #tpu.memory_space<hbm>>
    %dma_start3A_119 = tpu.memref_slice %arg8[%dma_start3A_112] : memref<4x!tpu.dma_semaphore, #tpu.memory_space<semaphore_mem>> -> memref<1x!tpu.dma_semaphore, #tpu.memory_space<semaphore_mem>>
    %dma_start3A_120 = tpu.memref_squeeze %dma_start3A_119 : memref<1x!tpu.dma_semaphore, #tpu.memory_space<semaphore_mem>> -> memref<!tpu.dma_semaphore, #tpu.memory_space<semaphore_mem>>
    %dma_start3A_121 = arith.constant 0 : i32
    %dma_start3A_122 = tpu.memref_slice %arg4[%add3A_110, %dma_start3A_121] : memref<16384x128xf32, #tpu.memory_space<hbm>> -> memref<128x128xf32, #tpu.memory_space<hbm>>
    %dma_start3A_123 = arith.constant 0 : i32
    %dma_start3A_124 = arith.constant 0 : i32
    %dma_start3A_125 = tpu.memref_slice %arg6[%dma_start3A_111, %dma_start3A_123, %dma_start3A_124] : memref<4x128x128xf32, #tpu.memory_space<vmem>> -> memref<1x128x128xf32, #tpu.memory_space<vmem>>
    %dma_start3A_126 = tpu.memref_squeeze %dma_start3A_125 : memref<1x128x128xf32, #tpu.memory_space<vmem>> -> memref<128x128xf32, #tpu.memory_space<vmem>>
    tpu.enqueue_dma source(%dma_start3A_126 : memref<128x128xf32, #tpu.memory_space<vmem>>) target(%dma_start3A_122 : memref<128x128xf32, #tpu.memory_space<hbm>>) target_semaphore(%dma_start3A_120 : memref<!tpu.dma_semaphore, #tpu.memory_space<semaphore_mem>>)
    %dma_wait3A_127 = arith.constant 2 : i32
    %dma_wait3A_128 = arith.constant 2 : i32
    %dma_wait3A_129 = arith.constant 2 : i32
    %dma_wait3A_130 = arith.constant 0 : i32
    %dma_wait3A_131 = arith.constant 0 : i32
    %dma_wait3A_132 = tpu.memref_slice %arg6[%dma_wait3A_128, %dma_wait3A_130, %dma_wait3A_131] : memref<4x128x128xf32, #tpu.memory_space<vmem>> -> memref<1x128x128xf32, #tpu.memory_space<vmem>>
    %dma_wait3A_133 = tpu.memref_squeeze %dma_wait3A_132 : memref<1x128x128xf32, #tpu.memory_space<vmem>> -> memref<128x128xf32, #tpu.memory_space<vmem>>
    %dma_wait3A_134 = arith.constant 0 : i32
    %dma_wait3A_135 = tpu.memref_slice %arg5[%dma_wait3A_127, %dma_wait3A_134] : memref<8x128xi32, #tpu.memory_space<vmem>> -> memref<1x128xi32, #tpu.memory_space<vmem>>
    %dma_wait3A_136 = tpu.memref_squeeze %dma_wait3A_135 : memref<1x128xi32, #tpu.memory_space<vmem>> -> memref<128xi32, #tpu.memory_space<vmem>>
    %dma_wait3A_137 = arith.constant 0 : i32
    %dma_wait3A_138 = arith.constant 0 : i32
    %dma_wait3A_139 = tpu.memref_slice %arg3[%dma_wait3A_137, %dma_wait3A_138] : memref<57344x128xf32, #tpu.memory_space<hbm>> -> memref<57344x128xf32, #tpu.memory_space<hbm>>
    %dma_wait3A_140 = tpu.memref_slice %arg7[%dma_wait3A_129] : memref<4x!tpu.dma_semaphore, #tpu.memory_space<semaphore_mem>> -> memref<1x!tpu.dma_semaphore, #tpu.memory_space<semaphore_mem>>
    %dma_wait3A_141 = tpu.memref_squeeze %dma_wait3A_140 : memref<1x!tpu.dma_semaphore, #tpu.memory_space<semaphore_mem>> -> memref<!tpu.dma_semaphore, #tpu.memory_space<semaphore_mem>>
    tpu.wait_indirect_dma semaphore(%dma_wait3A_141 : memref<!tpu.dma_semaphore, #tpu.memory_space<semaphore_mem>>) src(%dma_wait3A_139 : memref<57344x128xf32, #tpu.memory_space<hbm>>) dst(%dma_wait3A_133 : memref<128x128xf32, #tpu.memory_space<vmem>>)
    %add3A_142 = arith.constant 256 : i32
    %add3A_143 = arith.addi %mul3A_2, %add3A_142 : i32
    %dma_start3A_144 = arith.constant 2 : i32
    %dma_start3A_145 = arith.constant 2 : i32
    %dma_start3A_146 = arith.constant 0 : i32
    %dma_start3A_147 = arith.constant 0 : i32
    %dma_start3A_148 = tpu.memref_slice %arg6[%dma_start3A_144, %dma_start3A_146, %dma_start3A_147] : memref<4x128x128xf32, #tpu.memory_space<vmem>> -> memref<1x128x128xf32, #tpu.memory_space<vmem>>
    %dma_start3A_149 = tpu.memref_squeeze %dma_start3A_148 : memref<1x128x128xf32, #tpu.memory_space<vmem>> -> memref<128x128xf32, #tpu.memory_space<vmem>>
    %dma_start3A_150 = arith.constant 0 : i32
    %dma_start3A_151 = tpu.memref_slice %arg4[%add3A_143, %dma_start3A_150] : memref<16384x128xf32, #tpu.memory_space<hbm>> -> memref<128x128xf32, #tpu.memory_space<hbm>>
    %dma_start3A_152 = tpu.memref_slice %arg8[%dma_start3A_145] : memref<4x!tpu.dma_semaphore, #tpu.memory_space<semaphore_mem>> -> memref<1x!tpu.dma_semaphore, #tpu.memory_space<semaphore_mem>>
    %dma_start3A_153 = tpu.memref_squeeze %dma_start3A_152 : memref<1x!tpu.dma_semaphore, #tpu.memory_space<semaphore_mem>> -> memref<!tpu.dma_semaphore, #tpu.memory_space<semaphore_mem>>
    %dma_start3A_154 = arith.constant 0 : i32
    %dma_start3A_155 = tpu.memref_slice %arg4[%add3A_143, %dma_start3A_154] : memref<16384x128xf32, #tpu.memory_space<hbm>> -> memref<128x128xf32, #tpu.memory_space<hbm>>
    %dma_start3A_156 = arith.constant 0 : i32
    %dma_start3A_157 = arith.constant 0 : i32
    %dma_start3A_158 = tpu.memref_slice %arg6[%dma_start3A_144, %dma_start3A_156, %dma_start3A_157] : memref<4x128x128xf32, #tpu.memory_space<vmem>> -> memref<1x128x128xf32, #tpu.memory_space<vmem>>
    %dma_start3A_159 = tpu.memref_squeeze %dma_start3A_158 : memref<1x128x128xf32, #tpu.memory_space<vmem>> -> memref<128x128xf32, #tpu.memory_space<vmem>>
    tpu.enqueue_dma source(%dma_start3A_159 : memref<128x128xf32, #tpu.memory_space<vmem>>) target(%dma_start3A_155 : memref<128x128xf32, #tpu.memory_space<hbm>>) target_semaphore(%dma_start3A_153 : memref<!tpu.dma_semaphore, #tpu.memory_space<semaphore_mem>>)
    %dma_wait3A_160 = arith.constant 3 : i32
    %dma_wait3A_161 = arith.constant 3 : i32
    %dma_wait3A_162 = arith.constant 3 : i32
    %dma_wait3A_163 = arith.constant 0 : i32
    %dma_wait3A_164 = arith.constant 0 : i32
    %dma_wait3A_165 = tpu.memref_slice %arg6[%dma_wait3A_161, %dma_wait3A_163, %dma_wait3A_164] : memref<4x128x128xf32, #tpu.memory_space<vmem>> -> memref<1x128x128xf32, #tpu.memory_space<vmem>>
    %dma_wait3A_166 = tpu.memref_squeeze %dma_wait3A_165 : memref<1x128x128xf32, #tpu.memory_space<vmem>> -> memref<128x128xf32, #tpu.memory_space<vmem>>
    %dma_wait3A_167 = arith.constant 0 : i32
    %dma_wait3A_168 = tpu.memref_slice %arg5[%dma_wait3A_160, %dma_wait3A_167] : memref<8x128xi32, #tpu.memory_space<vmem>> -> memref<1x128xi32, #tpu.memory_space<vmem>>
    %dma_wait3A_169 = tpu.memref_squeeze %dma_wait3A_168 : memref<1x128xi32, #tpu.memory_space<vmem>> -> memref<128xi32, #tpu.memory_space<vmem>>
    %dma_wait3A_170 = arith.constant 0 : i32
    %dma_wait3A_171 = arith.constant 0 : i32
    %dma_wait3A_172 = tpu.memref_slice %arg3[%dma_wait3A_170, %dma_wait3A_171] : memref<57344x128xf32, #tpu.memory_space<hbm>> -> memref<57344x128xf32, #tpu.memory_space<hbm>>
    %dma_wait3A_173 = tpu.memref_slice %arg7[%dma_wait3A_162] : memref<4x!tpu.dma_semaphore, #tpu.memory_space<semaphore_mem>> -> memref<1x!tpu.dma_semaphore, #tpu.memory_space<semaphore_mem>>
    %dma_wait3A_174 = tpu.memref_squeeze %dma_wait3A_173 : memref<1x!tpu.dma_semaphore, #tpu.memory_space<semaphore_mem>> -> memref<!tpu.dma_semaphore, #tpu.memory_space<semaphore_mem>>
    tpu.wait_indirect_dma semaphore(%dma_wait3A_174 : memref<!tpu.dma_semaphore, #tpu.memory_space<semaphore_mem>>) src(%dma_wait3A_172 : memref<57344x128xf32, #tpu.memory_space<hbm>>) dst(%dma_wait3A_166 : memref<128x128xf32, #tpu.memory_space<vmem>>)
    %add3A_175 = arith.constant 384 : i32
    %add3A_176 = arith.addi %mul3A_2, %add3A_175 : i32
    %dma_start3A_177 = arith.constant 3 : i32
    %dma_start3A_178 = arith.constant 3 : i32
    %dma_start3A_179 = arith.constant 0 : i32
    %dma_start3A_180 = arith.constant 0 : i32
    %dma_start3A_181 = tpu.memref_slice %arg6[%dma_start3A_177, %dma_start3A_179, %dma_start3A_180] : memref<4x128x128xf32, #tpu.memory_space<vmem>> -> memref<1x128x128xf32, #tpu.memory_space<vmem>>
    %dma_start3A_182 = tpu.memref_squeeze %dma_start3A_181 : memref<1x128x128xf32, #tpu.memory_space<vmem>> -> memref<128x128xf32, #tpu.memory_space<vmem>>
    %dma_start3A_183 = arith.constant 0 : i32
    %dma_start3A_184 = tpu.memref_slice %arg4[%add3A_176, %dma_start3A_183] : memref<16384x128xf32, #tpu.memory_space<hbm>> -> memref<128x128xf32, #tpu.memory_space<hbm>>
    %dma_start3A_185 = tpu.memref_slice %arg8[%dma_start3A_178] : memref<4x!tpu.dma_semaphore, #tpu.memory_space<semaphore_mem>> -> memref<1x!tpu.dma_semaphore, #tpu.memory_space<semaphore_mem>>
    %dma_start3A_186 = tpu.memref_squeeze %dma_start3A_185 : memref<1x!tpu.dma_semaphore, #tpu.memory_space<semaphore_mem>> -> memref<!tpu.dma_semaphore, #tpu.memory_space<semaphore_mem>>
    %dma_start3A_187 = arith.constant 0 : i32
    %dma_start3A_188 = tpu.memref_slice %arg4[%add3A_176, %dma_start3A_187] : memref<16384x128xf32, #tpu.memory_space<hbm>> -> memref<128x128xf32, #tpu.memory_space<hbm>>
    %dma_start3A_189 = arith.constant 0 : i32
    %dma_start3A_190 = arith.constant 0 : i32
    %dma_start3A_191 = tpu.memref_slice %arg6[%dma_start3A_177, %dma_start3A_189, %dma_start3A_190] : memref<4x128x128xf32, #tpu.memory_space<vmem>> -> memref<1x128x128xf32, #tpu.memory_space<vmem>>
    %dma_start3A_192 = tpu.memref_squeeze %dma_start3A_191 : memref<1x128x128xf32, #tpu.memory_space<vmem>> -> memref<128x128xf32, #tpu.memory_space<vmem>>
    tpu.enqueue_dma source(%dma_start3A_192 : memref<128x128xf32, #tpu.memory_space<vmem>>) target(%dma_start3A_188 : memref<128x128xf32, #tpu.memory_space<hbm>>) target_semaphore(%dma_start3A_186 : memref<!tpu.dma_semaphore, #tpu.memory_space<semaphore_mem>>)
    %dma_wait3A_193 = arith.constant 0 : i32
    %dma_wait3A_194 = arith.constant 0 : i32
    %dma_wait3A_195 = arith.constant 0 : i32
    %dma_wait3A_196 = arith.constant 0 : i32
    %dma_wait3A_197 = tpu.memref_slice %arg6[%dma_wait3A_193, %dma_wait3A_195, %dma_wait3A_196] : memref<4x128x128xf32, #tpu.memory_space<vmem>> -> memref<1x128x128xf32, #tpu.memory_space<vmem>>
    %dma_wait3A_198 = tpu.memref_squeeze %dma_wait3A_197 : memref<1x128x128xf32, #tpu.memory_space<vmem>> -> memref<128x128xf32, #tpu.memory_space<vmem>>
    %dma_wait3A_199 = arith.constant 0 : i32
    %dma_wait3A_200 = tpu.memref_slice %arg4[%add3A_77, %dma_wait3A_199] : memref<16384x128xf32, #tpu.memory_space<hbm>> -> memref<128x128xf32, #tpu.memory_space<hbm>>
    %dma_wait3A_201 = tpu.memref_slice %arg8[%dma_wait3A_194] : memref<4x!tpu.dma_semaphore, #tpu.memory_space<semaphore_mem>> -> memref<1x!tpu.dma_semaphore, #tpu.memory_space<semaphore_mem>>
    %dma_wait3A_202 = tpu.memref_squeeze %dma_wait3A_201 : memref<1x!tpu.dma_semaphore, #tpu.memory_space<semaphore_mem>> -> memref<!tpu.dma_semaphore, #tpu.memory_space<semaphore_mem>>
    %dma_wait3A_203 = arith.constant 0 : i32
    %dma_wait3A_204 = tpu.memref_slice %arg4[%add3A_77, %dma_wait3A_203] : memref<16384x128xf32, #tpu.memory_space<hbm>> -> memref<128x128xf32, #tpu.memory_space<hbm>>
    %dma_wait3A_205 = arith.constant 0 : i32
    %dma_wait3A_206 = arith.constant 0 : i32
    %dma_wait3A_207 = tpu.memref_slice %arg6[%dma_wait3A_193, %dma_wait3A_205, %dma_wait3A_206] : memref<4x128x128xf32, #tpu.memory_space<vmem>> -> memref<1x128x128xf32, #tpu.memory_space<vmem>>
    %dma_wait3A_208 = tpu.memref_squeeze %dma_wait3A_207 : memref<1x128x128xf32, #tpu.memory_space<vmem>> -> memref<128x128xf32, #tpu.memory_space<vmem>>
    tpu.wait_dma2 semaphore(%dma_wait3A_202 : memref<!tpu.dma_semaphore, #tpu.memory_space<semaphore_mem>>) src(%dma_wait3A_208 : memref<128x128xf32, #tpu.memory_space<vmem>>) dst(%dma_wait3A_204 : memref<128x128xf32, #tpu.memory_space<hbm>>)
    %dma_wait3A_209 = arith.constant 1 : i32
    %dma_wait3A_210 = arith.constant 1 : i32
    %dma_wait3A_211 = arith.constant 0 : i32
    %dma_wait3A_212 = arith.constant 0 : i32
    %dma_wait3A_213 = tpu.memref_slice %arg6[%dma_wait3A_209, %dma_wait3A_211, %dma_wait3A_212] : memref<4x128x128xf32, #tpu.memory_space<vmem>> -> memref<1x128x128xf32, #tpu.memory_space<vmem>>
    %dma_wait3A_214 = tpu.memref_squeeze %dma_wait3A_213 : memref<1x128x128xf32, #tpu.memory_space<vmem>> -> memref<128x128xf32, #tpu.memory_space<vmem>>
    %dma_wait3A_215 = arith.constant 0 : i32
    %dma_wait3A_216 = tpu.memref_slice %arg4[%add3A_110, %dma_wait3A_215] : memref<16384x128xf32, #tpu.memory_space<hbm>> -> memref<128x128xf32, #tpu.memory_space<hbm>>
    %dma_wait3A_217 = tpu.memref_slice %arg8[%dma_wait3A_210] : memref<4x!tpu.dma_semaphore, #tpu.memory_space<semaphore_mem>> -> memref<1x!tpu.dma_semaphore, #tpu.memory_space<semaphore_mem>>
    %dma_wait3A_218 = tpu.memref_squeeze %dma_wait3A_217 : memref<1x!tpu.dma_semaphore, #tpu.memory_space<semaphore_mem>> -> memref<!tpu.dma_semaphore, #tpu.memory_space<semaphore_mem>>
    %dma_wait3A_219 = arith.constant 0 : i32
    %dma_wait3A_220 = tpu.memref_slice %arg4[%add3A_110, %dma_wait3A_219] : memref<16384x128xf32, #tpu.memory_space<hbm>> -> memref<128x128xf32, #tpu.memory_space<hbm>>
    %dma_wait3A_221 = arith.constant 0 : i32
    %dma_wait3A_222 = arith.constant 0 : i32
    %dma_wait3A_223 = tpu.memref_slice %arg6[%dma_wait3A_209, %dma_wait3A_221, %dma_wait3A_222] : memref<4x128x128xf32, #tpu.memory_space<vmem>> -> memref<1x128x128xf32, #tpu.memory_space<vmem>>
    %dma_wait3A_224 = tpu.memref_squeeze %dma_wait3A_223 : memref<1x128x128xf32, #tpu.memory_space<vmem>> -> memref<128x128xf32, #tpu.memory_space<vmem>>
    tpu.wait_dma2 semaphore(%dma_wait3A_218 : memref<!tpu.dma_semaphore, #tpu.memory_space<semaphore_mem>>) src(%dma_wait3A_224 : memref<128x128xf32, #tpu.memory_space<vmem>>) dst(%dma_wait3A_220 : memref<128x128xf32, #tpu.memory_space<hbm>>)
    %dma_wait3A_225 = arith.constant 2 : i32
    %dma_wait3A_226 = arith.constant 2 : i32
    %dma_wait3A_227 = arith.constant 0 : i32
    %dma_wait3A_228 = arith.constant 0 : i32
    %dma_wait3A_229 = tpu.memref_slice %arg6[%dma_wait3A_225, %dma_wait3A_227, %dma_wait3A_228] : memref<4x128x128xf32, #tpu.memory_space<vmem>> -> memref<1x128x128xf32, #tpu.memory_space<vmem>>
    %dma_wait3A_230 = tpu.memref_squeeze %dma_wait3A_229 : memref<1x128x128xf32, #tpu.memory_space<vmem>> -> memref<128x128xf32, #tpu.memory_space<vmem>>
    %dma_wait3A_231 = arith.constant 0 : i32
    %dma_wait3A_232 = tpu.memref_slice %arg4[%add3A_143, %dma_wait3A_231] : memref<16384x128xf32, #tpu.memory_space<hbm>> -> memref<128x128xf32, #tpu.memory_space<hbm>>
    %dma_wait3A_233 = tpu.memref_slice %arg8[%dma_wait3A_226] : memref<4x!tpu.dma_semaphore, #tpu.memory_space<semaphore_mem>> -> memref<1x!tpu.dma_semaphore, #tpu.memory_space<semaphore_mem>>
    %dma_wait3A_234 = tpu.memref_squeeze %dma_wait3A_233 : memref<1x!tpu.dma_semaphore, #tpu.memory_space<semaphore_mem>> -> memref<!tpu.dma_semaphore, #tpu.memory_space<semaphore_mem>>
    %dma_wait3A_235 = arith.constant 0 : i32
    %dma_wait3A_236 = tpu.memref_slice %arg4[%add3A_143, %dma_wait3A_235] : memref<16384x128xf32, #tpu.memory_space<hbm>> -> memref<128x128xf32, #tpu.memory_space<hbm>>
    %dma_wait3A_237 = arith.constant 0 : i32
    %dma_wait3A_238 = arith.constant 0 : i32
    %dma_wait3A_239 = tpu.memref_slice %arg6[%dma_wait3A_225, %dma_wait3A_237, %dma_wait3A_238] : memref<4x128x128xf32, #tpu.memory_space<vmem>> -> memref<1x128x128xf32, #tpu.memory_space<vmem>>
    %dma_wait3A_240 = tpu.memref_squeeze %dma_wait3A_239 : memref<1x128x128xf32, #tpu.memory_space<vmem>> -> memref<128x128xf32, #tpu.memory_space<vmem>>
    tpu.wait_dma2 semaphore(%dma_wait3A_234 : memref<!tpu.dma_semaphore, #tpu.memory_space<semaphore_mem>>) src(%dma_wait3A_240 : memref<128x128xf32, #tpu.memory_space<vmem>>) dst(%dma_wait3A_236 : memref<128x128xf32, #tpu.memory_space<hbm>>)
    %dma_wait3A_241 = arith.constant 3 : i32
    %dma_wait3A_242 = arith.constant 3 : i32
    %dma_wait3A_243 = arith.constant 0 : i32
    %dma_wait3A_244 = arith.constant 0 : i32
    %dma_wait3A_245 = tpu.memref_slice %arg6[%dma_wait3A_241, %dma_wait3A_243, %dma_wait3A_244] : memref<4x128x128xf32, #tpu.memory_space<vmem>> -> memref<1x128x128xf32, #tpu.memory_space<vmem>>
    %dma_wait3A_246 = tpu.memref_squeeze %dma_wait3A_245 : memref<1x128x128xf32, #tpu.memory_space<vmem>> -> memref<128x128xf32, #tpu.memory_space<vmem>>
    %dma_wait3A_247 = arith.constant 0 : i32
    %dma_wait3A_248 = tpu.memref_slice %arg4[%add3A_176, %dma_wait3A_247] : memref<16384x128xf32, #tpu.memory_space<hbm>> -> memref<128x128xf32, #tpu.memory_space<hbm>>
    %dma_wait3A_249 = tpu.memref_slice %arg8[%dma_wait3A_242] : memref<4x!tpu.dma_semaphore, #tpu.memory_space<semaphore_mem>> -> memref<1x!tpu.dma_semaphore, #tpu.memory_space<semaphore_mem>>
    %dma_wait3A_250 = tpu.memref_squeeze %dma_wait3A_249 : memref<1x!tpu.dma_semaphore, #tpu.memory_space<semaphore_mem>> -> memref<!tpu.dma_semaphore, #tpu.memory_space<semaphore_mem>>
    %dma_wait3A_251 = arith.constant 0 : i32
    %dma_wait3A_252 = tpu.memref_slice %arg4[%add3A_176, %dma_wait3A_251] : memref<16384x128xf32, #tpu.memory_space<hbm>> -> memref<128x128xf32, #tpu.memory_space<hbm>>
    %dma_wait3A_253 = arith.constant 0 : i32
    %dma_wait3A_254 = arith.constant 0 : i32
    %dma_wait3A_255 = tpu.memref_slice %arg6[%dma_wait3A_241, %dma_wait3A_253, %dma_wait3A_254] : memref<4x128x128xf32, #tpu.memory_space<vmem>> -> memref<1x128x128xf32, #tpu.memory_space<vmem>>
    %dma_wait3A_256 = tpu.memref_squeeze %dma_wait3A_255 : memref<1x128x128xf32, #tpu.memory_space<vmem>> -> memref<128x128xf32, #tpu.memory_space<vmem>>
    tpu.wait_dma2 semaphore(%dma_wait3A_250 : memref<!tpu.dma_semaphore, #tpu.memory_space<semaphore_mem>>) src(%dma_wait3A_256 : memref<128x128xf32, #tpu.memory_space<vmem>>) dst(%dma_wait3A_252 : memref<128x128xf32, #tpu.memory_space<hbm>>)
    return
  }
}

module attributes {stable_mosaic.version = 14 : i64} {
  func.func @_tp_body(%arg0: i32, %arg1: memref<64x8192xf32, #tpu.memory_space<vmem>>, %arg2: memref<64x8192xf32, #tpu.memory_space<vmem>>, %arg3: memref<8192x128xf32, #tpu.memory_space<vmem>>) attributes {dimension_semantics = [#tpu.dimension_semantics<arbitrary>], iteration_bounds = array<i64: 7>, scalar_prefetch = 0 : i64, scratch_operands = 0 : i64, tpu.core_type = #tpu.core_type<tc>, window_params = [{transform_indices = @transform_0, window_bounds = array<i64: 64, 8192>}, {transform_indices = @transform_1, window_bounds = array<i64: 64, 8192>}, {transform_indices = @transform_2, window_bounds = array<i64: 8192, 128>}]} {
    %get3A = arith.constant 0 : index
    %get3A_0 = arith.constant 0 : index
    %get3A_1 = vector.load %arg1[%get3A, %get3A_0] : memref<64x8192xf32, #tpu.memory_space<vmem>>, vector<64x8192xf32>
    %transpose3A = tpu.transpose %get3A_1, [1, 0] : vector<64x8192xf32> -> vector<8192x64xf32>
    %get3A_2 = arith.constant 0 : index
    %get3A_3 = arith.constant 0 : index
    %get3A_4 = vector.load %arg2[%get3A_2, %get3A_3] : memref<64x8192xf32, #tpu.memory_space<vmem>>, vector<64x8192xf32>
    %transpose3A_5 = tpu.transpose %get3A_4, [1, 0] : vector<64x8192xf32> -> vector<8192x64xf32>
    %concatenate3A = tpu.concatenate %transpose3A, %transpose3A_5 in 1 : vector<8192x64xf32>, vector<8192x64xf32> -> vector<8192x128xf32>
    %swap3A = arith.constant 0 : index
    %swap3A_6 = arith.constant 0 : index
    %swap3A_7 = vector.load %arg3[%swap3A, %swap3A_6] : memref<8192x128xf32, #tpu.memory_space<vmem>>, vector<8192x128xf32>
    tpu.vector_store %arg3[%swap3A, %swap3A_6], %concatenate3A {strides = array<i32>} : memref<8192x128xf32, #tpu.memory_space<vmem>>, vector<8192x128xf32>,
    return
  }
  func.func @transform_0(%arg0: i32) -> (i32, i32) {
    %c0_i32 = arith.constant 0 : i32
    %c0_i32_0 = arith.constant 0 : i32
    return %c0_i32, %arg0 : i32, i32
  }
  func.func @transform_1(%arg0: i32) -> (i32, i32) {
    %add3A = arith.constant 7 : i32
    %add3A_0 = arith.addi %arg0, %add3A : i32
    %min3A = arith.constant 12 : i32
    %min3A_1 = arith.minsi %add3A_0, %min3A : i32
    %c0_i32 = arith.constant 0 : i32
    %c0_i32_2 = arith.constant 0 : i32
    return %c0_i32, %min3A_1 : i32, i32
  }
  func.func @transform_2(%arg0: i32) -> (i32, i32) {
    %c0_i32 = arith.constant 0 : i32
    %c0_i32_0 = arith.constant 0 : i32
    return %arg0, %c0_i32 : i32, i32
  }
}

module attributes {stable_mosaic.version = 14 : i64} {
  func.func @_mm_body(%arg0: i32, %arg1: memref<2048x128xf32, #tpu.memory_space<vmem>>, %arg2: memref<2048x128xf32, #tpu.memory_space<vmem>>, %arg3: memref<2048x128xf32, #tpu.memory_space<vmem>>, %arg4: memref<2048x128xf32, #tpu.memory_space<vmem>>, %arg5: memref<2048x128xf32, #tpu.memory_space<vmem>>, %arg6: memref<2048x5xi32, #tpu.memory_space<vmem>>, %arg7: memref<5x128x64xf32, #tpu.memory_space<vmem>>, %arg8: memref<1x64xf32, #tpu.memory_space<vmem>>, %arg9: memref<2048x64xf32, #tpu.memory_space<vmem>>) attributes {dimension_semantics = [#tpu.dimension_semantics<arbitrary>], iteration_bounds = array<i64: 8>, scalar_prefetch = 0 : i64, scratch_operands = 0 : i64, tpu.core_type = #tpu.core_type<tc>, window_params = [{transform_indices = @transform_0, window_bounds = array<i64: 2048, 128>}, {transform_indices = @transform_1, window_bounds = array<i64: 2048, 128>}, {transform_indices = @transform_2, window_bounds = array<i64: 2048, 128>}, {transform_indices = @transform_3, window_bounds = array<i64: 2048, 128>}, {transform_indices = @transform_4, window_bounds = array<i64: 2048, 128>}, {transform_indices = @transform_5, window_bounds = array<i64: 2048, 5>}, {pipeline_mode = #tpu.pipeline_mode<synchronous>, transform_indices = @transform_6, window_bounds = array<i64: 5, 128, 64>}, {pipeline_mode = #tpu.pipeline_mode<synchronous>, transform_indices = @transform_7, window_bounds = array<i64: 1, 64>}, {transform_indices = @transform_8, window_bounds = array<i64: 2048, 64>}]} {
    %iota3A = tpu.iota {dimensions = array<i32: 1>} : vector<2048x128xi32>
    %ge3A = arith.constant 64 : i32
    %ge3A_0 = vector.broadcast %ge3A : i32 to vector<2048x128xi32>
    %ge3A_1 = arith.cmpi sge, %iota3A, %ge3A_0 : vector<2048x128xi32>
    %convert_element_type3A = arith.extui %ge3A_1 : vector<2048x128xi1> to vector<2048x128xi32>
    %get3A = arith.constant 0 : index
    %get3A_2 = arith.constant 0 : index
    %get3A_3 = vector.load %arg8[%get3A, %get3A_2] : memref<1x64xf32, #tpu.memory_space<vmem>>, vector<1x64xf32>
    %get3A_4 = arith.constant 0 : index
    %get3A_5 = arith.constant 0 : index
    %get3A_6 = vector.load %arg6[%get3A_4, %get3A_5] : memref<2048x5xi32, #tpu.memory_space<vmem>>, vector<2048x1xi32>
    %ge3A_7 = arith.constant 57344 : i32
    %ge3A_8 = vector.broadcast %ge3A_7 : i32 to vector<2048x1xi32>
    %ge3A_9 = arith.cmpi sge, %get3A_6, %ge3A_8 : vector<2048x1xi32>
    %convert_element_type3A_10 = arith.extui %ge3A_9 : vector<2048x1xi1> to vector<2048x1xi32>
    %eq3A = vector.broadcast %convert_element_type3A_10 : vector<2048x1xi32> to vector<2048x128xi32>
    %eq3A_11 = arith.cmpi eq, %convert_element_type3A, %eq3A : vector<2048x128xi32>
    %get3A_12 = arith.constant 0 : index
    %get3A_13 = arith.constant 0 : index
    %get3A_14 = vector.load %arg1[%get3A_12, %get3A_13] : memref<2048x128xf32, #tpu.memory_space<vmem>>, vector<2048x128xf32>
    %jit3A = arith.constant 0.000000e+00 : f32
    %broadcast_in_dim3A = vector.broadcast %jit3A : f32 to vector<2048x128xf32>
    %select_n3A = arith.select %eq3A_11, %get3A_14, %broadcast_in_dim3A : vector<2048x128xi1>, vector<2048x128xf32>
    %get3A_15 = arith.constant 0 : index
    %get3A_16 = arith.constant 0 : index
    %get3A_17 = arith.constant 0 : index
    %get3A_18 = vector.load %arg7[%get3A_15, %get3A_16, %get3A_17] : memref<5x128x64xf32, #tpu.memory_space<vmem>>, vector<1x128x64xf32>
    %get3A_19 = vector.shape_cast %get3A_18 : vector<1x128x64xf32> to vector<128x64xf32>
    %dot_general3A = arith.constant dense<0.000000e+00> : vector<2048x64xf32>
    %dot_general3A_20 = tpu.matmul %select_n3A, %get3A_19, %dot_general3A {dimension_numbers = #tpu.dot_dimension_numbers<[1], [0], [0], [1], [0, 0, 1, 1], [], []>, transpose_lhs_hint = false} : vector<2048x128xf32>, vector<128x64xf32>, vector<2048x64xf32> -> vector<2048x64xf32>
    %add3A = vector.broadcast %get3A_3 : vector<1x64xf32> to vector<2048x64xf32>
    %add3A_21 = arith.addf %add3A, %dot_general3A_20 : vector<2048x64xf32>
    %get3A_22 = arith.constant 0 : index
    %get3A_23 = arith.constant 1 : index
    %get3A_24 = vector.load %arg6[%get3A_22, %get3A_23] : memref<2048x5xi32, #tpu.memory_space<vmem>>, vector<2048x1xi32>
    %ge3A_25 = arith.constant 57344 : i32
    %ge3A_26 = vector.broadcast %ge3A_25 : i32 to vector<2048x1xi32>
    %ge3A_27 = arith.cmpi sge, %get3A_24, %ge3A_26 : vector<2048x1xi32>
    %convert_element_type3A_28 = arith.extui %ge3A_27 : vector<2048x1xi1> to vector<2048x1xi32>
    %eq3A_29 = vector.broadcast %convert_element_type3A_28 : vector<2048x1xi32> to vector<2048x128xi32>
    %eq3A_30 = arith.cmpi eq, %convert_element_type3A, %eq3A_29 : vector<2048x128xi32>
    %get3A_31 = arith.constant 0 : index
    %get3A_32 = arith.constant 0 : index
    %get3A_33 = vector.load %arg2[%get3A_31, %get3A_32] : memref<2048x128xf32, #tpu.memory_space<vmem>>, vector<2048x128xf32>
    %jit3A_34 = arith.constant 0.000000e+00 : f32
    %broadcast_in_dim3A_35 = vector.broadcast %jit3A_34 : f32 to vector<2048x128xf32>
    %select_n3A_36 = arith.select %eq3A_30, %get3A_33, %broadcast_in_dim3A_35 : vector<2048x128xi1>, vector<2048x128xf32>
    %get3A_37 = arith.constant 1 : index
    %get3A_38 = arith.constant 0 : index
    %get3A_39 = arith.constant 0 : index
    %get3A_40 = vector.load %arg7[%get3A_37, %get3A_38, %get3A_39] : memref<5x128x64xf32, #tpu.memory_space<vmem>>, vector<1x128x64xf32>
    %get3A_41 = vector.shape_cast %get3A_40 : vector<1x128x64xf32> to vector<128x64xf32>
    %dot_general3A_42 = arith.constant dense<0.000000e+00> : vector<2048x64xf32>
    %dot_general3A_43 = tpu.matmul %select_n3A_36, %get3A_41, %dot_general3A_42 {dimension_numbers = #tpu.dot_dimension_numbers<[1], [0], [0], [1], [0, 0, 1, 1], [], []>, transpose_lhs_hint = false} : vector<2048x128xf32>, vector<128x64xf32>, vector<2048x64xf32> -> vector<2048x64xf32>
    %add3A_44 = arith.addf %add3A_21, %dot_general3A_43 : vector<2048x64xf32>
    %get3A_45 = arith.constant 0 : index
    %get3A_46 = arith.constant 2 : index
    %get3A_47 = vector.load %arg6[%get3A_45, %get3A_46] : memref<2048x5xi32, #tpu.memory_space<vmem>>, vector<2048x1xi32>
    %ge3A_48 = arith.constant 57344 : i32
    %ge3A_49 = vector.broadcast %ge3A_48 : i32 to vector<2048x1xi32>
    %ge3A_50 = arith.cmpi sge, %get3A_47, %ge3A_49 : vector<2048x1xi32>
    %convert_element_type3A_51 = arith.extui %ge3A_50 : vector<2048x1xi1> to vector<2048x1xi32>
    %eq3A_52 = vector.broadcast %convert_element_type3A_51 : vector<2048x1xi32> to vector<2048x128xi32>
    %eq3A_53 = arith.cmpi eq, %convert_element_type3A, %eq3A_52 : vector<2048x128xi32>
    %get3A_54 = arith.constant 0 : index
    %get3A_55 = arith.constant 0 : index
    %get3A_56 = vector.load %arg3[%get3A_54, %get3A_55] : memref<2048x128xf32, #tpu.memory_space<vmem>>, vector<2048x128xf32>
    %jit3A_57 = arith.constant 0.000000e+00 : f32
    %broadcast_in_dim3A_58 = vector.broadcast %jit3A_57 : f32 to vector<2048x128xf32>
    %select_n3A_59 = arith.select %eq3A_53, %get3A_56, %broadcast_in_dim3A_58 : vector<2048x128xi1>, vector<2048x128xf32>
    %get3A_60 = arith.constant 2 : index
    %get3A_61 = arith.constant 0 : index
    %get3A_62 = arith.constant 0 : index
    %get3A_63 = vector.load %arg7[%get3A_60, %get3A_61, %get3A_62] : memref<5x128x64xf32, #tpu.memory_space<vmem>>, vector<1x128x64xf32>
    %get3A_64 = vector.shape_cast %get3A_63 : vector<1x128x64xf32> to vector<128x64xf32>
    %dot_general3A_65 = arith.constant dense<0.000000e+00> : vector<2048x64xf32>
    %dot_general3A_66 = tpu.matmul %select_n3A_59, %get3A_64, %dot_general3A_65 {dimension_numbers = #tpu.dot_dimension_numbers<[1], [0], [0], [1], [0, 0, 1, 1], [], []>, transpose_lhs_hint = false} : vector<2048x128xf32>, vector<128x64xf32>, vector<2048x64xf32> -> vector<2048x64xf32>
    %add3A_67 = arith.addf %add3A_44, %dot_general3A_66 : vector<2048x64xf32>
    %get3A_68 = arith.constant 0 : index
    %get3A_69 = arith.constant 3 : index
    %get3A_70 = vector.load %arg6[%get3A_68, %get3A_69] : memref<2048x5xi32, #tpu.memory_space<vmem>>, vector<2048x1xi32>
    %ge3A_71 = arith.constant 57344 : i32
    %ge3A_72 = vector.broadcast %ge3A_71 : i32 to vector<2048x1xi32>
    %ge3A_73 = arith.cmpi sge, %get3A_70, %ge3A_72 : vector<2048x1xi32>
    %convert_element_type3A_74 = arith.extui %ge3A_73 : vector<2048x1xi1> to vector<2048x1xi32>
    %eq3A_75 = vector.broadcast %convert_element_type3A_74 : vector<2048x1xi32> to vector<2048x128xi32>
    %eq3A_76 = arith.cmpi eq, %convert_element_type3A, %eq3A_75 : vector<2048x128xi32>
    %get3A_77 = arith.constant 0 : index
    %get3A_78 = arith.constant 0 : index
    %get3A_79 = vector.load %arg4[%get3A_77, %get3A_78] : memref<2048x128xf32, #tpu.memory_space<vmem>>, vector<2048x128xf32>
    %jit3A_80 = arith.constant 0.000000e+00 : f32
    %broadcast_in_dim3A_81 = vector.broadcast %jit3A_80 : f32 to vector<2048x128xf32>
    %select_n3A_82 = arith.select %eq3A_76, %get3A_79, %broadcast_in_dim3A_81 : vector<2048x128xi1>, vector<2048x128xf32>
    %get3A_83 = arith.constant 3 : index
    %get3A_84 = arith.constant 0 : index
    %get3A_85 = arith.constant 0 : index
    %get3A_86 = vector.load %arg7[%get3A_83, %get3A_84, %get3A_85] : memref<5x128x64xf32, #tpu.memory_space<vmem>>, vector<1x128x64xf32>
    %get3A_87 = vector.shape_cast %get3A_86 : vector<1x128x64xf32> to vector<128x64xf32>
    %dot_general3A_88 = arith.constant dense<0.000000e+00> : vector<2048x64xf32>
    %dot_general3A_89 = tpu.matmul %select_n3A_82, %get3A_87, %dot_general3A_88 {dimension_numbers = #tpu.dot_dimension_numbers<[1], [0], [0], [1], [0, 0, 1, 1], [], []>, transpose_lhs_hint = false} : vector<2048x128xf32>, vector<128x64xf32>, vector<2048x64xf32> -> vector<2048x64xf32>
    %add3A_90 = arith.addf %add3A_67, %dot_general3A_89 : vector<2048x64xf32>
    %get3A_91 = arith.constant 0 : index
    %get3A_92 = arith.constant 4 : index
    %get3A_93 = vector.load %arg6[%get3A_91, %get3A_92] : memref<2048x5xi32, #tpu.memory_space<vmem>>, vector<2048x1xi32>
    %ge3A_94 = arith.constant 57344 : i32
    %ge3A_95 = vector.broadcast %ge3A_94 : i32 to vector<2048x1xi32>
    %ge3A_96 = arith.cmpi sge, %get3A_93, %ge3A_95 : vector<2048x1xi32>
    %convert_element_type3A_97 = arith.extui %ge3A_96 : vector<2048x1xi1> to vector<2048x1xi32>
    %eq3A_98 = vector.broadcast %convert_element_type3A_97 : vector<2048x1xi32> to vector<2048x128xi32>
    %eq3A_99 = arith.cmpi eq, %convert_element_type3A, %eq3A_98 : vector<2048x128xi32>
    %get3A_100 = arith.constant 0 : index
    %get3A_101 = arith.constant 0 : index
    %get3A_102 = vector.load %arg5[%get3A_100, %get3A_101] : memref<2048x128xf32, #tpu.memory_space<vmem>>, vector<2048x128xf32>
    %jit3A_103 = arith.constant 0.000000e+00 : f32
    %broadcast_in_dim3A_104 = vector.broadcast %jit3A_103 : f32 to vector<2048x128xf32>
    %select_n3A_105 = arith.select %eq3A_99, %get3A_102, %broadcast_in_dim3A_104 : vector<2048x128xi1>, vector<2048x128xf32>
    %get3A_106 = arith.constant 4 : index
    %get3A_107 = arith.constant 0 : index
    %get3A_108 = arith.constant 0 : index
    %get3A_109 = vector.load %arg7[%get3A_106, %get3A_107, %get3A_108] : memref<5x128x64xf32, #tpu.memory_space<vmem>>, vector<1x128x64xf32>
    %get3A_110 = vector.shape_cast %get3A_109 : vector<1x128x64xf32> to vector<128x64xf32>
    %dot_general3A_111 = arith.constant dense<0.000000e+00> : vector<2048x64xf32>
    %dot_general3A_112 = tpu.matmul %select_n3A_105, %get3A_110, %dot_general3A_111 {dimension_numbers = #tpu.dot_dimension_numbers<[1], [0], [0], [1], [0, 0, 1, 1], [], []>, transpose_lhs_hint = false} : vector<2048x128xf32>, vector<128x64xf32>, vector<2048x64xf32> -> vector<2048x64xf32>
    %add3A_113 = arith.addf %add3A_90, %dot_general3A_112 : vector<2048x64xf32>
    %swap3A = arith.constant 0 : index
    %swap3A_114 = arith.constant 0 : index
    %swap3A_115 = vector.load %arg9[%swap3A, %swap3A_114] : memref<2048x64xf32, #tpu.memory_space<vmem>>, vector<2048x64xf32>
    tpu.vector_store %arg9[%swap3A, %swap3A_114], %add3A_113 {strides = array<i32>} : memref<2048x64xf32, #tpu.memory_space<vmem>>, vector<2048x64xf32>,
    return
  }
  func.func @transform_0(%arg0: i32) -> (i32, i32) {
    %c0_i32 = arith.constant 0 : i32
    %c0_i32_0 = arith.constant 0 : i32
    return %arg0, %c0_i32 : i32, i32
  }
  func.func @transform_1(%arg0: i32) -> (i32, i32) {
    %c0_i32 = arith.constant 0 : i32
    %c0_i32_0 = arith.constant 0 : i32
    return %arg0, %c0_i32 : i32, i32
  }
  func.func @transform_2(%arg0: i32) -> (i32, i32) {
    %c0_i32 = arith.constant 0 : i32
    %c0_i32_0 = arith.constant 0 : i32
    return %arg0, %c0_i32 : i32, i32
  }
  func.func @transform_3(%arg0: i32) -> (i32, i32) {
    %c0_i32 = arith.constant 0 : i32
    %c0_i32_0 = arith.constant 0 : i32
    return %arg0, %c0_i32 : i32, i32
  }
  func.func @transform_4(%arg0: i32) -> (i32, i32) {
    %c0_i32 = arith.constant 0 : i32
    %c0_i32_0 = arith.constant 0 : i32
    return %arg0, %c0_i32 : i32, i32
  }
  func.func @transform_5(%arg0: i32) -> (i32, i32) {
    %c0_i32 = arith.constant 0 : i32
    %c0_i32_0 = arith.constant 0 : i32
    return %arg0, %c0_i32 : i32, i32
  }
  func.func @transform_6(%arg0: i32) -> (i32, i32, i32) {
    %c0_i32 = arith.constant 0 : i32
    %c0_i32_0 = arith.constant 0 : i32
    %c0_i32_1 = arith.constant 0 : i32
    %c0_i32_2 = arith.constant 0 : i32
    return %c0_i32, %c0_i32_0, %c0_i32_1 : i32, i32, i32
  }
  func.func @transform_7(%arg0: i32) -> (i32, i32) {
    %c0_i32 = arith.constant 0 : i32
    %c0_i32_0 = arith.constant 0 : i32
    %c0_i32_1 = arith.constant 0 : i32
    return %c0_i32, %c0_i32_0 : i32, i32
  }
  func.func @transform_8(%arg0: i32) -> (i32, i32) {
    %c0_i32 = arith.constant 0 : i32
    %c0_i32_0 = arith.constant 0 : i32
    return %arg0, %c0_i32 : i32, i32
  }
}

</mosaic_0001>

<sc_bundles>
// kernel: kernel.13.cloned.1.call-start
scs
__scs_entry_jumppad:
0x0: {  	(pc) =	sbr.rel $0x88, $3  }
0x1: {  	(tag) =	ssettag $0x0;
	lr =	simm.s32 $0x1  }
0x2: {  	[smem:$0x3F99] =	sst lr;
	_ =	strace $0xD0000000  }
0x3: {  	_ = 	snop  }
0x4: {  	_ = 	snop  }
0x5: {  	_ = 	snop  }
0x6: {  	_ = 	snop  }
0x7: {  	_ = 	snop  }
__scs_overlays_trampoline_lowered:
0x8: {  	[smem:$0x3FA8] =	sst s0  }
0x9: {  	[smem:$0x3FA9] =	sst s1  }
0xa: {  	[smem:$0x3FAA] =	sst s2  }
0xb: {  	[smem:$0x3FAB] =	sst s3  }
0xc: {  	[smem:$0x3FAC] =	sst s4  }
0xd: {  	[smem:$0x3FAD] =	sst s5  }
0xe: {  	[smem:$0x3FAE] =	sst s6  }
0xf: {  	[smem:$0x3FAF] =	sst s7  }
0x10: {  	[smem:$0x3FB0] =	sst s8  }
0x11: {  	[smem:$0x3FB1] =	sst s9;
	s0 =	simm.s32 @!p0 $0x0  }
0x12: {  	s1 =	sld [smem:$0x3F97];
	s0 =	simm.s32 @p0 $0x1  }
0x13: {  	[smem:$0x3FB2] =	sst s0;
	s0 =	simm.s32 @!p1 $0x0  }
0x14: {  	s2 =	sld [smem:$0x3F96];
	s0 =	simm.s32 @p1 $0x1  }
0x15: {  	[smem:$0x3FB3] =	sst s0;
	s0 =	simm.s32 @!p2 $0x0  }
0x16: {  	s3 =	sld [smem:$0x3FDB];
	s0 =	simm.s32 @p2 $0x1  }
0x17: {  	s4 =	simm.s32 $0x1BF5;
	[smem:$0x3FB5] =	sst s0  }
0x18: {  	s0 =	sld [smem:$0x3F98];
	_ =	swait.ge [sflag:s4], $0x0  }
0x19: {  	s7 =	sld [smem:$0x3F99]  }
0x1a: {  	s8 =	sadd.s32 $0xFFFFE003, lr  }
0x1b: {  	s9 =	sadd.s32 $0xFFFFFEF7, lr;
	s5 =	simm.s32 $0xFFFFFFFF;
	p2 =	slt.u32 s8, $0xFFFFF086  }
0x1c: {  	p1 =	slt.u32 s9, $0xF7A;
	s5 =	simm.s32 @!p2 $0x0  }
0x1d: {  	s5 =	simm.s32 @p1 $0x1;
	p0 =	seq.s32 s7, s2  }
0x1e: {  	s7 =	smul.u32 @!p0 $0xF7A, s2;
	p2 =	seq.s32 @!p0 s5, $0x0  }
0x1f: {  	s9 =	smul.u32 $0xF7A, s1;
	s8 =	simm.s32 @!p0 $0x1BF5;
	p2 =	por !p2, p0  }
0x20: {  	[sflag:s8] =	ssyncset.s32 @!p0 $0xFFFFF086;
	s6 =	sadd.s32 @!p0 s3, s7;
	s7 =	simm.s32 @!p0 $0x108  }
0x21: {  	s3 =	sadd.s32 s3, s9;
	s6 =	sadd.s32 @!p0 $0x88, s6;
	s7 =	simm.s32 @p2 $0x1082  }
0x22: {  	[simem:s7], [sflag:s8] =	dma.local @!p0 [hbm:s6], $0xF7A  }
0x23: {  	s9 =	sor.u32 $0xD0000000, s2;
	s6 =	simm.s32 $0x108;
	_ =	swait.ge @!p0 [sflag:s8], $0x0  }
0x24: {  	s3 =	sadd.s32 $0x88, s3;
	s6 =	simm.s32 @!p1 $0x1082;
	[sflag:s4] =	ssyncset.s32 $0xFFFFF086  }
0x25: {  	[simem:s6], [sflag:s4] =	dma.local [hbm:s3], $0xF7A  }
0x26: {  	[smem:$0x3F99] =	sst s1;
	(tag) =	ssettag s2;
	_ =	strace s9  }
0x27: {  	s1 =	sld [smem:$0x3FA9]  }
0x28: {  	s2 =	sld [smem:$0x3FAA]  }
0x29: {  	s4 =	sld [smem:$0x3FAC]  }
0x2a: {  	p0 =	seq.s32 s5, $0x0;
	s5 =	sld [smem:$0x3FAD]  }
0x2b: {  	s6 =	sld [smem:$0x3FAE]  }
0x2c: {  	s7 =	sld [smem:$0x3FAF]  }
0x2d: {  	s3 =	simm.s32 $0x108;
	s8 =	sld [smem:$0x3FB0]  }
0x2e: {  	s3 =	simm.s32 @!p0 $0x1082;
	s9 =	sld [smem:$0x3FB1]  }
0x2f: {  	lr =	sadd.s32 s0, s3;
	s0 =	sld [smem:$0x3FA8]  }
0x30: {  	s3 =	sld [smem:$0x3FAB]  }
0x31: {  	[smem:$0x3FB4] =	sst s10  }
0x32: {  	s10 =	sld [smem:$0x3FB2];
	_ =	sdelay $0x3  }
0x33: {  	p0 =	seq.s32 s10, $0x1;
	s10 =	sld [smem:$0x3FB4];
	_ =	sdelay $0x3  }
0x34: {  	[smem:$0x3FB4] =	sst s10  }
0x35: {  	s10 =	sld [smem:$0x3FB3];
	_ =	sdelay $0x3  }
0x36: {  	p1 =	seq.s32 s10, $0x1;
	s10 =	sld [smem:$0x3FB4];
	_ =	sdelay $0x3  }
0x37: {  	[smem:$0x3FB4] =	sst s10  }
0x38: {  	s10 =	sld [smem:$0x3FB5]  }
0x39: {  	_ = 	snop;
	(pc) =	sbr.ind lr, $3  }
0x3a: {  	_ = 	snop  }
0x3b: {  	_ = 	snop  }
0x3c: {  	p2 =	seq.s32 s10, $0x1;
	s10 =	sld [smem:$0x3FB4]  }
0x3d: {  	_ =	shalt  }
0x3e: {  	_ =	shalt  }
0x3f: {  	_ =	shalt  }
0x40: {  	_ =	shalt  }
0x41: {  	_ =	shalt  }
0x42: {  	_ =	shalt  }
0x43: {  	_ =	shalt  }
0x44: {  	_ =	shalt  }
0x45: {  	_ =	shalt  }
0x46: {  	_ =	shalt  }
0x47: {  	_ =	shalt  }
0x48: {  	_ =	shalt  }
0x49: {  	_ =	shalt  }
0x4a: {  	_ =	shalt  }
0x4b: {  	_ =	shalt  }
0x4c: {  	_ =	shalt  }
0x4d: {  	_ =	shalt  }
0x4e: {  	_ =	shalt  }
0x4f: {  	_ =	shalt  }
0x50: {  	_ =	shalt  }
0x51: {  	_ =	shalt  }
0x52: {  	_ =	shalt  }
0x53: {  	_ =	shalt  }
0x54: {  	_ =	shalt  }
0x55: {  	_ =	shalt  }
0x56: {  	_ =	shalt  }
0x57: {  	_ =	shalt  }
0x58: {  	_ =	shalt  }
0x59: {  	_ =	shalt  }
0x5a: {  	_ =	shalt  }
0x5b: {  	_ =	shalt  }
0x5c: {  	_ =	shalt  }
0x5d: {  	_ =	shalt  }
0x5e: {  	_ =	shalt  }
0x5f: {  	_ =	shalt  }
0x60: {  	_ =	shalt  }
0x61: {  	_ =	shalt  }
0x62: {  	_ =	shalt  }
0x63: {  	_ =	shalt  }
0x64: {  	_ =	shalt  }
0x65: {  	_ =	shalt  }
0x66: {  	_ =	shalt  }
0x67: {  	_ =	shalt  }
0x68: {  	_ =	shalt  }
0x69: {  	_ =	shalt  }
0x6a: {  	_ =	shalt  }
0x6b: {  	_ =	shalt  }
0x6c: {  	_ =	shalt  }
0x6d: {  	_ =	shalt  }
0x6e: {  	_ =	shalt  }
0x6f: {  	_ =	shalt  }
0x70: {  	_ =	shalt  }
0x71: {  	_ =	shalt  }
0x72: {  	_ =	shalt  }
0x73: {  	_ =	shalt  }
0x74: {  	_ =	shalt  }
0x75: {  	_ =	shalt  }
0x76: {  	_ =	shalt  }
0x77: {  	_ =	shalt  }
0x78: {  	_ =	shalt  }
0x79: {  	_ =	shalt  }
0x7a: {  	_ =	shalt  }
0x7b: {  	_ =	shalt  }
0x7c: {  	_ =	shalt  }
0x7d: {  	_ =	shalt  }
0x7e: {  	_ =	shalt  }
0x7f: {  	_ =	shalt  }
0x80: {  	_ =	shalt  }
0x81: {  	_ =	shalt  }
0x82: {  	_ =	shalt  }
0x83: {  	_ =	shalt  }
0x84: {  	_ =	shalt  }
0x85: {  	_ =	shalt  }
0x86: {  	_ =	shalt  }
0x87: {  	_ =	shalt  }
.Lfunc_end0:
.L_simem_size_0:
called_computation_lowered:
.L_overlay_start_0:
0x88: {  	s2 =	sld [smem:$0x3FD9]  }
0x89: {  	s3 =	sld [smem:$0x3FFE];
	_ =	sdelay $0x1  }
0x8a: {  	s1 =	srdreg.scid  }
0x8b: {  	s0 =	sand.u32 $0x1, s1  }
0x8c: {  	s16 =	sshll.u32 s0, $0xA;
	s2 =	sadd.s32 s3, s2  }
0x8d: {  	s2 =	sadd.s32 s2, s16  }
0x8e: {  	[smem:$0x3FC0] =	sst s2  }
0x8f: {  	_ = 	snop  }
0x90: {  	(tm) =	ssettm $0x1  }
0x91: {  	s17 =	sld [smem:$0x3FFB];
	_ =	sdelay $0x3  }
0x92: {  	_ =	strace s17  }
0x93: {  	s2 =	sld [smem:$0x3FFC];
	_ =	sdelay $0x3  }
0x94: {  	_ =	strace s2  }
0x95: {  	s2 =	sld [smem:$0x3FFD];
	_ =	sdelay $0x3  }
0x96: {  	_ =	strace s2  }
0x97: {  	_ =	strace $0x8FFFFFFF  }
0x98: {  	s18 =	sld [smem:$0x3FDB];
	_ =	sdelay $0x1  }
0x99: {  	s19 =	simm.s32 $_scs_section_size  }
0x9a: {  	s4 =	simm.s32 $_size__tile_overlayer_lowered;
	s5 =	simm.s32 $_tile_overlayer_lowered  }
0x9b: {  	s22 =	simm.s32 $0x1BFF;
	s21 =	sshll.u32 s5, $0x1;
	s2 =	sadd.s32 s19, s18  }
0x9c: {  	s6 =	simm.s32 $0x0;
	s20 =	sshll.u32 s4, $0x1;
	s4 =	sadd.s32 s21, s2  }
0x9d: {  	[timem:s6], [sflag:s22] =	dma.local [hbm:s4], s20  }
0x9e: {  	_ =	swait.ge [sflag:s22], s20  }
0x9f: {  	s3 =	ssub.s32 $0x0, s20;
	[sflag:s22] =	ssyncset.done $0x0  }
0xa0: {  	[sflag:s22] =	ssyncadd.s32 s3;
	_ =	sdelay $0x1  }
0xa1: {  	s23 =	simm.s32 $0x1B8B  }
0xa2: {  	_ =	swait.ge [sflag:s23], $0x1  }
0xa3: {  	[sflag:s23] =	ssyncset.done $0x0  }
0xa4: {  	s25 =	simm.s32 $0x1B8E;
	s24 =	sld [smem:$0x3FFE];
	[sflag:s23] =	ssyncadd.s32 $0xFFFFFFFF  }
0xa5: {  	s26 =	simm.s32 $execute0_lowered;
	[smem:$0x3FD2] =	sst s25  }
0xa6: {  	s4 =	sshll.u32 s26, $0x1;
	_ =	strace $0x80000046;
	[dreg:$0x1] =	wrdreg $0xFFFFFFFF  }
0xa7: {  	s28 =	simm.s32 $_size_execute0_lowered;
	s2 =	sadd.s32 s2, s4;
	[dreg:$0x0] =	wrdreg $0x0  }
0xa8: {  	s4 =	sshll.u32 s28, $0x1;
	[dreg:$0x2] =	wrdreg s2  }
0xa9: {  	[dreg:$0x3] =	wrdreg s4  }
0xaa: {  	[dreg:$0x4] =	wrdreg $0xC0  }
0xab: {  	_ =	task [dreg:s6], $0x5FFFF  }
0xac: {  	[dreg:$0x1] =	wrdreg $0xFFFFFFFF  }
0xad: {  	[dreg:$0x0] =	wrdreg $0x60  }
0xae: {  	[dreg:$0x2] =	wrdreg s24  }
0xaf: {  	[dreg:$0x3] =	wrdreg $0x9  }
0xb0: {  	_ =	task.clear_ibuf [dreg:s6], $0x4FFFF;
	_ =	strace $0x90000046  }
0xb1: {  	s29 =	simm.s32 $0x9;
	_ =	strace $0x80000048  }
0xb2: {  	_ =	swait.ge [sflag:s29], $0x1  }
0xb3: {  	[sflag:s29] =	ssyncadd.s32 $0xFFFFFFFF  }
0xb4: {  	_ =	strace $0x90000048  }
0xb5: {  	_ =	sfence  }
0xb6: {  	s30 =	sld [smem:$0x0];
	_ =	sdelay $0x2  }
0xb7: {  	s31 =	sshll.u32 s1, $0xD;
	s1 =	sshrl.u32 s1, $0x2  }
0xb8: {  	s3 =	sand.u32 $0x4000, s31;
	s1 =	sadd.s32 s1, s30  }
0xb9: {  	s0 =	sor.u32 s3, s0;
	s1 =	sshll.u32 s1, $0x11  }
0xba: {  	s0 =	sor.u32 s1, s0  }
0xbb: {  	s0 =	sadd.s32 $0x8F2B, s0  }
0xbc: {  	[sflag:s0] =	ssyncadd.remote.s32 $0x1  }
0xbd: {  	_ =	sfence.sel $0xFFFF  }
0xbe: {  	[dreg:$0x0] =	wrdreg $0xFFFFFFFF;
	(pc) =	sbr.abs _section_cstart, $3  }
0xbf: {  	[dreg:$0x1] =	wrdreg $0xFFFFFFFF  }
0xc0: {  	_ =	task.clear_ibuf [dreg:s6], $0x2FFFF;
	_ =	strace $0x9FFFFFFF  }
0xc1: {  	(tm) =	ssettm $0x7FFFFFFF  }
tec
execute0_lowered:
.L_overlay_start_1:
0x0: {  	(tag) =	ssettag $0x1  }
0x1: {  	s1 =	srdreg.scid;
	s0 =	stileid.u32  }
0x2: {  	s23 =	sand.u32 $0x1, s1;
	s31 =	sshll.u32 s0, $0x1  }
0x3: {  	s15 =	sor.u32 s23, s31  }
0x4: {  	s14 =	rddreg [dreg:$0x0];
	s2 =	simm.s32 $0x0;
	s3 =	sshll.u32 s15, $0x7  }
0x5: {  	s4 =	simm.s32 $0x9;
	[smem:$0x7FF] =	sst s2;
	s3 =	sadd.s32 s3, s14  }
0x6: {  	s1 =	rddreg [dreg:$0x1];
	_ =	strace $0x80000047;
	s3 =	sadd.s32 $0x1E00, s3  }
0x7: {  	[tilespmem:s2], [sflag:$0x9] =	stream.linear.gather [hbm4b:s3+s2], $0x400, $0x38;
	[tilespmem:$0x10400] =	vst v63  }
0x8: {  	_ =	swait.ge [sflag:s4], $0x400  }
0x9: {  	s6 =	simm.s32 $0x80;
	[sflag:s4] =	ssyncset.done $0x0  }
0xa: {  	s7 =	simm.s32 $0x400;
	s5 =	sadd.s32 $0x5E00, s14;
	[sflag:s4] =	ssyncadd.s32 $0xFFFFFC00  }
0xb: {  	[tilespmem:s7], [sflag:$0x1] =	stream.indirect.gather [hbm4b:s5+s6], $0x80, s2, s6, $0xb8;
	[tilespmem:$0x10400] =	vst v63  }
0xc: {  	s8 =	simm.s32 $0x4400  }
0xd: {  	[tilespmem:s8], [sflag:$0x2] =	stream.indirect.gather [hbm4b:s5+s6], $0x80, s6, s6, $0xb8;
	[tilespmem:$0x10400] =	vst v63  }
0xe: {  	s9 =	simm.s32 $0x100;
	s10 =	simm.s32 $0x8400  }
0xf: {  	[tilespmem:s10], [sflag:$0x3] =	stream.indirect.gather [hbm4b:s5+s6], $0x80, s9, s6, $0xb8;
	[tilespmem:$0x10400] =	vst v63  }
0x10: {  	s11 =	simm.s32 $0x180;
	s12 =	simm.s32 $0xC400;
	s13 =	simm.s32 $0x1  }
0x11: {  	[tilespmem:s12], [sflag:$0x4] =	stream.indirect.gather [hbm4b:s5+s6], $0x80, s11, s6, $0xb8;
	[tilespmem:$0x10400] =	vst v63  }
0x12: {  	s15 =	sshll.u32 s15, $0xD;
	_ =	swait.ge [sflag:s13], $0x4000  }
0x13: {  	s20 =	sadd.s32 s15, s14;
	[sflag:s13] =	ssyncset.done $0x0  }
0x14: {  	s15 =	simm.s32 $0x2;
	s14 =	sadd.s32 $0xE5E00, s20;
	[sflag:s13] =	ssyncadd.s32 $0xFFFFC000  }
0x15: {  	[hbm4b:s14+s2] =	stream.linear.scatter [tilespmem:s7], [sflag:$0x5], $0x4000, $0x38;
	[tilespmem:$0x10400] =	vst v63  }
0x16: {  	_ =	swait.ge [sflag:s15], $0x4000  }
0x17: {  	[sflag:s15] =	ssyncset.done $0x0  }
0x18: {  	s17 =	simm.s32 $0x3;
	s16 =	sadd.s32 $0xE6600, s20;
	[sflag:s15] =	ssyncadd.s32 $0xFFFFC000  }
0x19: {  	[hbm4b:s16+s2] =	stream.linear.scatter [tilespmem:s8], [sflag:$0x6], $0x4000, $0x38;
	[tilespmem:$0x10400] =	vst v63  }
0x1a: {  	_ =	swait.ge [sflag:s17], $0x4000  }
0x1b: {  	[sflag:s17] =	ssyncset.done $0x0  }
0x1c: {  	s19 =	simm.s32 $0x4;
	s18 =	sadd.s32 $0xE6E00, s20;
	[sflag:s17] =	ssyncadd.s32 $0xFFFFC000  }
0x1d: {  	[hbm4b:s18+s2] =	stream.linear.scatter [tilespmem:s10], [sflag:$0x7], $0x4000, $0x38;
	[tilespmem:$0x10400] =	vst v63  }
0x1e: {  	_ =	swait.ge [sflag:s19], $0x4000  }
0x1f: {  	[sflag:s19] =	ssyncset.done $0x0  }
0x20: {  	s21 =	simm.s32 $0x5;
	s20 =	sadd.s32 $0xE7600, s20;
	[sflag:s19] =	ssyncadd.s32 $0xFFFFC000  }
0x21: {  	[hbm4b:s20+s2] =	stream.linear.scatter [tilespmem:s12], [sflag:$0x8], $0x4000, $0x38;
	[tilespmem:$0x10400] =	vst v63  }
0x22: {  	_ =	swait.ge [sflag:s21], $0x4000  }
0x23: {  	s24 =	ssub.s32 $0x2, s23;
	[sflag:s21] =	ssyncset.done $0x0  }
0x24: {  	s22 =	simm.s32 $0x6;
	s25 =	sshrl.u32 s24, $0x1;
	[sflag:s21] =	ssyncadd.s32 $0xFFFFC000  }
0x25: {  	s24 =	ssub.s32 s24, s25;
	_ =	swait.ge [sflag:s22], $0x4000  }
0x26: {  	s25 =	smax.u32 s24, $0x1;
	[sflag:s22] =	ssyncset.done $0x0  }
0x27: {  	s23 =	simm.s32 $0x7;
	p0 =	sne.s32 s25, $0x1;
	[sflag:s22] =	ssyncadd.s32 $0xFFFFC000  }
.Ltmp0:
0x28: {  	_ =	swait.ge [sflag:s23], $0x4000;
	(pc) =	sbr.rel @!p0 .LBB2_2-.Ltmp0, $4  }
0x29: {  	[sflag:s23] =	ssyncset.done $0x0  }
0x2a: {  	s24 =	simm.s32 $0x8;
	[sflag:s23] =	ssyncadd.s32 $0xFFFFC000  }
0x2b: {  	_ =	swait.ge [sflag:s24], $0x4000  }
0x2c: {  	s25 =	sadd.s32 $0xFFFFFFFF, s25;
	[sflag:s24] =	ssyncset.done $0x0  }
.LBB2_1:
0x2d: {  	p0 =	sne.s32 s25, $0x1;
	s25 =	sadd.s32 $0xFFFFFFFF, s25;
	[sflag:s24] =	ssyncadd.s32 $0xFFFFC000  }
0x2e: {  	[tilespmem:s2], [sflag:$0x9] =	stream.linear.gather [hbm4b:s3+s2], $0x400, $0x38;
	[tilespmem:$0x10400] =	vst v63  }
0x2f: {  	_ =	swait.ge [sflag:s4], $0x400  }
0x30: {  	[sflag:s4] =	ssyncset.done $0x0  }
0x31: {  	[sflag:s4] =	ssyncadd.s32 $0xFFFFFC00  }
0x32: {  	[tilespmem:s7], [sflag:$0x1] =	stream.indirect.gather [hbm4b:s5+s6], $0x80, s2, s6, $0xb8;
	[tilespmem:$0x10400] =	vst v63  }
0x33: {  	_ = 	snop  }
0x34: {  	[tilespmem:s8], [sflag:$0x2] =	stream.indirect.gather [hbm4b:s5+s6], $0x80, s6, s6, $0xb8;
	[tilespmem:$0x10400] =	vst v63  }
0x35: {  	_ = 	snop  }
0x36: {  	[tilespmem:s10], [sflag:$0x3] =	stream.indirect.gather [hbm4b:s5+s6], $0x80, s9, s6, $0xb8;
	[tilespmem:$0x10400] =	vst v63  }
0x37: {  	_ = 	snop  }
0x38: {  	[tilespmem:s12], [sflag:$0x4] =	stream.indirect.gather [hbm4b:s5+s6], $0x80, s11, s6, $0xb8;
	[tilespmem:$0x10400] =	vst v63  }
0x39: {  	_ =	swait.ge [sflag:s13], $0x4000  }
0x3a: {  	[sflag:s13] =	ssyncset.done $0x0  }
0x3b: {  	[sflag:s13] =	ssyncadd.s32 $0xFFFFC000  }
0x3c: {  	[hbm4b:s14+s2] =	stream.linear.scatter [tilespmem:s7], [sflag:$0x5], $0x4000, $0x38;
	[tilespmem:$0x10400] =	vst v63  }
0x3d: {  	_ =	swait.ge [sflag:s15], $0x4000  }
0x3e: {  	[sflag:s15] =	ssyncset.done $0x0  }
0x3f: {  	[sflag:s15] =	ssyncadd.s32 $0xFFFFC000  }
0x40: {  	[hbm4b:s16+s2] =	stream.linear.scatter [tilespmem:s8], [sflag:$0x6], $0x4000, $0x38;
	[tilespmem:$0x10400] =	vst v63  }
0x41: {  	_ =	swait.ge [sflag:s17], $0x4000  }
0x42: {  	[sflag:s17] =	ssyncset.done $0x0  }
0x43: {  	[sflag:s17] =	ssyncadd.s32 $0xFFFFC000  }
0x44: {  	[hbm4b:s18+s2] =	stream.linear.scatter [tilespmem:s10], [sflag:$0x7], $0x4000, $0x38;
	[tilespmem:$0x10400] =	vst v63  }
0x45: {  	_ =	swait.ge [sflag:s19], $0x4000  }
0x46: {  	[sflag:s19] =	ssyncset.done $0x0  }
0x47: {  	[sflag:s19] =	ssyncadd.s32 $0xFFFFC000  }
0x48: {  	[hbm4b:s20+s2] =	stream.linear.scatter [tilespmem:s12], [sflag:$0x8], $0x4000, $0x38;
	[tilespmem:$0x10400] =	vst v63  }
0x49: {  	_ =	swait.ge [sflag:s21], $0x4000  }
0x4a: {  	[sflag:s21] =	ssyncset.done $0x0  }
0x4b: {  	[sflag:s21] =	ssyncadd.s32 $0xFFFFC000  }
0x4c: {  	_ =	swait.ge [sflag:s22], $0x4000  }
0x4d: {  	[sflag:s22] =	ssyncset.done $0x0  }
0x4e: {  	[sflag:s22] =	ssyncadd.s32 $0xFFFFC000  }
.Ltmp1:
0x4f: {  	_ =	swait.ge [sflag:s23], $0x4000;
	(pc) =	sbr.rel @p0 .LBB2_1-.Ltmp1, $4  }
0x50: {  	[sflag:s23] =	ssyncset.done $0x0  }
0x51: {  	[sflag:s23] =	ssyncadd.s32 $0xFFFFC000  }
0x52: {  	_ =	swait.ge [sflag:s24], $0x4000  }
0x53: {  	[sflag:s24] =	ssyncset.done $0x0  }
.LBB2_2:
0x54: {  	[sflag:s24] =	ssyncadd.s32 $0xFFFFC000  }
0x55: {  	_ =	sfence.sel $0x180000  }
0x56: {  	[bflag:$0x0] =	sbarrier.arrive $0xFFFF  }
0x57: {  	p0 =	sne.s32 s0, $0x0;
	_ =	strace $0x90000047  }
0x58: {  	s0 =	sadd.s32 @!p0 $0x100000, s1;
	[bflag:$0x2] =	sbarrier.arrive $0xFFFF  }
0x59: {  	[sflag:s0] =	ssyncadd.tile.s32 @!p0 $0x1;
	_ =	shalt  }
.Lfunc_end2:
_tile_overlayer_lowered:
.L_overlay_start_2:
0x5a: {  	(tag) =	ssettag $0x2  }
0x5b: {  	s0 =	rddreg [dreg:$0x0];
	s2 =	stileid.u32  }
0x5c: {  	s1 =	rddreg [dreg:$0x1];
	p0 =	sne.s32 s2, $0x0  }
0x5d: {  	s3 =	rddreg [dreg:$0x2];
	[bflag:$0x3] =	sbarrier.arrive $0xFFFF;
	s2 =	simm.s32 @!p0 $0x1C09  }
0x5e: {  	[timem:s3], [sflag:s2] =	dma.local @!p0 [hbm:s0], s1  }
0x5f: {  	s0 =	simm.s32 @!p0 $0x9  }
0x60: {  	_ =	swait.ge @!p0 [sflag:s0], s1  }
0x61: {  	s1 =	ssub.s32 @!p0 $0x0, s1;
	[sflag:s0] =	ssyncset.done @!p0 $0x0  }
0x62: {  	[sflag:s0] =	ssyncadd.s32 @!p0 s1  }
0x63: {  	[bflag:$0x3] =	sbarrier.arrive $0xFFFF  }
0x64: {  	_ =	shalt  }

// kernel: kernel.16.cloned.1.call-start
scs
__scs_entry_jumppad:
0x0: {  	(pc) =	sbr.rel $0x88, $3  }
0x1: {  	(tag) =	ssettag $0x0;
	lr =	simm.s32 $0x1  }
0x2: {  	[smem:$0x3F99] =	sst lr;
	_ =	strace $0xD0000000  }
0x3: {  	_ = 	snop  }
0x4: {  	_ = 	snop  }
0x5: {  	_ = 	snop  }
0x6: {  	_ = 	snop  }
0x7: {  	_ = 	snop  }
__scs_overlays_trampoline_lowered:
0x8: {  	[smem:$0x3FA8] =	sst s0  }
0x9: {  	[smem:$0x3FA9] =	sst s1  }
0xa: {  	[smem:$0x3FAA] =	sst s2  }
0xb: {  	[smem:$0x3FAB] =	sst s3  }
0xc: {  	[smem:$0x3FAC] =	sst s4  }
0xd: {  	[smem:$0x3FAD] =	sst s5  }
0xe: {  	[smem:$0x3FAE] =	sst s6  }
0xf: {  	[smem:$0x3FAF] =	sst s7  }
0x10: {  	[smem:$0x3FB0] =	sst s8  }
0x11: {  	[smem:$0x3FB1] =	sst s9;
	s0 =	simm.s32 @!p0 $0x0  }
0x12: {  	s1 =	sld [smem:$0x3F97];
	s0 =	simm.s32 @p0 $0x1  }
0x13: {  	[smem:$0x3FB2] =	sst s0;
	s0 =	simm.s32 @!p1 $0x0  }
0x14: {  	s2 =	sld [smem:$0x3F96];
	s0 =	simm.s32 @p1 $0x1  }
0x15: {  	[smem:$0x3FB3] =	sst s0;
	s0 =	simm.s32 @!p2 $0x0  }
0x16: {  	s3 =	sld [smem:$0x3FDB];
	s0 =	simm.s32 @p2 $0x1  }
0x17: {  	s4 =	simm.s32 $0x1BF5;
	[smem:$0x3FB5] =	sst s0  }
0x18: {  	s0 =	sld [smem:$0x3F98];
	_ =	swait.ge [sflag:s4], $0x0  }
0x19: {  	s7 =	sld [smem:$0x3F99]  }
0x1a: {  	s8 =	sadd.s32 $0xFFFFE003, lr  }
0x1b: {  	s9 =	sadd.s32 $0xFFFFFEF7, lr;
	s5 =	simm.s32 $0xFFFFFFFF;
	p2 =	slt.u32 s8, $0xFFFFF086  }
0x1c: {  	p1 =	slt.u32 s9, $0xF7A;
	s5 =	simm.s32 @!p2 $0x0  }
0x1d: {  	s5 =	simm.s32 @p1 $0x1;
	p0 =	seq.s32 s7, s2  }
0x1e: {  	s7 =	smul.u32 @!p0 $0xF7A, s2;
	p2 =	seq.s32 @!p0 s5, $0x0  }
0x1f: {  	s9 =	smul.u32 $0xF7A, s1;
	s8 =	simm.s32 @!p0 $0x1BF5;
	p2 =	por !p2, p0  }
0x20: {  	[sflag:s8] =	ssyncset.s32 @!p0 $0xFFFFF086;
	s6 =	sadd.s32 @!p0 s3, s7;
	s7 =	simm.s32 @!p0 $0x108  }
0x21: {  	s3 =	sadd.s32 s3, s9;
	s6 =	sadd.s32 @!p0 $0x88, s6;
	s7 =	simm.s32 @p2 $0x1082  }
0x22: {  	[simem:s7], [sflag:s8] =	dma.local @!p0 [hbm:s6], $0xF7A  }
0x23: {  	s9 =	sor.u32 $0xD0000000, s2;
	s6 =	simm.s32 $0x108;
	_ =	swait.ge @!p0 [sflag:s8], $0x0  }
0x24: {  	s3 =	sadd.s32 $0x88, s3;
	s6 =	simm.s32 @!p1 $0x1082;
	[sflag:s4] =	ssyncset.s32 $0xFFFFF086  }
0x25: {  	[simem:s6], [sflag:s4] =	dma.local [hbm:s3], $0xF7A  }
0x26: {  	[smem:$0x3F99] =	sst s1;
	(tag) =	ssettag s2;
	_ =	strace s9  }
0x27: {  	s1 =	sld [smem:$0x3FA9]  }
0x28: {  	s2 =	sld [smem:$0x3FAA]  }
0x29: {  	s4 =	sld [smem:$0x3FAC]  }
0x2a: {  	p0 =	seq.s32 s5, $0x0;
	s5 =	sld [smem:$0x3FAD]  }
0x2b: {  	s6 =	sld [smem:$0x3FAE]  }
0x2c: {  	s7 =	sld [smem:$0x3FAF]  }
0x2d: {  	s3 =	simm.s32 $0x108;
	s8 =	sld [smem:$0x3FB0]  }
0x2e: {  	s3 =	simm.s32 @!p0 $0x1082;
	s9 =	sld [smem:$0x3FB1]  }
0x2f: {  	lr =	sadd.s32 s0, s3;
	s0 =	sld [smem:$0x3FA8]  }
0x30: {  	s3 =	sld [smem:$0x3FAB]  }
0x31: {  	[smem:$0x3FB4] =	sst s10  }
0x32: {  	s10 =	sld [smem:$0x3FB2];
	_ =	sdelay $0x3  }
0x33: {  	p0 =	seq.s32 s10, $0x1;
	s10 =	sld [smem:$0x3FB4];
	_ =	sdelay $0x3  }
0x34: {  	[smem:$0x3FB4] =	sst s10  }
0x35: {  	s10 =	sld [smem:$0x3FB3];
	_ =	sdelay $0x3  }
0x36: {  	p1 =	seq.s32 s10, $0x1;
	s10 =	sld [smem:$0x3FB4];
	_ =	sdelay $0x3  }
0x37: {  	[smem:$0x3FB4] =	sst s10  }
0x38: {  	s10 =	sld [smem:$0x3FB5]  }
0x39: {  	_ = 	snop;
	(pc) =	sbr.ind lr, $3  }
0x3a: {  	_ = 	snop  }
0x3b: {  	_ = 	snop  }
0x3c: {  	p2 =	seq.s32 s10, $0x1;
	s10 =	sld [smem:$0x3FB4]  }
0x3d: {  	_ =	shalt  }
0x3e: {  	_ =	shalt  }
0x3f: {  	_ =	shalt  }
0x40: {  	_ =	shalt  }
0x41: {  	_ =	shalt  }
0x42: {  	_ =	shalt  }
0x43: {  	_ =	shalt  }
0x44: {  	_ =	shalt  }
0x45: {  	_ =	shalt  }
0x46: {  	_ =	shalt  }
0x47: {  	_ =	shalt  }
0x48: {  	_ =	shalt  }
0x49: {  	_ =	shalt  }
0x4a: {  	_ =	shalt  }
0x4b: {  	_ =	shalt  }
0x4c: {  	_ =	shalt  }
0x4d: {  	_ =	shalt  }
0x4e: {  	_ =	shalt  }
0x4f: {  	_ =	shalt  }
0x50: {  	_ =	shalt  }
0x51: {  	_ =	shalt  }
0x52: {  	_ =	shalt  }
0x53: {  	_ =	shalt  }
0x54: {  	_ =	shalt  }
0x55: {  	_ =	shalt  }
0x56: {  	_ =	shalt  }
0x57: {  	_ =	shalt  }
0x58: {  	_ =	shalt  }
0x59: {  	_ =	shalt  }
0x5a: {  	_ =	shalt  }
0x5b: {  	_ =	shalt  }
0x5c: {  	_ =	shalt  }
0x5d: {  	_ =	shalt  }
0x5e: {  	_ =	shalt  }
0x5f: {  	_ =	shalt  }
0x60: {  	_ =	shalt  }
0x61: {  	_ =	shalt  }
0x62: {  	_ =	shalt  }
0x63: {  	_ =	shalt  }
0x64: {  	_ =	shalt  }
0x65: {  	_ =	shalt  }
0x66: {  	_ =	shalt  }
0x67: {  	_ =	shalt  }
0x68: {  	_ =	shalt  }
0x69: {  	_ =	shalt  }
0x6a: {  	_ =	shalt  }
0x6b: {  	_ =	shalt  }
0x6c: {  	_ =	shalt  }
0x6d: {  	_ =	shalt  }
0x6e: {  	_ =	shalt  }
0x6f: {  	_ =	shalt  }
0x70: {  	_ =	shalt  }
0x71: {  	_ =	shalt  }
0x72: {  	_ =	shalt  }
0x73: {  	_ =	shalt  }
0x74: {  	_ =	shalt  }
0x75: {  	_ =	shalt  }
0x76: {  	_ =	shalt  }
0x77: {  	_ =	shalt  }
0x78: {  	_ =	shalt  }
0x79: {  	_ =	shalt  }
0x7a: {  	_ =	shalt  }
0x7b: {  	_ =	shalt  }
0x7c: {  	_ =	shalt  }
0x7d: {  	_ =	shalt  }
0x7e: {  	_ =	shalt  }
0x7f: {  	_ =	shalt  }
0x80: {  	_ =	shalt  }
0x81: {  	_ =	shalt  }
0x82: {  	_ =	shalt  }
0x83: {  	_ =	shalt  }
0x84: {  	_ =	shalt  }
0x85: {  	_ =	shalt  }
0x86: {  	_ =	shalt  }
0x87: {  	_ =	shalt  }
.Lfunc_end0:
.L_simem_size_0:
called_computation.1_lowered:
.L_overlay_start_0:
0x88: {  	s2 =	sld [smem:$0x3FD9]  }
0x89: {  	s3 =	sld [smem:$0x3FFE];
	_ =	sdelay $0x1  }
0x8a: {  	s1 =	srdreg.scid  }
0x8b: {  	s0 =	sand.u32 $0x1, s1  }
0x8c: {  	s17 =	sshll.u32 s0, $0xA;
	s2 =	sadd.s32 s3, s2  }
0x8d: {  	s2 =	sadd.s32 s2, s17  }
0x8e: {  	[smem:$0x3FC0] =	sst s2  }
0x8f: {  	_ = 	snop  }
0x90: {  	(tm) =	ssettm $0x1  }
0x91: {  	s18 =	sld [smem:$0x3FFB];
	_ =	sdelay $0x3  }
0x92: {  	_ =	strace s18  }
0x93: {  	s2 =	sld [smem:$0x3FFC];
	_ =	sdelay $0x3  }
0x94: {  	_ =	strace s2  }
0x95: {  	s2 =	sld [smem:$0x3FFD];
	_ =	sdelay $0x3  }
0x96: {  	_ =	strace s2  }
0x97: {  	_ =	strace $0x8FFFFFFF  }
0x98: {  	s19 =	sld [smem:$0x3FDB];
	_ =	sdelay $0x1  }
0x99: {  	s20 =	simm.s32 $_scs_section_size  }
0x9a: {  	s4 =	simm.s32 $_size__tile_overlayer_lowered;
	s5 =	simm.s32 $_tile_overlayer_lowered  }
0x9b: {  	s6 =	simm.s32 $0x1BFF;
	s21 =	sshll.u32 s5, $0x1;
	s3 =	sadd.s32 s20, s19  }
0x9c: {  	s22 =	simm.s32 $0x0;
	s4 =	sshll.u32 s4, $0x1;
	s5 =	sadd.s32 s21, s3  }
0x9d: {  	[timem:s22], [sflag:s6] =	dma.local [hbm:s5], s4  }
0x9e: {  	_ =	swait.ge [sflag:s6], s4  }
0x9f: {  	s4 =	ssub.s32 $0x0, s4;
	[sflag:s6] =	ssyncset.done $0x0  }
0xa0: {  	[sflag:s6] =	ssyncadd.s32 s4;
	_ =	sdelay $0x1  }
0xa1: {  	s23 =	simm.s32 $0x1B8B  }
0xa2: {  	_ =	swait.ge [sflag:s23], $0x1  }
0xa3: {  	[sflag:s23] =	ssyncset.done $0x0  }
0xa4: {  	[sflag:s23] =	ssyncadd.s32 $0xFFFFFFFF  }
0xa5: {  	s4 =	sld [smem:$0x0]  }
0xa6: {  	s5 =	sand.u32 $0xFFFFFFFE, s1  }
0xa7: {  	p0 =	sne.s32 s1, s5  }
0xa8: {  	s5 =	sshll.u32 @p0 s5, $0xE  }
0xa9: {  	s5 =	sadd.s32 @p0 $0x11B8D, s5;
	s6 =	sshll.u32 @p0 s4, $0x11  }
0xaa: {  	s5 =	sor.u32 @p0 s6, s5  }
0xab: {  	[sflag:s5] =	ssyncadd.remote.s32 @p0 $0x1;
	_ =	sdelay $0x1  }
0xac: {  	s5 =	simm.s32 @p0 $0x1B8D  }
0xad: {  	_ =	swait.eq @p0 [sflag:s5], $0x1  }
0xae: {  	[sflag:s5] =	ssyncadd.s32 @p0 $0xFFFFFFFF  }
0xaf: {  	s6 =	sshll.u32 @!p0 s1, $0xE  }
0xb0: {  	s6 =	sor.u32 @!p0 $0x4000, s6;
	s5 =	simm.s32 @!p0 $0x1B8D  }
0xb1: {  	s4 =	sshll.u32 @!p0 s4, $0x11;
	s6 =	sadd.s32 @!p0 $0x11B8D, s6;
	_ =	swait.eq @!p0 [sflag:s5], $0x1  }
0xb2: {  	s4 =	sor.u32 @!p0 s4, s6;
	[sflag:s5] =	ssyncadd.s32 @!p0 $0xFFFFFFFF  }
0xb3: {  	s25 =	simm.s32 $0x1B8E;
	s24 =	sld [smem:$0x3FFE];
	[sflag:s4] =	ssyncadd.remote.s32 @!p0 $0x1  }
0xb4: {  	s26 =	simm.s32 $execute0_lowered;
	[smem:$0x3FD2] =	sst s25  }
0xb5: {  	s5 =	sshll.u32 s26, $0x1;
	_ =	strace $0x80000049;
	[dreg:$0x1] =	wrdreg $0xFFFFFFFF  }
0xb6: {  	s28 =	simm.s32 $_size_execute0_lowered;
	s3 =	sadd.s32 s3, s5;
	[dreg:$0x0] =	wrdreg $0x0  }
0xb7: {  	s5 =	sshll.u32 s28, $0x1;
	[dreg:$0x2] =	wrdreg s3  }
0xb8: {  	[dreg:$0x3] =	wrdreg s5  }
0xb9: {  	[dreg:$0x4] =	wrdreg $0xC0  }
0xba: {  	_ =	task [dreg:s22], $0x5FFFF  }
0xbb: {  	[dreg:$0x1] =	wrdreg $0xFFFFFFFF  }
0xbc: {  	[dreg:$0x0] =	wrdreg $0x60  }
0xbd: {  	[dreg:$0x2] =	wrdreg s24  }
0xbe: {  	[dreg:$0x3] =	wrdreg $0xA  }
0xbf: {  	_ =	task.clear_ibuf [dreg:s22], $0x4FFFF;
	_ =	strace $0x90000049  }
0xc0: {  	s29 =	simm.s32 $0xA;
	_ =	strace $0x8000004B  }
0xc1: {  	_ =	swait.ge [sflag:s29], $0x1  }
0xc2: {  	[sflag:s29] =	ssyncadd.s32 $0xFFFFFFFF  }
0xc3: {  	_ =	strace $0x9000004B  }
0xc4: {  	_ =	sfence  }
0xc5: {  	s30 =	sld [smem:$0x0];
	_ =	sdelay $0x2  }
0xc6: {  	s31 =	sshll.u32 s1, $0xD;
	s1 =	sshrl.u32 s1, $0x2  }
0xc7: {  	s4 =	sand.u32 $0x4000, s31;
	s1 =	sadd.s32 s1, s30  }
0xc8: {  	s0 =	sor.u32 s4, s0;
	s1 =	sshll.u32 s1, $0x11  }
0xc9: {  	s0 =	sor.u32 s1, s0  }
0xca: {  	s0 =	sadd.s32 $0x8F2B, s0  }
0xcb: {  	[sflag:s0] =	ssyncadd.remote.s32 $0x1  }
0xcc: {  	_ =	sfence.sel $0xFFFF  }
0xcd: {  	[dreg:$0x0] =	wrdreg $0xFFFFFFFF;
	(pc) =	sbr.abs _section_cstart, $3  }
0xce: {  	[dreg:$0x1] =	wrdreg $0xFFFFFFFF  }
0xcf: {  	_ =	task.clear_ibuf [dreg:s22], $0x2FFFF;
	_ =	strace $0x9FFFFFFF  }
0xd0: {  	(tm) =	ssettm $0x7FFFFFFF  }
0xd1: {  	_ =	shalt  }
tec
execute0_lowered:
.L_overlay_start_1:
0x0: {  	(tag) =	ssettag $0x1  }
0x1: {  	s1 =	srdreg.scid;
	s0 =	stileid.u32  }
0x2: {  	s23 =	sand.u32 $0x1, s1;
	s31 =	sshll.u32 s0, $0x1  }
0x3: {  	s15 =	sor.u32 s23, s31  }
0x4: {  	s14 =	rddreg [dreg:$0x0];
	s2 =	simm.s32 $0x0;
	s3 =	sshll.u32 s15, $0x7  }
0x5: {  	s4 =	simm.s32 $0x9;
	[smem:$0x7FF] =	sst s2;
	s3 =	sadd.s32 s3, s14  }
0x6: {  	s1 =	rddreg [dreg:$0x1];
	_ =	strace $0x8000004A;
	s3 =	sadd.s32 $0x2E00, s3  }
0x7: {  	[tilespmem:s2], [sflag:$0x9] =	stream.linear.gather [hbm4b:s3+s2], $0x400, $0x38;
	[tilespmem:$0x10400] =	vst v63  }
0x8: {  	_ =	swait.ge [sflag:s4], $0x400  }
0x9: {  	s6 =	simm.s32 $0x80;
	[sflag:s4] =	ssyncset.done $0x0  }
0xa: {  	s7 =	simm.s32 $0x400;
	s5 =	sadd.s32 $0x125E00, s14;
	[sflag:s4] =	ssyncadd.s32 $0xFFFFFC00  }
0xb: {  	[tilespmem:s7], [sflag:$0x1] =	stream.indirect.gather [hbm4b:s5+s6], $0x80, s2, s6, $0xb8;
	[tilespmem:$0x10400] =	vst v63  }
0xc: {  	s8 =	simm.s32 $0x4400  }
0xd: {  	[tilespmem:s8], [sflag:$0x2] =	stream.indirect.gather [hbm4b:s5+s6], $0x80, s6, s6, $0xb8;
	[tilespmem:$0x10400] =	vst v63  }
0xe: {  	s9 =	simm.s32 $0x100;
	s10 =	simm.s32 $0x8400  }
0xf: {  	[tilespmem:s10], [sflag:$0x3] =	stream.indirect.gather [hbm4b:s5+s6], $0x80, s9, s6, $0xb8;
	[tilespmem:$0x10400] =	vst v63  }
0x10: {  	s11 =	simm.s32 $0x180;
	s12 =	simm.s32 $0xC400;
	s13 =	simm.s32 $0x1  }
0x11: {  	[tilespmem:s12], [sflag:$0x4] =	stream.indirect.gather [hbm4b:s5+s6], $0x80, s11, s6, $0xb8;
	[tilespmem:$0x10400] =	vst v63  }
0x12: {  	s15 =	sshll.u32 s15, $0xD;
	_ =	swait.ge [sflag:s13], $0x4000  }
0x13: {  	s20 =	sadd.s32 s15, s14;
	[sflag:s13] =	ssyncset.done $0x0  }
0x14: {  	s15 =	simm.s32 $0x2;
	s14 =	sadd.s32 $0x205E00, s20;
	[sflag:s13] =	ssyncadd.s32 $0xFFFFC000  }
0x15: {  	[hbm4b:s14+s2] =	stream.linear.scatter [tilespmem:s7], [sflag:$0x5], $0x4000, $0x38;
	[tilespmem:$0x10400] =	vst v63  }
0x16: {  	_ =	swait.ge [sflag:s15], $0x4000  }
0x17: {  	[sflag:s15] =	ssyncset.done $0x0  }
0x18: {  	s17 =	simm.s32 $0x3;
	s16 =	sadd.s32 $0x206600, s20;
	[sflag:s15] =	ssyncadd.s32 $0xFFFFC000  }
0x19: {  	[hbm4b:s16+s2] =	stream.linear.scatter [tilespmem:s8], [sflag:$0x6], $0x4000, $0x38;
	[tilespmem:$0x10400] =	vst v63  }
0x1a: {  	_ =	swait.ge [sflag:s17], $0x4000  }
0x1b: {  	[sflag:s17] =	ssyncset.done $0x0  }
0x1c: {  	s19 =	simm.s32 $0x4;
	s18 =	sadd.s32 $0x206E00, s20;
	[sflag:s17] =	ssyncadd.s32 $0xFFFFC000  }
0x1d: {  	[hbm4b:s18+s2] =	stream.linear.scatter [tilespmem:s10], [sflag:$0x7], $0x4000, $0x38;
	[tilespmem:$0x10400] =	vst v63  }
0x1e: {  	_ =	swait.ge [sflag:s19], $0x4000  }
0x1f: {  	[sflag:s19] =	ssyncset.done $0x0  }
0x20: {  	s21 =	simm.s32 $0x5;
	s20 =	sadd.s32 $0x207600, s20;
	[sflag:s19] =	ssyncadd.s32 $0xFFFFC000  }
0x21: {  	[hbm4b:s20+s2] =	stream.linear.scatter [tilespmem:s12], [sflag:$0x8], $0x4000, $0x38;
	[tilespmem:$0x10400] =	vst v63  }
0x22: {  	_ =	swait.ge [sflag:s21], $0x4000  }
0x23: {  	s24 =	ssub.s32 $0x2, s23;
	[sflag:s21] =	ssyncset.done $0x0  }
0x24: {  	s22 =	simm.s32 $0x6;
	s25 =	sshrl.u32 s24, $0x1;
	[sflag:s21] =	ssyncadd.s32 $0xFFFFC000  }
0x25: {  	s24 =	ssub.s32 s24, s25;
	_ =	swait.ge [sflag:s22], $0x4000  }
0x26: {  	s25 =	smax.u32 s24, $0x1;
	[sflag:s22] =	ssyncset.done $0x0  }
0x27: {  	s23 =	simm.s32 $0x7;
	p0 =	sne.s32 s25, $0x1;
	[sflag:s22] =	ssyncadd.s32 $0xFFFFC000  }
.Ltmp0:
0x28: {  	_ =	swait.ge [sflag:s23], $0x4000;
	(pc) =	sbr.rel @!p0 .LBB2_2-.Ltmp0, $4  }
0x29: {  	[sflag:s23] =	ssyncset.done $0x0  }
0x2a: {  	s24 =	simm.s32 $0x8;
	[sflag:s23] =	ssyncadd.s32 $0xFFFFC000  }
0x2b: {  	_ =	swait.ge [sflag:s24], $0x4000  }
0x2c: {  	s25 =	sadd.s32 $0xFFFFFFFF, s25;
	[sflag:s24] =	ssyncset.done $0x0  }
.LBB2_1:
0x2d: {  	p0 =	sne.s32 s25, $0x1;
	s25 =	sadd.s32 $0xFFFFFFFF, s25;
	[sflag:s24] =	ssyncadd.s32 $0xFFFFC000  }
0x2e: {  	[tilespmem:s2], [sflag:$0x9] =	stream.linear.gather [hbm4b:s3+s2], $0x400, $0x38;
	[tilespmem:$0x10400] =	vst v63  }
0x2f: {  	_ =	swait.ge [sflag:s4], $0x400  }
0x30: {  	[sflag:s4] =	ssyncset.done $0x0  }
0x31: {  	[sflag:s4] =	ssyncadd.s32 $0xFFFFFC00  }
0x32: {  	[tilespmem:s7], [sflag:$0x1] =	stream.indirect.gather [hbm4b:s5+s6], $0x80, s2, s6, $0xb8;
	[tilespmem:$0x10400] =	vst v63  }
0x33: {  	_ = 	snop  }
0x34: {  	[tilespmem:s8], [sflag:$0x2] =	stream.indirect.gather [hbm4b:s5+s6], $0x80, s6, s6, $0xb8;
	[tilespmem:$0x10400] =	vst v63  }
0x35: {  	_ = 	snop  }
0x36: {  	[tilespmem:s10], [sflag:$0x3] =	stream.indirect.gather [hbm4b:s5+s6], $0x80, s9, s6, $0xb8;
	[tilespmem:$0x10400] =	vst v63  }
0x37: {  	_ = 	snop  }
0x38: {  	[tilespmem:s12], [sflag:$0x4] =	stream.indirect.gather [hbm4b:s5+s6], $0x80, s11, s6, $0xb8;
	[tilespmem:$0x10400] =	vst v63  }
0x39: {  	_ =	swait.ge [sflag:s13], $0x4000  }
0x3a: {  	[sflag:s13] =	ssyncset.done $0x0  }
0x3b: {  	[sflag:s13] =	ssyncadd.s32 $0xFFFFC000  }
0x3c: {  	[hbm4b:s14+s2] =	stream.linear.scatter [tilespmem:s7], [sflag:$0x5], $0x4000, $0x38;
	[tilespmem:$0x10400] =	vst v63  }
0x3d: {  	_ =	swait.ge [sflag:s15], $0x4000  }
0x3e: {  	[sflag:s15] =	ssyncset.done $0x0  }
0x3f: {  	[sflag:s15] =	ssyncadd.s32 $0xFFFFC000  }
0x40: {  	[hbm4b:s16+s2] =	stream.linear.scatter [tilespmem:s8], [sflag:$0x6], $0x4000, $0x38;
	[tilespmem:$0x10400] =	vst v63  }
0x41: {  	_ =	swait.ge [sflag:s17], $0x4000  }
0x42: {  	[sflag:s17] =	ssyncset.done $0x0  }
0x43: {  	[sflag:s17] =	ssyncadd.s32 $0xFFFFC000  }
0x44: {  	[hbm4b:s18+s2] =	stream.linear.scatter [tilespmem:s10], [sflag:$0x7], $0x4000, $0x38;
	[tilespmem:$0x10400] =	vst v63  }
0x45: {  	_ =	swait.ge [sflag:s19], $0x4000  }
0x46: {  	[sflag:s19] =	ssyncset.done $0x0  }
0x47: {  	[sflag:s19] =	ssyncadd.s32 $0xFFFFC000  }
0x48: {  	[hbm4b:s20+s2] =	stream.linear.scatter [tilespmem:s12], [sflag:$0x8], $0x4000, $0x38;
	[tilespmem:$0x10400] =	vst v63  }
0x49: {  	_ =	swait.ge [sflag:s21], $0x4000  }
0x4a: {  	[sflag:s21] =	ssyncset.done $0x0  }
0x4b: {  	[sflag:s21] =	ssyncadd.s32 $0xFFFFC000  }
0x4c: {  	_ =	swait.ge [sflag:s22], $0x4000  }
0x4d: {  	[sflag:s22] =	ssyncset.done $0x0  }
0x4e: {  	[sflag:s22] =	ssyncadd.s32 $0xFFFFC000  }
.Ltmp1:
0x4f: {  	_ =	swait.ge [sflag:s23], $0x4000;
	(pc) =	sbr.rel @p0 .LBB2_1-.Ltmp1, $4  }
0x50: {  	[sflag:s23] =	ssyncset.done $0x0  }
0x51: {  	[sflag:s23] =	ssyncadd.s32 $0xFFFFC000  }
0x52: {  	_ =	swait.ge [sflag:s24], $0x4000  }
0x53: {  	[sflag:s24] =	ssyncset.done $0x0  }
.LBB2_2:
0x54: {  	[sflag:s24] =	ssyncadd.s32 $0xFFFFC000  }
0x55: {  	_ =	sfence.sel $0x180000  }
0x56: {  	[bflag:$0x0] =	sbarrier.arrive $0xFFFF  }
0x57: {  	p0 =	sne.s32 s0, $0x0;
	_ =	strace $0x9000004A  }
0x58: {  	s0 =	sadd.s32 @!p0 $0x100000, s1;
	[bflag:$0x2] =	sbarrier.arrive $0xFFFF  }
0x59: {  	[sflag:s0] =	ssyncadd.tile.s32 @!p0 $0x1;
	_ =	shalt  }
.Lfunc_end2:
_tile_overlayer_lowered:
.L_overlay_start_2:
0x5a: {  	(tag) =	ssettag $0x2  }
0x5b: {  	s0 =	rddreg [dreg:$0x0];
	s2 =	stileid.u32  }
0x5c: {  	s1 =	rddreg [dreg:$0x1];
	p0 =	sne.s32 s2, $0x0  }
0x5d: {  	s3 =	rddreg [dreg:$0x2];
	[bflag:$0x3] =	sbarrier.arrive $0xFFFF;
	s2 =	simm.s32 @!p0 $0x1C09  }
0x5e: {  	[timem:s3], [sflag:s2] =	dma.local @!p0 [hbm:s0], s1  }
0x5f: {  	s0 =	simm.s32 @!p0 $0x9  }
0x60: {  	_ =	swait.ge @!p0 [sflag:s0], s1  }
0x61: {  	s1 =	ssub.s32 @!p0 $0x0, s1;
	[sflag:s0] =	ssyncset.done @!p0 $0x0  }
0x62: {  	[sflag:s0] =	ssyncadd.s32 @!p0 s1  }
0x63: {  	[bflag:$0x3] =	sbarrier.arrive $0xFFFF  }
0x64: {  	_ =	shalt  }

// kernel: kernel.19.cloned.1.call-start
scs
__scs_entry_jumppad:
0x0: {  	(pc) =	sbr.rel $0x88, $3  }
0x1: {  	(tag) =	ssettag $0x0;
	lr =	simm.s32 $0x1  }
0x2: {  	[smem:$0x3F99] =	sst lr;
	_ =	strace $0xD0000000  }
0x3: {  	_ = 	snop  }
0x4: {  	_ = 	snop  }
0x5: {  	_ = 	snop  }
0x6: {  	_ = 	snop  }
0x7: {  	_ = 	snop  }
__scs_overlays_trampoline_lowered:
0x8: {  	[smem:$0x3FA8] =	sst s0  }
0x9: {  	[smem:$0x3FA9] =	sst s1  }
0xa: {  	[smem:$0x3FAA] =	sst s2  }
0xb: {  	[smem:$0x3FAB] =	sst s3  }
0xc: {  	[smem:$0x3FAC] =	sst s4  }
0xd: {  	[smem:$0x3FAD] =	sst s5  }
0xe: {  	[smem:$0x3FAE] =	sst s6  }
0xf: {  	[smem:$0x3FAF] =	sst s7  }
0x10: {  	[smem:$0x3FB0] =	sst s8  }
0x11: {  	[smem:$0x3FB1] =	sst s9;
	s0 =	simm.s32 @!p0 $0x0  }
0x12: {  	s1 =	sld [smem:$0x3F97];
	s0 =	simm.s32 @p0 $0x1  }
0x13: {  	[smem:$0x3FB2] =	sst s0;
	s0 =	simm.s32 @!p1 $0x0  }
0x14: {  	s2 =	sld [smem:$0x3F96];
	s0 =	simm.s32 @p1 $0x1  }
0x15: {  	[smem:$0x3FB3] =	sst s0;
	s0 =	simm.s32 @!p2 $0x0  }
0x16: {  	s3 =	sld [smem:$0x3FDB];
	s0 =	simm.s32 @p2 $0x1  }
0x17: {  	s4 =	simm.s32 $0x1BF5;
	[smem:$0x3FB5] =	sst s0  }
0x18: {  	s0 =	sld [smem:$0x3F98];
	_ =	swait.ge [sflag:s4], $0x0  }
0x19: {  	s7 =	sld [smem:$0x3F99]  }
0x1a: {  	s8 =	sadd.s32 $0xFFFFE003, lr  }
0x1b: {  	s9 =	sadd.s32 $0xFFFFFEF7, lr;
	s5 =	simm.s32 $0xFFFFFFFF;
	p2 =	slt.u32 s8, $0xFFFFF086  }
0x1c: {  	p1 =	slt.u32 s9, $0xF7A;
	s5 =	simm.s32 @!p2 $0x0  }
0x1d: {  	s5 =	simm.s32 @p1 $0x1;
	p0 =	seq.s32 s7, s2  }
0x1e: {  	s7 =	smul.u32 @!p0 $0xF7A, s2;
	p2 =	seq.s32 @!p0 s5, $0x0  }
0x1f: {  	s9 =	smul.u32 $0xF7A, s1;
	s8 =	simm.s32 @!p0 $0x1BF5;
	p2 =	por !p2, p0  }
0x20: {  	[sflag:s8] =	ssyncset.s32 @!p0 $0xFFFFF086;
	s6 =	sadd.s32 @!p0 s3, s7;
	s7 =	simm.s32 @!p0 $0x108  }
0x21: {  	s3 =	sadd.s32 s3, s9;
	s6 =	sadd.s32 @!p0 $0x88, s6;
	s7 =	simm.s32 @p2 $0x1082  }
0x22: {  	[simem:s7], [sflag:s8] =	dma.local @!p0 [hbm:s6], $0xF7A  }
0x23: {  	s9 =	sor.u32 $0xD0000000, s2;
	s6 =	simm.s32 $0x108;
	_ =	swait.ge @!p0 [sflag:s8], $0x0  }
0x24: {  	s3 =	sadd.s32 $0x88, s3;
	s6 =	simm.s32 @!p1 $0x1082;
	[sflag:s4] =	ssyncset.s32 $0xFFFFF086  }
0x25: {  	[simem:s6], [sflag:s4] =	dma.local [hbm:s3], $0xF7A  }
0x26: {  	[smem:$0x3F99] =	sst s1;
	(tag) =	ssettag s2;
	_ =	strace s9  }
0x27: {  	s1 =	sld [smem:$0x3FA9]  }
0x28: {  	s2 =	sld [smem:$0x3FAA]  }
0x29: {  	s4 =	sld [smem:$0x3FAC]  }
0x2a: {  	p0 =	seq.s32 s5, $0x0;
	s5 =	sld [smem:$0x3FAD]  }
0x2b: {  	s6 =	sld [smem:$0x3FAE]  }
0x2c: {  	s7 =	sld [smem:$0x3FAF]  }
0x2d: {  	s3 =	simm.s32 $0x108;
	s8 =	sld [smem:$0x3FB0]  }
0x2e: {  	s3 =	simm.s32 @!p0 $0x1082;
	s9 =	sld [smem:$0x3FB1]  }
0x2f: {  	lr =	sadd.s32 s0, s3;
	s0 =	sld [smem:$0x3FA8]  }
0x30: {  	s3 =	sld [smem:$0x3FAB]  }
0x31: {  	[smem:$0x3FB4] =	sst s10  }
0x32: {  	s10 =	sld [smem:$0x3FB2];
	_ =	sdelay $0x3  }
0x33: {  	p0 =	seq.s32 s10, $0x1;
	s10 =	sld [smem:$0x3FB4];
	_ =	sdelay $0x3  }
0x34: {  	[smem:$0x3FB4] =	sst s10  }
0x35: {  	s10 =	sld [smem:$0x3FB3];
	_ =	sdelay $0x3  }
0x36: {  	p1 =	seq.s32 s10, $0x1;
	s10 =	sld [smem:$0x3FB4];
	_ =	sdelay $0x3  }
0x37: {  	[smem:$0x3FB4] =	sst s10  }
0x38: {  	s10 =	sld [smem:$0x3FB5]  }
0x39: {  	_ = 	snop;
	(pc) =	sbr.ind lr, $3  }
0x3a: {  	_ = 	snop  }
0x3b: {  	_ = 	snop  }
0x3c: {  	p2 =	seq.s32 s10, $0x1;
	s10 =	sld [smem:$0x3FB4]  }
0x3d: {  	_ =	shalt  }
0x3e: {  	_ =	shalt  }
0x3f: {  	_ =	shalt  }
0x40: {  	_ =	shalt  }
0x41: {  	_ =	shalt  }
0x42: {  	_ =	shalt  }
0x43: {  	_ =	shalt  }
0x44: {  	_ =	shalt  }
0x45: {  	_ =	shalt  }
0x46: {  	_ =	shalt  }
0x47: {  	_ =	shalt  }
0x48: {  	_ =	shalt  }
0x49: {  	_ =	shalt  }
0x4a: {  	_ =	shalt  }
0x4b: {  	_ =	shalt  }
0x4c: {  	_ =	shalt  }
0x4d: {  	_ =	shalt  }
0x4e: {  	_ =	shalt  }
0x4f: {  	_ =	shalt  }
0x50: {  	_ =	shalt  }
0x51: {  	_ =	shalt  }
0x52: {  	_ =	shalt  }
0x53: {  	_ =	shalt  }
0x54: {  	_ =	shalt  }
0x55: {  	_ =	shalt  }
0x56: {  	_ =	shalt  }
0x57: {  	_ =	shalt  }
0x58: {  	_ =	shalt  }
0x59: {  	_ =	shalt  }
0x5a: {  	_ =	shalt  }
0x5b: {  	_ =	shalt  }
0x5c: {  	_ =	shalt  }
0x5d: {  	_ =	shalt  }
0x5e: {  	_ =	shalt  }
0x5f: {  	_ =	shalt  }
0x60: {  	_ =	shalt  }
0x61: {  	_ =	shalt  }
0x62: {  	_ =	shalt  }
0x63: {  	_ =	shalt  }
0x64: {  	_ =	shalt  }
0x65: {  	_ =	shalt  }
0x66: {  	_ =	shalt  }
0x67: {  	_ =	shalt  }
0x68: {  	_ =	shalt  }
0x69: {  	_ =	shalt  }
0x6a: {  	_ =	shalt  }
0x6b: {  	_ =	shalt  }
0x6c: {  	_ =	shalt  }
0x6d: {  	_ =	shalt  }
0x6e: {  	_ =	shalt  }
0x6f: {  	_ =	shalt  }
0x70: {  	_ =	shalt  }
0x71: {  	_ =	shalt  }
0x72: {  	_ =	shalt  }
0x73: {  	_ =	shalt  }
0x74: {  	_ =	shalt  }
0x75: {  	_ =	shalt  }
0x76: {  	_ =	shalt  }
0x77: {  	_ =	shalt  }
0x78: {  	_ =	shalt  }
0x79: {  	_ =	shalt  }
0x7a: {  	_ =	shalt  }
0x7b: {  	_ =	shalt  }
0x7c: {  	_ =	shalt  }
0x7d: {  	_ =	shalt  }
0x7e: {  	_ =	shalt  }
0x7f: {  	_ =	shalt  }
0x80: {  	_ =	shalt  }
0x81: {  	_ =	shalt  }
0x82: {  	_ =	shalt  }
0x83: {  	_ =	shalt  }
0x84: {  	_ =	shalt  }
0x85: {  	_ =	shalt  }
0x86: {  	_ =	shalt  }
0x87: {  	_ =	shalt  }
.Lfunc_end0:
.L_simem_size_0:
called_computation.2_lowered:
.L_overlay_start_0:
0x88: {  	s2 =	sld [smem:$0x3FD9]  }
0x89: {  	s3 =	sld [smem:$0x3FFE];
	_ =	sdelay $0x1  }
0x8a: {  	s1 =	srdreg.scid  }
0x8b: {  	s0 =	sand.u32 $0x1, s1  }
0x8c: {  	s17 =	sshll.u32 s0, $0xA;
	s2 =	sadd.s32 s3, s2  }
0x8d: {  	s2 =	sadd.s32 s2, s17  }
0x8e: {  	[smem:$0x3FC0] =	sst s2  }
0x8f: {  	_ = 	snop  }
0x90: {  	(tm) =	ssettm $0x1  }
0x91: {  	s18 =	sld [smem:$0x3FFB];
	_ =	sdelay $0x3  }
0x92: {  	_ =	strace s18  }
0x93: {  	s2 =	sld [smem:$0x3FFC];
	_ =	sdelay $0x3  }
0x94: {  	_ =	strace s2  }
0x95: {  	s2 =	sld [smem:$0x3FFD];
	_ =	sdelay $0x3  }
0x96: {  	_ =	strace s2  }
0x97: {  	_ =	strace $0x8FFFFFFF  }
0x98: {  	s19 =	sld [smem:$0x3FDB];
	_ =	sdelay $0x1  }
0x99: {  	s20 =	simm.s32 $_scs_section_size  }
0x9a: {  	s4 =	simm.s32 $_size__tile_overlayer_lowered;
	s5 =	simm.s32 $_tile_overlayer_lowered  }
0x9b: {  	s6 =	simm.s32 $0x1BFF;
	s21 =	sshll.u32 s5, $0x1;
	s3 =	sadd.s32 s20, s19  }
0x9c: {  	s22 =	simm.s32 $0x0;
	s4 =	sshll.u32 s4, $0x1;
	s5 =	sadd.s32 s21, s3  }
0x9d: {  	[timem:s22], [sflag:s6] =	dma.local [hbm:s5], s4  }
0x9e: {  	_ =	swait.ge [sflag:s6], s4  }
0x9f: {  	s4 =	ssub.s32 $0x0, s4;
	[sflag:s6] =	ssyncset.done $0x0  }
0xa0: {  	[sflag:s6] =	ssyncadd.s32 s4;
	_ =	sdelay $0x1  }
0xa1: {  	s23 =	simm.s32 $0x1B8B  }
0xa2: {  	_ =	swait.ge [sflag:s23], $0x1  }
0xa3: {  	[sflag:s23] =	ssyncset.done $0x0  }
0xa4: {  	[sflag:s23] =	ssyncadd.s32 $0xFFFFFFFF  }
0xa5: {  	s4 =	sld [smem:$0x0]  }
0xa6: {  	s5 =	sand.u32 $0xFFFFFFFE, s1  }
0xa7: {  	p0 =	sne.s32 s1, s5  }
0xa8: {  	s5 =	sshll.u32 @p0 s5, $0xE  }
0xa9: {  	s5 =	sadd.s32 @p0 $0x11B8D, s5;
	s6 =	sshll.u32 @p0 s4, $0x11  }
0xaa: {  	s5 =	sor.u32 @p0 s6, s5  }
0xab: {  	[sflag:s5] =	ssyncadd.remote.s32 @p0 $0x1;
	_ =	sdelay $0x1  }
0xac: {  	s5 =	simm.s32 @p0 $0x1B8D  }
0xad: {  	_ =	swait.eq @p0 [sflag:s5], $0x1  }
0xae: {  	[sflag:s5] =	ssyncadd.s32 @p0 $0xFFFFFFFF  }
0xaf: {  	s6 =	sshll.u32 @!p0 s1, $0xE  }
0xb0: {  	s6 =	sor.u32 @!p0 $0x4000, s6;
	s5 =	simm.s32 @!p0 $0x1B8D  }
0xb1: {  	s4 =	sshll.u32 @!p0 s4, $0x11;
	s6 =	sadd.s32 @!p0 $0x11B8D, s6;
	_ =	swait.eq @!p0 [sflag:s5], $0x1  }
0xb2: {  	s4 =	sor.u32 @!p0 s4, s6;
	[sflag:s5] =	ssyncadd.s32 @!p0 $0xFFFFFFFF  }
0xb3: {  	s25 =	simm.s32 $0x1B8E;
	s24 =	sld [smem:$0x3FFE];
	[sflag:s4] =	ssyncadd.remote.s32 @!p0 $0x1  }
0xb4: {  	s26 =	simm.s32 $execute0_lowered;
	[smem:$0x3FD2] =	sst s25  }
0xb5: {  	s5 =	sshll.u32 s26, $0x1;
	_ =	strace $0x8000004C;
	[dreg:$0x1] =	wrdreg $0xFFFFFFFF  }
0xb6: {  	s28 =	simm.s32 $_size_execute0_lowered;
	s3 =	sadd.s32 s3, s5;
	[dreg:$0x0] =	wrdreg $0x0  }
0xb7: {  	s5 =	sshll.u32 s28, $0x1;
	[dreg:$0x2] =	wrdreg s3  }
0xb8: {  	[dreg:$0x3] =	wrdreg s5  }
0xb9: {  	[dreg:$0x4] =	wrdreg $0xC0  }
0xba: {  	_ =	task [dreg:s22], $0x5FFFF  }
0xbb: {  	[dreg:$0x1] =	wrdreg $0xFFFFFFFF  }
0xbc: {  	[dreg:$0x0] =	wrdreg $0x60  }
0xbd: {  	[dreg:$0x2] =	wrdreg s24  }
0xbe: {  	[dreg:$0x3] =	wrdreg $0xB  }
0xbf: {  	_ =	task.clear_ibuf [dreg:s22], $0x4FFFF;
	_ =	strace $0x9000004C  }
0xc0: {  	s29 =	simm.s32 $0xB;
	_ =	strace $0x8000004E  }
0xc1: {  	_ =	swait.ge [sflag:s29], $0x1  }
0xc2: {  	[sflag:s29] =	ssyncadd.s32 $0xFFFFFFFF  }
0xc3: {  	_ =	strace $0x9000004E  }
0xc4: {  	_ =	sfence  }
0xc5: {  	s30 =	sld [smem:$0x0];
	_ =	sdelay $0x2  }
0xc6: {  	s31 =	sshll.u32 s1, $0xD;
	s1 =	sshrl.u32 s1, $0x2  }
0xc7: {  	s4 =	sand.u32 $0x4000, s31;
	s1 =	sadd.s32 s1, s30  }
0xc8: {  	s0 =	sor.u32 s4, s0;
	s1 =	sshll.u32 s1, $0x11  }
0xc9: {  	s0 =	sor.u32 s1, s0  }
0xca: {  	s0 =	sadd.s32 $0x8F2B, s0  }
0xcb: {  	[sflag:s0] =	ssyncadd.remote.s32 $0x1  }
0xcc: {  	_ =	sfence.sel $0xFFFF  }
0xcd: {  	[dreg:$0x0] =	wrdreg $0xFFFFFFFF;
	(pc) =	sbr.abs _section_cstart, $3  }
0xce: {  	[dreg:$0x1] =	wrdreg $0xFFFFFFFF  }
0xcf: {  	_ =	task.clear_ibuf [dreg:s22], $0x2FFFF;
	_ =	strace $0x9FFFFFFF  }
0xd0: {  	(tm) =	ssettm $0x7FFFFFFF  }
0xd1: {  	_ =	shalt  }
tec
execute0_lowered:
.L_overlay_start_1:
0x0: {  	(tag) =	ssettag $0x1  }
0x1: {  	s1 =	srdreg.scid;
	s0 =	stileid.u32  }
0x2: {  	s23 =	sand.u32 $0x1, s1;
	s31 =	sshll.u32 s0, $0x1  }
0x3: {  	s15 =	sor.u32 s23, s31  }
0x4: {  	s14 =	rddreg [dreg:$0x0];
	s2 =	simm.s32 $0x0;
	s3 =	sshll.u32 s15, $0x7  }
0x5: {  	s4 =	simm.s32 $0x9;
	[smem:$0x7FF] =	sst s2;
	s3 =	sadd.s32 s3, s14  }
0x6: {  	s1 =	rddreg [dreg:$0x1];
	_ =	strace $0x8000004D;
	s3 =	sadd.s32 $0x3E00, s3  }
0x7: {  	[tilespmem:s2], [sflag:$0x9] =	stream.linear.gather [hbm4b:s3+s2], $0x400, $0x38;
	[tilespmem:$0x10400] =	vst v63  }
0x8: {  	_ =	swait.ge [sflag:s4], $0x400  }
0x9: {  	s6 =	simm.s32 $0x80;
	[sflag:s4] =	ssyncset.done $0x0  }
0xa: {  	s7 =	simm.s32 $0x400;
	s5 =	sadd.s32 $0x245E00, s14;
	[sflag:s4] =	ssyncadd.s32 $0xFFFFFC00  }
0xb: {  	[tilespmem:s7], [sflag:$0x1] =	stream.indirect.gather [hbm4b:s5+s6], $0x80, s2, s6, $0xb8;
	[tilespmem:$0x10400] =	vst v63  }
0xc: {  	s8 =	simm.s32 $0x4400  }
0xd: {  	[tilespmem:s8], [sflag:$0x2] =	stream.indirect.gather [hbm4b:s5+s6], $0x80, s6, s6, $0xb8;
	[tilespmem:$0x10400] =	vst v63  }
0xe: {  	s9 =	simm.s32 $0x100;
	s10 =	simm.s32 $0x8400  }
0xf: {  	[tilespmem:s10], [sflag:$0x3] =	stream.indirect.gather [hbm4b:s5+s6], $0x80, s9, s6, $0xb8;
	[tilespmem:$0x10400] =	vst v63  }
0x10: {  	s11 =	simm.s32 $0x180;
	s12 =	simm.s32 $0xC400;
	s13 =	simm.s32 $0x1  }
0x11: {  	[tilespmem:s12], [sflag:$0x4] =	stream.indirect.gather [hbm4b:s5+s6], $0x80, s11, s6, $0xb8;
	[tilespmem:$0x10400] =	vst v63  }
0x12: {  	s15 =	sshll.u32 s15, $0xD;
	_ =	swait.ge [sflag:s13], $0x4000  }
0x13: {  	s20 =	sadd.s32 s15, s14;
	[sflag:s13] =	ssyncset.done $0x0  }
0x14: {  	s15 =	simm.s32 $0x2;
	s14 =	sadd.s32 $0x325E00, s20;
	[sflag:s13] =	ssyncadd.s32 $0xFFFFC000  }
0x15: {  	[hbm4b:s14+s2] =	stream.linear.scatter [tilespmem:s7], [sflag:$0x5], $0x4000, $0x38;
	[tilespmem:$0x10400] =	vst v63  }
0x16: {  	_ =	swait.ge [sflag:s15], $0x4000  }
0x17: {  	[sflag:s15] =	ssyncset.done $0x0  }
0x18: {  	s17 =	simm.s32 $0x3;
	s16 =	sadd.s32 $0x326600, s20;
	[sflag:s15] =	ssyncadd.s32 $0xFFFFC000  }
0x19: {  	[hbm4b:s16+s2] =	stream.linear.scatter [tilespmem:s8], [sflag:$0x6], $0x4000, $0x38;
	[tilespmem:$0x10400] =	vst v63  }
0x1a: {  	_ =	swait.ge [sflag:s17], $0x4000  }
0x1b: {  	[sflag:s17] =	ssyncset.done $0x0  }
0x1c: {  	s19 =	simm.s32 $0x4;
	s18 =	sadd.s32 $0x326E00, s20;
	[sflag:s17] =	ssyncadd.s32 $0xFFFFC000  }
0x1d: {  	[hbm4b:s18+s2] =	stream.linear.scatter [tilespmem:s10], [sflag:$0x7], $0x4000, $0x38;
	[tilespmem:$0x10400] =	vst v63  }
0x1e: {  	_ =	swait.ge [sflag:s19], $0x4000  }
0x1f: {  	[sflag:s19] =	ssyncset.done $0x0  }
0x20: {  	s21 =	simm.s32 $0x5;
	s20 =	sadd.s32 $0x327600, s20;
	[sflag:s19] =	ssyncadd.s32 $0xFFFFC000  }
0x21: {  	[hbm4b:s20+s2] =	stream.linear.scatter [tilespmem:s12], [sflag:$0x8], $0x4000, $0x38;
	[tilespmem:$0x10400] =	vst v63  }
0x22: {  	_ =	swait.ge [sflag:s21], $0x4000  }
0x23: {  	s24 =	ssub.s32 $0x2, s23;
	[sflag:s21] =	ssyncset.done $0x0  }
0x24: {  	s22 =	simm.s32 $0x6;
	s25 =	sshrl.u32 s24, $0x1;
	[sflag:s21] =	ssyncadd.s32 $0xFFFFC000  }
0x25: {  	s24 =	ssub.s32 s24, s25;
	_ =	swait.ge [sflag:s22], $0x4000  }
0x26: {  	s25 =	smax.u32 s24, $0x1;
	[sflag:s22] =	ssyncset.done $0x0  }
0x27: {  	s23 =	simm.s32 $0x7;
	p0 =	sne.s32 s25, $0x1;
	[sflag:s22] =	ssyncadd.s32 $0xFFFFC000  }
.Ltmp0:
0x28: {  	_ =	swait.ge [sflag:s23], $0x4000;
	(pc) =	sbr.rel @!p0 .LBB2_2-.Ltmp0, $4  }
0x29: {  	[sflag:s23] =	ssyncset.done $0x0  }
0x2a: {  	s24 =	simm.s32 $0x8;
	[sflag:s23] =	ssyncadd.s32 $0xFFFFC000  }
0x2b: {  	_ =	swait.ge [sflag:s24], $0x4000  }
0x2c: {  	s25 =	sadd.s32 $0xFFFFFFFF, s25;
	[sflag:s24] =	ssyncset.done $0x0  }
.LBB2_1:
0x2d: {  	p0 =	sne.s32 s25, $0x1;
	s25 =	sadd.s32 $0xFFFFFFFF, s25;
	[sflag:s24] =	ssyncadd.s32 $0xFFFFC000  }
0x2e: {  	[tilespmem:s2], [sflag:$0x9] =	stream.linear.gather [hbm4b:s3+s2], $0x400, $0x38;
	[tilespmem:$0x10400] =	vst v63  }
0x2f: {  	_ =	swait.ge [sflag:s4], $0x400  }
0x30: {  	[sflag:s4] =	ssyncset.done $0x0  }
0x31: {  	[sflag:s4] =	ssyncadd.s32 $0xFFFFFC00  }
0x32: {  	[tilespmem:s7], [sflag:$0x1] =	stream.indirect.gather [hbm4b:s5+s6], $0x80, s2, s6, $0xb8;
	[tilespmem:$0x10400] =	vst v63  }
0x33: {  	_ = 	snop  }
0x34: {  	[tilespmem:s8], [sflag:$0x2] =	stream.indirect.gather [hbm4b:s5+s6], $0x80, s6, s6, $0xb8;
	[tilespmem:$0x10400] =	vst v63  }
0x35: {  	_ = 	snop  }
0x36: {  	[tilespmem:s10], [sflag:$0x3] =	stream.indirect.gather [hbm4b:s5+s6], $0x80, s9, s6, $0xb8;
	[tilespmem:$0x10400] =	vst v63  }
0x37: {  	_ = 	snop  }
0x38: {  	[tilespmem:s12], [sflag:$0x4] =	stream.indirect.gather [hbm4b:s5+s6], $0x80, s11, s6, $0xb8;
	[tilespmem:$0x10400] =	vst v63  }
0x39: {  	_ =	swait.ge [sflag:s13], $0x4000  }
0x3a: {  	[sflag:s13] =	ssyncset.done $0x0  }
0x3b: {  	[sflag:s13] =	ssyncadd.s32 $0xFFFFC000  }
0x3c: {  	[hbm4b:s14+s2] =	stream.linear.scatter [tilespmem:s7], [sflag:$0x5], $0x4000, $0x38;
	[tilespmem:$0x10400] =	vst v63  }
0x3d: {  	_ =	swait.ge [sflag:s15], $0x4000  }
0x3e: {  	[sflag:s15] =	ssyncset.done $0x0  }
0x3f: {  	[sflag:s15] =	ssyncadd.s32 $0xFFFFC000  }
0x40: {  	[hbm4b:s16+s2] =	stream.linear.scatter [tilespmem:s8], [sflag:$0x6], $0x4000, $0x38;
	[tilespmem:$0x10400] =	vst v63  }
0x41: {  	_ =	swait.ge [sflag:s17], $0x4000  }
0x42: {  	[sflag:s17] =	ssyncset.done $0x0  }
0x43: {  	[sflag:s17] =	ssyncadd.s32 $0xFFFFC000  }
0x44: {  	[hbm4b:s18+s2] =	stream.linear.scatter [tilespmem:s10], [sflag:$0x7], $0x4000, $0x38;
	[tilespmem:$0x10400] =	vst v63  }
0x45: {  	_ =	swait.ge [sflag:s19], $0x4000  }
0x46: {  	[sflag:s19] =	ssyncset.done $0x0  }
0x47: {  	[sflag:s19] =	ssyncadd.s32 $0xFFFFC000  }
0x48: {  	[hbm4b:s20+s2] =	stream.linear.scatter [tilespmem:s12], [sflag:$0x8], $0x4000, $0x38;
	[tilespmem:$0x10400] =	vst v63  }
0x49: {  	_ =	swait.ge [sflag:s21], $0x4000  }
0x4a: {  	[sflag:s21] =	ssyncset.done $0x0  }
0x4b: {  	[sflag:s21] =	ssyncadd.s32 $0xFFFFC000  }
0x4c: {  	_ =	swait.ge [sflag:s22], $0x4000  }
0x4d: {  	[sflag:s22] =	ssyncset.done $0x0  }
0x4e: {  	[sflag:s22] =	ssyncadd.s32 $0xFFFFC000  }
.Ltmp1:
0x4f: {  	_ =	swait.ge [sflag:s23], $0x4000;
	(pc) =	sbr.rel @p0 .LBB2_1-.Ltmp1, $4  }
0x50: {  	[sflag:s23] =	ssyncset.done $0x0  }
0x51: {  	[sflag:s23] =	ssyncadd.s32 $0xFFFFC000  }
0x52: {  	_ =	swait.ge [sflag:s24], $0x4000  }
0x53: {  	[sflag:s24] =	ssyncset.done $0x0  }
.LBB2_2:
0x54: {  	[sflag:s24] =	ssyncadd.s32 $0xFFFFC000  }
0x55: {  	_ =	sfence.sel $0x180000  }
0x56: {  	[bflag:$0x0] =	sbarrier.arrive $0xFFFF  }
0x57: {  	p0 =	sne.s32 s0, $0x0;
	_ =	strace $0x9000004D  }
0x58: {  	s0 =	sadd.s32 @!p0 $0x100000, s1;
	[bflag:$0x2] =	sbarrier.arrive $0xFFFF  }
0x59: {  	[sflag:s0] =	ssyncadd.tile.s32 @!p0 $0x1;
	_ =	shalt  }
.Lfunc_end2:
_tile_overlayer_lowered:
.L_overlay_start_2:
0x5a: {  	(tag) =	ssettag $0x2  }
0x5b: {  	s0 =	rddreg [dreg:$0x0];
	s2 =	stileid.u32  }
0x5c: {  	s1 =	rddreg [dreg:$0x1];
	p0 =	sne.s32 s2, $0x0  }
0x5d: {  	s3 =	rddreg [dreg:$0x2];
	[bflag:$0x3] =	sbarrier.arrive $0xFFFF;
	s2 =	simm.s32 @!p0 $0x1C09  }
0x5e: {  	[timem:s3], [sflag:s2] =	dma.local @!p0 [hbm:s0], s1  }
0x5f: {  	s0 =	simm.s32 @!p0 $0x9  }
0x60: {  	_ =	swait.ge @!p0 [sflag:s0], s1  }
0x61: {  	s1 =	ssub.s32 @!p0 $0x0, s1;
	[sflag:s0] =	ssyncset.done @!p0 $0x0  }
0x62: {  	[sflag:s0] =	ssyncadd.s32 @!p0 s1  }
0x63: {  	[bflag:$0x3] =	sbarrier.arrive $0xFFFF  }
0x64: {  	_ =	shalt  }

// kernel: kernel.22.cloned.1.call-start
scs
__scs_entry_jumppad:
0x0: {  	(pc) =	sbr.rel $0x88, $3  }
0x1: {  	(tag) =	ssettag $0x0;
	lr =	simm.s32 $0x1  }
0x2: {  	[smem:$0x3F99] =	sst lr;
	_ =	strace $0xD0000000  }
0x3: {  	_ = 	snop  }
0x4: {  	_ = 	snop  }
0x5: {  	_ = 	snop  }
0x6: {  	_ = 	snop  }
0x7: {  	_ = 	snop  }
__scs_overlays_trampoline_lowered:
0x8: {  	[smem:$0x3FA8] =	sst s0  }
0x9: {  	[smem:$0x3FA9] =	sst s1  }
0xa: {  	[smem:$0x3FAA] =	sst s2  }
0xb: {  	[smem:$0x3FAB] =	sst s3  }
0xc: {  	[smem:$0x3FAC] =	sst s4  }
0xd: {  	[smem:$0x3FAD] =	sst s5  }
0xe: {  	[smem:$0x3FAE] =	sst s6  }
0xf: {  	[smem:$0x3FAF] =	sst s7  }
0x10: {  	[smem:$0x3FB0] =	sst s8  }
0x11: {  	[smem:$0x3FB1] =	sst s9;
	s0 =	simm.s32 @!p0 $0x0  }
0x12: {  	s1 =	sld [smem:$0x3F97];
	s0 =	simm.s32 @p0 $0x1  }
0x13: {  	[smem:$0x3FB2] =	sst s0;
	s0 =	simm.s32 @!p1 $0x0  }
0x14: {  	s2 =	sld [smem:$0x3F96];
	s0 =	simm.s32 @p1 $0x1  }
0x15: {  	[smem:$0x3FB3] =	sst s0;
	s0 =	simm.s32 @!p2 $0x0  }
0x16: {  	s3 =	sld [smem:$0x3FDB];
	s0 =	simm.s32 @p2 $0x1  }
0x17: {  	s4 =	simm.s32 $0x1BF5;
	[smem:$0x3FB5] =	sst s0  }
0x18: {  	s0 =	sld [smem:$0x3F98];
	_ =	swait.ge [sflag:s4], $0x0  }
0x19: {  	s7 =	sld [smem:$0x3F99]  }
0x1a: {  	s8 =	sadd.s32 $0xFFFFE003, lr  }
0x1b: {  	s9 =	sadd.s32 $0xFFFFFEF7, lr;
	s5 =	simm.s32 $0xFFFFFFFF;
	p2 =	slt.u32 s8, $0xFFFFF086  }
0x1c: {  	p1 =	slt.u32 s9, $0xF7A;
	s5 =	simm.s32 @!p2 $0x0  }
0x1d: {  	s5 =	simm.s32 @p1 $0x1;
	p0 =	seq.s32 s7, s2  }
0x1e: {  	s7 =	smul.u32 @!p0 $0xF7A, s2;
	p2 =	seq.s32 @!p0 s5, $0x0  }
0x1f: {  	s9 =	smul.u32 $0xF7A, s1;
	s8 =	simm.s32 @!p0 $0x1BF5;
	p2 =	por !p2, p0  }
0x20: {  	[sflag:s8] =	ssyncset.s32 @!p0 $0xFFFFF086;
	s6 =	sadd.s32 @!p0 s3, s7;
	s7 =	simm.s32 @!p0 $0x108  }
0x21: {  	s3 =	sadd.s32 s3, s9;
	s6 =	sadd.s32 @!p0 $0x88, s6;
	s7 =	simm.s32 @p2 $0x1082  }
0x22: {  	[simem:s7], [sflag:s8] =	dma.local @!p0 [hbm:s6], $0xF7A  }
0x23: {  	s9 =	sor.u32 $0xD0000000, s2;
	s6 =	simm.s32 $0x108;
	_ =	swait.ge @!p0 [sflag:s8], $0x0  }
0x24: {  	s3 =	sadd.s32 $0x88, s3;
	s6 =	simm.s32 @!p1 $0x1082;
	[sflag:s4] =	ssyncset.s32 $0xFFFFF086  }
0x25: {  	[simem:s6], [sflag:s4] =	dma.local [hbm:s3], $0xF7A  }
0x26: {  	[smem:$0x3F99] =	sst s1;
	(tag) =	ssettag s2;
	_ =	strace s9  }
0x27: {  	s1 =	sld [smem:$0x3FA9]  }
0x28: {  	s2 =	sld [smem:$0x3FAA]  }
0x29: {  	s4 =	sld [smem:$0x3FAC]  }
0x2a: {  	p0 =	seq.s32 s5, $0x0;
	s5 =	sld [smem:$0x3FAD]  }
0x2b: {  	s6 =	sld [smem:$0x3FAE]  }
0x2c: {  	s7 =	sld [smem:$0x3FAF]  }
0x2d: {  	s3 =	simm.s32 $0x108;
	s8 =	sld [smem:$0x3FB0]  }
0x2e: {  	s3 =	simm.s32 @!p0 $0x1082;
	s9 =	sld [smem:$0x3FB1]  }
0x2f: {  	lr =	sadd.s32 s0, s3;
	s0 =	sld [smem:$0x3FA8]  }
0x30: {  	s3 =	sld [smem:$0x3FAB]  }
0x31: {  	[smem:$0x3FB4] =	sst s10  }
0x32: {  	s10 =	sld [smem:$0x3FB2];
	_ =	sdelay $0x3  }
0x33: {  	p0 =	seq.s32 s10, $0x1;
	s10 =	sld [smem:$0x3FB4];
	_ =	sdelay $0x3  }
0x34: {  	[smem:$0x3FB4] =	sst s10  }
0x35: {  	s10 =	sld [smem:$0x3FB3];
	_ =	sdelay $0x3  }
0x36: {  	p1 =	seq.s32 s10, $0x1;
	s10 =	sld [smem:$0x3FB4];
	_ =	sdelay $0x3  }
0x37: {  	[smem:$0x3FB4] =	sst s10  }
0x38: {  	s10 =	sld [smem:$0x3FB5]  }
0x39: {  	_ = 	snop;
	(pc) =	sbr.ind lr, $3  }
0x3a: {  	_ = 	snop  }
0x3b: {  	_ = 	snop  }
0x3c: {  	p2 =	seq.s32 s10, $0x1;
	s10 =	sld [smem:$0x3FB4]  }
0x3d: {  	_ =	shalt  }
0x3e: {  	_ =	shalt  }
0x3f: {  	_ =	shalt  }
0x40: {  	_ =	shalt  }
0x41: {  	_ =	shalt  }
0x42: {  	_ =	shalt  }
0x43: {  	_ =	shalt  }
0x44: {  	_ =	shalt  }
0x45: {  	_ =	shalt  }
0x46: {  	_ =	shalt  }
0x47: {  	_ =	shalt  }
0x48: {  	_ =	shalt  }
0x49: {  	_ =	shalt  }
0x4a: {  	_ =	shalt  }
0x4b: {  	_ =	shalt  }
0x4c: {  	_ =	shalt  }
0x4d: {  	_ =	shalt  }
0x4e: {  	_ =	shalt  }
0x4f: {  	_ =	shalt  }
0x50: {  	_ =	shalt  }
0x51: {  	_ =	shalt  }
0x52: {  	_ =	shalt  }
0x53: {  	_ =	shalt  }
0x54: {  	_ =	shalt  }
0x55: {  	_ =	shalt  }
0x56: {  	_ =	shalt  }
0x57: {  	_ =	shalt  }
0x58: {  	_ =	shalt  }
0x59: {  	_ =	shalt  }
0x5a: {  	_ =	shalt  }
0x5b: {  	_ =	shalt  }
0x5c: {  	_ =	shalt  }
0x5d: {  	_ =	shalt  }
0x5e: {  	_ =	shalt  }
0x5f: {  	_ =	shalt  }
0x60: {  	_ =	shalt  }
0x61: {  	_ =	shalt  }
0x62: {  	_ =	shalt  }
0x63: {  	_ =	shalt  }
0x64: {  	_ =	shalt  }
0x65: {  	_ =	shalt  }
0x66: {  	_ =	shalt  }
0x67: {  	_ =	shalt  }
0x68: {  	_ =	shalt  }
0x69: {  	_ =	shalt  }
0x6a: {  	_ =	shalt  }
0x6b: {  	_ =	shalt  }
0x6c: {  	_ =	shalt  }
0x6d: {  	_ =	shalt  }
0x6e: {  	_ =	shalt  }
0x6f: {  	_ =	shalt  }
0x70: {  	_ =	shalt  }
0x71: {  	_ =	shalt  }
0x72: {  	_ =	shalt  }
0x73: {  	_ =	shalt  }
0x74: {  	_ =	shalt  }
0x75: {  	_ =	shalt  }
0x76: {  	_ =	shalt  }
0x77: {  	_ =	shalt  }
0x78: {  	_ =	shalt  }
0x79: {  	_ =	shalt  }
0x7a: {  	_ =	shalt  }
0x7b: {  	_ =	shalt  }
0x7c: {  	_ =	shalt  }
0x7d: {  	_ =	shalt  }
0x7e: {  	_ =	shalt  }
0x7f: {  	_ =	shalt  }
0x80: {  	_ =	shalt  }
0x81: {  	_ =	shalt  }
0x82: {  	_ =	shalt  }
0x83: {  	_ =	shalt  }
0x84: {  	_ =	shalt  }
0x85: {  	_ =	shalt  }
0x86: {  	_ =	shalt  }
0x87: {  	_ =	shalt  }
.Lfunc_end0:
.L_simem_size_0:
called_computation.3_lowered:
.L_overlay_start_0:
0x88: {  	s2 =	sld [smem:$0x3FD9]  }
0x89: {  	s3 =	sld [smem:$0x3FFE];
	_ =	sdelay $0x1  }
0x8a: {  	s1 =	srdreg.scid  }
0x8b: {  	s0 =	sand.u32 $0x1, s1  }
0x8c: {  	s17 =	sshll.u32 s0, $0xA;
	s2 =	sadd.s32 s3, s2  }
0x8d: {  	s2 =	sadd.s32 s2, s17  }
0x8e: {  	[smem:$0x3FC0] =	sst s2  }
0x8f: {  	_ = 	snop  }
0x90: {  	(tm) =	ssettm $0x1  }
0x91: {  	s18 =	sld [smem:$0x3FFB];
	_ =	sdelay $0x3  }
0x92: {  	_ =	strace s18  }
0x93: {  	s2 =	sld [smem:$0x3FFC];
	_ =	sdelay $0x3  }
0x94: {  	_ =	strace s2  }
0x95: {  	s2 =	sld [smem:$0x3FFD];
	_ =	sdelay $0x3  }
0x96: {  	_ =	strace s2  }
0x97: {  	_ =	strace $0x8FFFFFFF  }
0x98: {  	s19 =	sld [smem:$0x3FDB];
	_ =	sdelay $0x1  }
0x99: {  	s20 =	simm.s32 $_scs_section_size  }
0x9a: {  	s4 =	simm.s32 $_size__tile_overlayer_lowered;
	s5 =	simm.s32 $_tile_overlayer_lowered  }
0x9b: {  	s6 =	simm.s32 $0x1BFF;
	s21 =	sshll.u32 s5, $0x1;
	s3 =	sadd.s32 s20, s19  }
0x9c: {  	s22 =	simm.s32 $0x0;
	s4 =	sshll.u32 s4, $0x1;
	s5 =	sadd.s32 s21, s3  }
0x9d: {  	[timem:s22], [sflag:s6] =	dma.local [hbm:s5], s4  }
0x9e: {  	_ =	swait.ge [sflag:s6], s4  }
0x9f: {  	s4 =	ssub.s32 $0x0, s4;
	[sflag:s6] =	ssyncset.done $0x0  }
0xa0: {  	[sflag:s6] =	ssyncadd.s32 s4;
	_ =	sdelay $0x1  }
0xa1: {  	s23 =	simm.s32 $0x1B8B  }
0xa2: {  	_ =	swait.ge [sflag:s23], $0x1  }
0xa3: {  	[sflag:s23] =	ssyncset.done $0x0  }
0xa4: {  	[sflag:s23] =	ssyncadd.s32 $0xFFFFFFFF  }
0xa5: {  	s4 =	sld [smem:$0x0]  }
0xa6: {  	s5 =	sand.u32 $0xFFFFFFFE, s1  }
0xa7: {  	p0 =	sne.s32 s1, s5  }
0xa8: {  	s5 =	sshll.u32 @p0 s5, $0xE  }
0xa9: {  	s5 =	sadd.s32 @p0 $0x11B8D, s5;
	s6 =	sshll.u32 @p0 s4, $0x11  }
0xaa: {  	s5 =	sor.u32 @p0 s6, s5  }
0xab: {  	[sflag:s5] =	ssyncadd.remote.s32 @p0 $0x1;
	_ =	sdelay $0x1  }
0xac: {  	s5 =	simm.s32 @p0 $0x1B8D  }
0xad: {  	_ =	swait.eq @p0 [sflag:s5], $0x1  }
0xae: {  	[sflag:s5] =	ssyncadd.s32 @p0 $0xFFFFFFFF  }
0xaf: {  	s6 =	sshll.u32 @!p0 s1, $0xE  }
0xb0: {  	s6 =	sor.u32 @!p0 $0x4000, s6;
	s5 =	simm.s32 @!p0 $0x1B8D  }
0xb1: {  	s4 =	sshll.u32 @!p0 s4, $0x11;
	s6 =	sadd.s32 @!p0 $0x11B8D, s6;
	_ =	swait.eq @!p0 [sflag:s5], $0x1  }
0xb2: {  	s4 =	sor.u32 @!p0 s4, s6;
	[sflag:s5] =	ssyncadd.s32 @!p0 $0xFFFFFFFF  }
0xb3: {  	s25 =	simm.s32 $0x1B8E;
	s24 =	sld [smem:$0x3FFE];
	[sflag:s4] =	ssyncadd.remote.s32 @!p0 $0x1  }
0xb4: {  	s26 =	simm.s32 $execute0_lowered;
	[smem:$0x3FD2] =	sst s25  }
0xb5: {  	s5 =	sshll.u32 s26, $0x1;
	_ =	strace $0x8000004F;
	[dreg:$0x1] =	wrdreg $0xFFFFFFFF  }
0xb6: {  	s28 =	simm.s32 $_size_execute0_lowered;
	s3 =	sadd.s32 s3, s5;
	[dreg:$0x0] =	wrdreg $0x0  }
0xb7: {  	s5 =	sshll.u32 s28, $0x1;
	[dreg:$0x2] =	wrdreg s3  }
0xb8: {  	[dreg:$0x3] =	wrdreg s5  }
0xb9: {  	[dreg:$0x4] =	wrdreg $0xC0  }
0xba: {  	_ =	task [dreg:s22], $0x5FFFF  }
0xbb: {  	[dreg:$0x1] =	wrdreg $0xFFFFFFFF  }
0xbc: {  	[dreg:$0x0] =	wrdreg $0x60  }
0xbd: {  	[dreg:$0x2] =	wrdreg s24  }
0xbe: {  	[dreg:$0x3] =	wrdreg $0xC  }
0xbf: {  	_ =	task.clear_ibuf [dreg:s22], $0x4FFFF;
	_ =	strace $0x9000004F  }
0xc0: {  	s29 =	simm.s32 $0xC;
	_ =	strace $0x80000051  }
0xc1: {  	_ =	swait.ge [sflag:s29], $0x1  }
0xc2: {  	[sflag:s29] =	ssyncadd.s32 $0xFFFFFFFF  }
0xc3: {  	_ =	strace $0x90000051  }
0xc4: {  	_ =	sfence  }
0xc5: {  	s30 =	sld [smem:$0x0];
	_ =	sdelay $0x2  }
0xc6: {  	s31 =	sshll.u32 s1, $0xD;
	s1 =	sshrl.u32 s1, $0x2  }
0xc7: {  	s4 =	sand.u32 $0x4000, s31;
	s1 =	sadd.s32 s1, s30  }
0xc8: {  	s0 =	sor.u32 s4, s0;
	s1 =	sshll.u32 s1, $0x11  }
0xc9: {  	s0 =	sor.u32 s1, s0  }
0xca: {  	s0 =	sadd.s32 $0x8F2B, s0  }
0xcb: {  	[sflag:s0] =	ssyncadd.remote.s32 $0x1  }
0xcc: {  	_ =	sfence.sel $0xFFFF  }
0xcd: {  	[dreg:$0x0] =	wrdreg $0xFFFFFFFF;
	(pc) =	sbr.abs _section_cstart, $3  }
0xce: {  	[dreg:$0x1] =	wrdreg $0xFFFFFFFF  }
0xcf: {  	_ =	task.clear_ibuf [dreg:s22], $0x2FFFF;
	_ =	strace $0x9FFFFFFF  }
0xd0: {  	(tm) =	ssettm $0x7FFFFFFF  }
0xd1: {  	_ =	shalt  }
tec
execute0_lowered:
.L_overlay_start_1:
0x0: {  	(tag) =	ssettag $0x1  }
0x1: {  	s1 =	srdreg.scid;
	s0 =	stileid.u32  }
0x2: {  	s23 =	sand.u32 $0x1, s1;
	s31 =	sshll.u32 s0, $0x1  }
0x3: {  	s15 =	sor.u32 s23, s31  }
0x4: {  	s14 =	rddreg [dreg:$0x0];
	s2 =	simm.s32 $0x0;
	s3 =	sshll.u32 s15, $0x7  }
0x5: {  	s4 =	simm.s32 $0x9;
	[smem:$0x7FF] =	sst s2;
	s3 =	sadd.s32 s3, s14  }
0x6: {  	s1 =	rddreg [dreg:$0x1];
	_ =	strace $0x80000050;
	s3 =	sadd.s32 $0x4E00, s3  }
0x7: {  	[tilespmem:s2], [sflag:$0x9] =	stream.linear.gather [hbm4b:s3+s2], $0x400, $0x38;
	[tilespmem:$0x10400] =	vst v63  }
0x8: {  	_ =	swait.ge [sflag:s4], $0x400  }
0x9: {  	s6 =	simm.s32 $0x80;
	[sflag:s4] =	ssyncset.done $0x0  }
0xa: {  	s7 =	simm.s32 $0x400;
	s5 =	sadd.s32 $0x365E00, s14;
	[sflag:s4] =	ssyncadd.s32 $0xFFFFFC00  }
0xb: {  	[tilespmem:s7], [sflag:$0x1] =	stream.indirect.gather [hbm4b:s5+s6], $0x80, s2, s6, $0xb8;
	[tilespmem:$0x10400] =	vst v63  }
0xc: {  	s8 =	simm.s32 $0x4400  }
0xd: {  	[tilespmem:s8], [sflag:$0x2] =	stream.indirect.gather [hbm4b:s5+s6], $0x80, s6, s6, $0xb8;
	[tilespmem:$0x10400] =	vst v63  }
0xe: {  	s9 =	simm.s32 $0x100;
	s10 =	simm.s32 $0x8400  }
0xf: {  	[tilespmem:s10], [sflag:$0x3] =	stream.indirect.gather [hbm4b:s5+s6], $0x80, s9, s6, $0xb8;
	[tilespmem:$0x10400] =	vst v63  }
0x10: {  	s11 =	simm.s32 $0x180;
	s12 =	simm.s32 $0xC400;
	s13 =	simm.s32 $0x1  }
0x11: {  	[tilespmem:s12], [sflag:$0x4] =	stream.indirect.gather [hbm4b:s5+s6], $0x80, s11, s6, $0xb8;
	[tilespmem:$0x10400] =	vst v63  }
0x12: {  	s15 =	sshll.u32 s15, $0xD;
	_ =	swait.ge [sflag:s13], $0x4000  }
0x13: {  	s20 =	sadd.s32 s15, s14;
	[sflag:s13] =	ssyncset.done $0x0  }
0x14: {  	s15 =	simm.s32 $0x2;
	s14 =	sadd.s32 $0x445E00, s20;
	[sflag:s13] =	ssyncadd.s32 $0xFFFFC000  }
0x15: {  	[hbm4b:s14+s2] =	stream.linear.scatter [tilespmem:s7], [sflag:$0x5], $0x4000, $0x38;
	[tilespmem:$0x10400] =	vst v63  }
0x16: {  	_ =	swait.ge [sflag:s15], $0x4000  }
0x17: {  	[sflag:s15] =	ssyncset.done $0x0  }
0x18: {  	s17 =	simm.s32 $0x3;
	s16 =	sadd.s32 $0x446600, s20;
	[sflag:s15] =	ssyncadd.s32 $0xFFFFC000  }
0x19: {  	[hbm4b:s16+s2] =	stream.linear.scatter [tilespmem:s8], [sflag:$0x6], $0x4000, $0x38;
	[tilespmem:$0x10400] =	vst v63  }
0x1a: {  	_ =	swait.ge [sflag:s17], $0x4000  }
0x1b: {  	[sflag:s17] =	ssyncset.done $0x0  }
0x1c: {  	s19 =	simm.s32 $0x4;
	s18 =	sadd.s32 $0x446E00, s20;
	[sflag:s17] =	ssyncadd.s32 $0xFFFFC000  }
0x1d: {  	[hbm4b:s18+s2] =	stream.linear.scatter [tilespmem:s10], [sflag:$0x7], $0x4000, $0x38;
	[tilespmem:$0x10400] =	vst v63  }
0x1e: {  	_ =	swait.ge [sflag:s19], $0x4000  }
0x1f: {  	[sflag:s19] =	ssyncset.done $0x0  }
0x20: {  	s21 =	simm.s32 $0x5;
	s20 =	sadd.s32 $0x447600, s20;
	[sflag:s19] =	ssyncadd.s32 $0xFFFFC000  }
0x21: {  	[hbm4b:s20+s2] =	stream.linear.scatter [tilespmem:s12], [sflag:$0x8], $0x4000, $0x38;
	[tilespmem:$0x10400] =	vst v63  }
0x22: {  	_ =	swait.ge [sflag:s21], $0x4000  }
0x23: {  	s24 =	ssub.s32 $0x2, s23;
	[sflag:s21] =	ssyncset.done $0x0  }
0x24: {  	s22 =	simm.s32 $0x6;
	s25 =	sshrl.u32 s24, $0x1;
	[sflag:s21] =	ssyncadd.s32 $0xFFFFC000  }
0x25: {  	s24 =	ssub.s32 s24, s25;
	_ =	swait.ge [sflag:s22], $0x4000  }
0x26: {  	s25 =	smax.u32 s24, $0x1;
	[sflag:s22] =	ssyncset.done $0x0  }
0x27: {  	s23 =	simm.s32 $0x7;
	p0 =	sne.s32 s25, $0x1;
	[sflag:s22] =	ssyncadd.s32 $0xFFFFC000  }
.Ltmp0:
0x28: {  	_ =	swait.ge [sflag:s23], $0x4000;
	(pc) =	sbr.rel @!p0 .LBB2_2-.Ltmp0, $4  }
0x29: {  	[sflag:s23] =	ssyncset.done $0x0  }
0x2a: {  	s24 =	simm.s32 $0x8;
	[sflag:s23] =	ssyncadd.s32 $0xFFFFC000  }
0x2b: {  	_ =	swait.ge [sflag:s24], $0x4000  }
0x2c: {  	s25 =	sadd.s32 $0xFFFFFFFF, s25;
	[sflag:s24] =	ssyncset.done $0x0  }
.LBB2_1:
0x2d: {  	p0 =	sne.s32 s25, $0x1;
	s25 =	sadd.s32 $0xFFFFFFFF, s25;
	[sflag:s24] =	ssyncadd.s32 $0xFFFFC000  }
0x2e: {  	[tilespmem:s2], [sflag:$0x9] =	stream.linear.gather [hbm4b:s3+s2], $0x400, $0x38;
	[tilespmem:$0x10400] =	vst v63  }
0x2f: {  	_ =	swait.ge [sflag:s4], $0x400  }
0x30: {  	[sflag:s4] =	ssyncset.done $0x0  }
0x31: {  	[sflag:s4] =	ssyncadd.s32 $0xFFFFFC00  }
0x32: {  	[tilespmem:s7], [sflag:$0x1] =	stream.indirect.gather [hbm4b:s5+s6], $0x80, s2, s6, $0xb8;
	[tilespmem:$0x10400] =	vst v63  }
0x33: {  	_ = 	snop  }
0x34: {  	[tilespmem:s8], [sflag:$0x2] =	stream.indirect.gather [hbm4b:s5+s6], $0x80, s6, s6, $0xb8;
	[tilespmem:$0x10400] =	vst v63  }
0x35: {  	_ = 	snop  }
0x36: {  	[tilespmem:s10], [sflag:$0x3] =	stream.indirect.gather [hbm4b:s5+s6], $0x80, s9, s6, $0xb8;
	[tilespmem:$0x10400] =	vst v63  }
0x37: {  	_ = 	snop  }
0x38: {  	[tilespmem:s12], [sflag:$0x4] =	stream.indirect.gather [hbm4b:s5+s6], $0x80, s11, s6, $0xb8;
	[tilespmem:$0x10400] =	vst v63  }
0x39: {  	_ =	swait.ge [sflag:s13], $0x4000  }
0x3a: {  	[sflag:s13] =	ssyncset.done $0x0  }
0x3b: {  	[sflag:s13] =	ssyncadd.s32 $0xFFFFC000  }
0x3c: {  	[hbm4b:s14+s2] =	stream.linear.scatter [tilespmem:s7], [sflag:$0x5], $0x4000, $0x38;
	[tilespmem:$0x10400] =	vst v63  }
0x3d: {  	_ =	swait.ge [sflag:s15], $0x4000  }
0x3e: {  	[sflag:s15] =	ssyncset.done $0x0  }
0x3f: {  	[sflag:s15] =	ssyncadd.s32 $0xFFFFC000  }
0x40: {  	[hbm4b:s16+s2] =	stream.linear.scatter [tilespmem:s8], [sflag:$0x6], $0x4000, $0x38;
	[tilespmem:$0x10400] =	vst v63  }
0x41: {  	_ =	swait.ge [sflag:s17], $0x4000  }
0x42: {  	[sflag:s17] =	ssyncset.done $0x0  }
0x43: {  	[sflag:s17] =	ssyncadd.s32 $0xFFFFC000  }
0x44: {  	[hbm4b:s18+s2] =	stream.linear.scatter [tilespmem:s10], [sflag:$0x7], $0x4000, $0x38;
	[tilespmem:$0x10400] =	vst v63  }
0x45: {  	_ =	swait.ge [sflag:s19], $0x4000  }
0x46: {  	[sflag:s19] =	ssyncset.done $0x0  }
0x47: {  	[sflag:s19] =	ssyncadd.s32 $0xFFFFC000  }
0x48: {  	[hbm4b:s20+s2] =	stream.linear.scatter [tilespmem:s12], [sflag:$0x8], $0x4000, $0x38;
	[tilespmem:$0x10400] =	vst v63  }
0x49: {  	_ =	swait.ge [sflag:s21], $0x4000  }
0x4a: {  	[sflag:s21] =	ssyncset.done $0x0  }
0x4b: {  	[sflag:s21] =	ssyncadd.s32 $0xFFFFC000  }
0x4c: {  	_ =	swait.ge [sflag:s22], $0x4000  }
0x4d: {  	[sflag:s22] =	ssyncset.done $0x0  }
0x4e: {  	[sflag:s22] =	ssyncadd.s32 $0xFFFFC000  }
.Ltmp1:
0x4f: {  	_ =	swait.ge [sflag:s23], $0x4000;
	(pc) =	sbr.rel @p0 .LBB2_1-.Ltmp1, $4  }
0x50: {  	[sflag:s23] =	ssyncset.done $0x0  }
0x51: {  	[sflag:s23] =	ssyncadd.s32 $0xFFFFC000  }
0x52: {  	_ =	swait.ge [sflag:s24], $0x4000  }
0x53: {  	[sflag:s24] =	ssyncset.done $0x0  }
.LBB2_2:
0x54: {  	[sflag:s24] =	ssyncadd.s32 $0xFFFFC000  }
0x55: {  	_ =	sfence.sel $0x180000  }
0x56: {  	[bflag:$0x0] =	sbarrier.arrive $0xFFFF  }
0x57: {  	p0 =	sne.s32 s0, $0x0;
	_ =	strace $0x90000050  }
0x58: {  	s0 =	sadd.s32 @!p0 $0x100000, s1;
	[bflag:$0x2] =	sbarrier.arrive $0xFFFF  }
0x59: {  	[sflag:s0] =	ssyncadd.tile.s32 @!p0 $0x1;
	_ =	shalt  }
.Lfunc_end2:
_tile_overlayer_lowered:
.L_overlay_start_2:
0x5a: {  	(tag) =	ssettag $0x2  }
0x5b: {  	s0 =	rddreg [dreg:$0x0];
	s2 =	stileid.u32  }
0x5c: {  	s1 =	rddreg [dreg:$0x1];
	p0 =	sne.s32 s2, $0x0  }
0x5d: {  	s3 =	rddreg [dreg:$0x2];
	[bflag:$0x3] =	sbarrier.arrive $0xFFFF;
	s2 =	simm.s32 @!p0 $0x1C09  }
0x5e: {  	[timem:s3], [sflag:s2] =	dma.local @!p0 [hbm:s0], s1  }
0x5f: {  	s0 =	simm.s32 @!p0 $0x9  }
0x60: {  	_ =	swait.ge @!p0 [sflag:s0], s1  }
0x61: {  	s1 =	ssub.s32 @!p0 $0x0, s1;
	[sflag:s0] =	ssyncset.done @!p0 $0x0  }
0x62: {  	[sflag:s0] =	ssyncadd.s32 @!p0 s1  }
0x63: {  	[bflag:$0x3] =	sbarrier.arrive $0xFFFF  }
0x64: {  	_ =	shalt  }

// kernel: kernel.25.cloned.1.call-start
scs
__scs_entry_jumppad:
0x0: {  	(pc) =	sbr.rel $0x88, $3  }
0x1: {  	(tag) =	ssettag $0x0;
	lr =	simm.s32 $0x1  }
0x2: {  	[smem:$0x3F99] =	sst lr;
	_ =	strace $0xD0000000  }
0x3: {  	_ = 	snop  }
0x4: {  	_ = 	snop  }
0x5: {  	_ = 	snop  }
0x6: {  	_ = 	snop  }
0x7: {  	_ = 	snop  }
__scs_overlays_trampoline_lowered:
0x8: {  	[smem:$0x3FA8] =	sst s0  }
0x9: {  	[smem:$0x3FA9] =	sst s1  }
0xa: {  	[smem:$0x3FAA] =	sst s2  }
0xb: {  	[smem:$0x3FAB] =	sst s3  }
0xc: {  	[smem:$0x3FAC] =	sst s4  }
0xd: {  	[smem:$0x3FAD] =	sst s5  }
0xe: {  	[smem:$0x3FAE] =	sst s6  }
0xf: {  	[smem:$0x3FAF] =	sst s7  }
0x10: {  	[smem:$0x3FB0] =	sst s8  }
0x11: {  	[smem:$0x3FB1] =	sst s9;
	s0 =	simm.s32 @!p0 $0x0  }
0x12: {  	s1 =	sld [smem:$0x3F97];
	s0 =	simm.s32 @p0 $0x1  }
0x13: {  	[smem:$0x3FB2] =	sst s0;
	s0 =	simm.s32 @!p1 $0x0  }
0x14: {  	s2 =	sld [smem:$0x3F96];
	s0 =	simm.s32 @p1 $0x1  }
0x15: {  	[smem:$0x3FB3] =	sst s0;
	s0 =	simm.s32 @!p2 $0x0  }
0x16: {  	s3 =	sld [smem:$0x3FDB];
	s0 =	simm.s32 @p2 $0x1  }
0x17: {  	s4 =	simm.s32 $0x1BF5;
	[smem:$0x3FB5] =	sst s0  }
0x18: {  	s0 =	sld [smem:$0x3F98];
	_ =	swait.ge [sflag:s4], $0x0  }
0x19: {  	s7 =	sld [smem:$0x3F99]  }
0x1a: {  	s8 =	sadd.s32 $0xFFFFE003, lr  }
0x1b: {  	s9 =	sadd.s32 $0xFFFFFEF7, lr;
	s5 =	simm.s32 $0xFFFFFFFF;
	p2 =	slt.u32 s8, $0xFFFFF086  }
0x1c: {  	p1 =	slt.u32 s9, $0xF7A;
	s5 =	simm.s32 @!p2 $0x0  }
0x1d: {  	s5 =	simm.s32 @p1 $0x1;
	p0 =	seq.s32 s7, s2  }
0x1e: {  	s7 =	smul.u32 @!p0 $0xF7A, s2;
	p2 =	seq.s32 @!p0 s5, $0x0  }
0x1f: {  	s9 =	smul.u32 $0xF7A, s1;
	s8 =	simm.s32 @!p0 $0x1BF5;
	p2 =	por !p2, p0  }
0x20: {  	[sflag:s8] =	ssyncset.s32 @!p0 $0xFFFFF086;
	s6 =	sadd.s32 @!p0 s3, s7;
	s7 =	simm.s32 @!p0 $0x108  }
0x21: {  	s3 =	sadd.s32 s3, s9;
	s6 =	sadd.s32 @!p0 $0x88, s6;
	s7 =	simm.s32 @p2 $0x1082  }
0x22: {  	[simem:s7], [sflag:s8] =	dma.local @!p0 [hbm:s6], $0xF7A  }
0x23: {  	s9 =	sor.u32 $0xD0000000, s2;
	s6 =	simm.s32 $0x108;
	_ =	swait.ge @!p0 [sflag:s8], $0x0  }
0x24: {  	s3 =	sadd.s32 $0x88, s3;
	s6 =	simm.s32 @!p1 $0x1082;
	[sflag:s4] =	ssyncset.s32 $0xFFFFF086  }
0x25: {  	[simem:s6], [sflag:s4] =	dma.local [hbm:s3], $0xF7A  }
0x26: {  	[smem:$0x3F99] =	sst s1;
	(tag) =	ssettag s2;
	_ =	strace s9  }
0x27: {  	s1 =	sld [smem:$0x3FA9]  }
0x28: {  	s2 =	sld [smem:$0x3FAA]  }
0x29: {  	s4 =	sld [smem:$0x3FAC]  }
0x2a: {  	p0 =	seq.s32 s5, $0x0;
	s5 =	sld [smem:$0x3FAD]  }
0x2b: {  	s6 =	sld [smem:$0x3FAE]  }
0x2c: {  	s7 =	sld [smem:$0x3FAF]  }
0x2d: {  	s3 =	simm.s32 $0x108;
	s8 =	sld [smem:$0x3FB0]  }
0x2e: {  	s3 =	simm.s32 @!p0 $0x1082;
	s9 =	sld [smem:$0x3FB1]  }
0x2f: {  	lr =	sadd.s32 s0, s3;
	s0 =	sld [smem:$0x3FA8]  }
0x30: {  	s3 =	sld [smem:$0x3FAB]  }
0x31: {  	[smem:$0x3FB4] =	sst s10  }
0x32: {  	s10 =	sld [smem:$0x3FB2];
	_ =	sdelay $0x3  }
0x33: {  	p0 =	seq.s32 s10, $0x1;
	s10 =	sld [smem:$0x3FB4];
	_ =	sdelay $0x3  }
0x34: {  	[smem:$0x3FB4] =	sst s10  }
0x35: {  	s10 =	sld [smem:$0x3FB3];
	_ =	sdelay $0x3  }
0x36: {  	p1 =	seq.s32 s10, $0x1;
	s10 =	sld [smem:$0x3FB4];
	_ =	sdelay $0x3  }
0x37: {  	[smem:$0x3FB4] =	sst s10  }
0x38: {  	s10 =	sld [smem:$0x3FB5]  }
0x39: {  	_ = 	snop;
	(pc) =	sbr.ind lr, $3  }
0x3a: {  	_ = 	snop  }
0x3b: {  	_ = 	snop  }
0x3c: {  	p2 =	seq.s32 s10, $0x1;
	s10 =	sld [smem:$0x3FB4]  }
0x3d: {  	_ =	shalt  }
0x3e: {  	_ =	shalt  }
0x3f: {  	_ =	shalt  }
0x40: {  	_ =	shalt  }
0x41: {  	_ =	shalt  }
0x42: {  	_ =	shalt  }
0x43: {  	_ =	shalt  }
0x44: {  	_ =	shalt  }
0x45: {  	_ =	shalt  }
0x46: {  	_ =	shalt  }
0x47: {  	_ =	shalt  }
0x48: {  	_ =	shalt  }
0x49: {  	_ =	shalt  }
0x4a: {  	_ =	shalt  }
0x4b: {  	_ =	shalt  }
0x4c: {  	_ =	shalt  }
0x4d: {  	_ =	shalt  }
0x4e: {  	_ =	shalt  }
0x4f: {  	_ =	shalt  }
0x50: {  	_ =	shalt  }
0x51: {  	_ =	shalt  }
0x52: {  	_ =	shalt  }
0x53: {  	_ =	shalt  }
0x54: {  	_ =	shalt  }
0x55: {  	_ =	shalt  }
0x56: {  	_ =	shalt  }
0x57: {  	_ =	shalt  }
0x58: {  	_ =	shalt  }
0x59: {  	_ =	shalt  }
0x5a: {  	_ =	shalt  }
0x5b: {  	_ =	shalt  }
0x5c: {  	_ =	shalt  }
0x5d: {  	_ =	shalt  }
0x5e: {  	_ =	shalt  }
0x5f: {  	_ =	shalt  }
0x60: {  	_ =	shalt  }
0x61: {  	_ =	shalt  }
0x62: {  	_ =	shalt  }
0x63: {  	_ =	shalt  }
0x64: {  	_ =	shalt  }
0x65: {  	_ =	shalt  }
0x66: {  	_ =	shalt  }
0x67: {  	_ =	shalt  }
0x68: {  	_ =	shalt  }
0x69: {  	_ =	shalt  }
0x6a: {  	_ =	shalt  }
0x6b: {  	_ =	shalt  }
0x6c: {  	_ =	shalt  }
0x6d: {  	_ =	shalt  }
0x6e: {  	_ =	shalt  }
0x6f: {  	_ =	shalt  }
0x70: {  	_ =	shalt  }
0x71: {  	_ =	shalt  }
0x72: {  	_ =	shalt  }
0x73: {  	_ =	shalt  }
0x74: {  	_ =	shalt  }
0x75: {  	_ =	shalt  }
0x76: {  	_ =	shalt  }
0x77: {  	_ =	shalt  }
0x78: {  	_ =	shalt  }
0x79: {  	_ =	shalt  }
0x7a: {  	_ =	shalt  }
0x7b: {  	_ =	shalt  }
0x7c: {  	_ =	shalt  }
0x7d: {  	_ =	shalt  }
0x7e: {  	_ =	shalt  }
0x7f: {  	_ =	shalt  }
0x80: {  	_ =	shalt  }
0x81: {  	_ =	shalt  }
0x82: {  	_ =	shalt  }
0x83: {  	_ =	shalt  }
0x84: {  	_ =	shalt  }
0x85: {  	_ =	shalt  }
0x86: {  	_ =	shalt  }
0x87: {  	_ =	shalt  }
.Lfunc_end0:
.L_simem_size_0:
called_computation.4_lowered:
.L_overlay_start_0:
0x88: {  	s2 =	sld [smem:$0x3FD9]  }
0x89: {  	s3 =	sld [smem:$0x3FFE];
	_ =	sdelay $0x1  }
0x8a: {  	s1 =	srdreg.scid  }
0x8b: {  	s0 =	sand.u32 $0x1, s1  }
0x8c: {  	s17 =	sshll.u32 s0, $0xA;
	s2 =	sadd.s32 s3, s2  }
0x8d: {  	s2 =	sadd.s32 s2, s17  }
0x8e: {  	[smem:$0x3FC0] =	sst s2  }
0x8f: {  	_ = 	snop  }
0x90: {  	s18 =	sld [smem:$0x3FD0];
	(tm) =	ssettm $0x1  }
0x91: {  	s19 =	sld [smem:$0x3FFB];
	_ =	sdelay $0x3  }
0x92: {  	_ =	strace s19  }
0x93: {  	s2 =	sld [smem:$0x3FFC];
	_ =	sdelay $0x3  }
0x94: {  	_ =	strace s2  }
0x95: {  	s2 =	sld [smem:$0x3FFD];
	_ =	sdelay $0x3  }
0x96: {  	_ =	strace s2  }
0x97: {  	_ =	strace $0x8FFFFFFF  }
0x98: {  	s20 =	sld [smem:$0x3FDB];
	_ =	sdelay $0x1  }
0x99: {  	s4 =	simm.s32 $_scs_section_size  }
0x9a: {  	s5 =	simm.s32 $_size__tile_overlayer_lowered;
	s6 =	simm.s32 $_tile_overlayer_lowered  }
0x9b: {  	s7 =	simm.s32 $0x1BFF;
	s21 =	sshll.u32 s6, $0x1;
	s4 =	sadd.s32 s4, s20  }
0x9c: {  	s22 =	simm.s32 $0x0;
	s5 =	sshll.u32 s5, $0x1;
	s6 =	sadd.s32 s21, s4  }
0x9d: {  	[timem:s22], [sflag:s7] =	dma.local [hbm:s6], s5  }
0x9e: {  	_ =	swait.ge [sflag:s7], s5  }
0x9f: {  	s5 =	ssub.s32 $0x0, s5;
	[sflag:s7] =	ssyncset.done $0x0  }
0xa0: {  	[sflag:s7] =	ssyncadd.s32 s5;
	_ =	sdelay $0x1  }
0xa1: {  	s23 =	simm.s32 $0x1B8B  }
0xa2: {  	_ =	swait.ge [sflag:s23], $0x1  }
0xa3: {  	[sflag:s23] =	ssyncset.done $0x0  }
0xa4: {  	[sflag:s23] =	ssyncadd.s32 $0xFFFFFFFF  }
0xa5: {  	s5 =	sld [smem:$0x0]  }
0xa6: {  	s6 =	sand.u32 $0xFFFFFFFE, s1  }
0xa7: {  	p0 =	sne.s32 s1, s6  }
0xa8: {  	s6 =	sshll.u32 @p0 s6, $0xE  }
0xa9: {  	s6 =	sadd.s32 @p0 $0x11B8D, s6;
	s7 =	sshll.u32 @p0 s5, $0x11  }
0xaa: {  	s6 =	sor.u32 @p0 s7, s6  }
0xab: {  	[sflag:s6] =	ssyncadd.remote.s32 @p0 $0x1;
	_ =	sdelay $0x1  }
0xac: {  	s6 =	simm.s32 @p0 $0x1B8D  }
0xad: {  	_ =	swait.eq @p0 [sflag:s6], $0x1  }
0xae: {  	[sflag:s6] =	ssyncadd.s32 @p0 $0xFFFFFFFF  }
0xaf: {  	s7 =	sshll.u32 @!p0 s1, $0xE  }
0xb0: {  	s7 =	sor.u32 @!p0 $0x4000, s7;
	s6 =	simm.s32 @!p0 $0x1B8D  }
0xb1: {  	s5 =	sshll.u32 @!p0 s5, $0x11;
	s7 =	sadd.s32 @!p0 $0x11B8D, s7;
	_ =	swait.eq @!p0 [sflag:s6], $0x1  }
0xb2: {  	s5 =	sor.u32 @!p0 s5, s7;
	[sflag:s6] =	ssyncadd.s32 @!p0 $0xFFFFFFFF  }
0xb3: {  	s25 =	simm.s32 $0x1B8E;
	s24 =	sld [smem:$0x3FFE];
	[sflag:s5] =	ssyncadd.remote.s32 @!p0 $0x1  }
0xb4: {  	s26 =	simm.s32 $execute0_lowered;
	[smem:$0x3FD2] =	sst s25  }
0xb5: {  	s6 =	sshll.u32 s26, $0x1;
	_ =	strace $0x80000052;
	[dreg:$0x1] =	wrdreg $0xFFFFFFFF  }
0xb6: {  	s28 =	simm.s32 $_size_execute0_lowered;
	s4 =	sadd.s32 s4, s6;
	[dreg:$0x0] =	wrdreg $0x0  }
0xb7: {  	s6 =	sshll.u32 s28, $0x1;
	[dreg:$0x2] =	wrdreg s4  }
0xb8: {  	[dreg:$0x3] =	wrdreg s6  }
0xb9: {  	[dreg:$0x4] =	wrdreg $0xC0  }
0xba: {  	_ =	task [dreg:s22], $0x5FFFF  }
0xbb: {  	[dreg:$0x1] =	wrdreg $0xFFFFFFFF  }
0xbc: {  	[dreg:$0x0] =	wrdreg $0x60  }
0xbd: {  	[dreg:$0x2] =	wrdreg s18  }
0xbe: {  	[dreg:$0x3] =	wrdreg s24  }
0xbf: {  	[dreg:$0x4] =	wrdreg $0xD  }
0xc0: {  	_ =	task.clear_ibuf [dreg:s22], $0x5FFFF;
	_ =	strace $0x90000052  }
0xc1: {  	s29 =	simm.s32 $0xD;
	_ =	strace $0x80000054  }
0xc2: {  	_ =	swait.ge [sflag:s29], $0x1  }
0xc3: {  	[sflag:s29] =	ssyncadd.s32 $0xFFFFFFFF  }
0xc4: {  	_ =	strace $0x90000054  }
0xc5: {  	_ =	sfence  }
0xc6: {  	s30 =	sld [smem:$0x0];
	_ =	sdelay $0x2  }
0xc7: {  	s31 =	sshll.u32 s1, $0xD;
	s1 =	sshrl.u32 s1, $0x2  }
0xc8: {  	s4 =	sand.u32 $0x4000, s31;
	s1 =	sadd.s32 s1, s30  }
0xc9: {  	s0 =	sor.u32 s4, s0;
	s1 =	sshll.u32 s1, $0x11  }
0xca: {  	s0 =	sor.u32 s1, s0  }
0xcb: {  	s0 =	sadd.s32 $0x8F2B, s0  }
0xcc: {  	[sflag:s0] =	ssyncadd.remote.s32 $0x1  }
0xcd: {  	_ =	sfence.sel $0xFFFF  }
0xce: {  	[dreg:$0x0] =	wrdreg $0xFFFFFFFF;
	(pc) =	sbr.abs _section_cstart, $3  }
0xcf: {  	[dreg:$0x1] =	wrdreg $0xFFFFFFFF  }
0xd0: {  	_ =	task.clear_ibuf [dreg:s22], $0x2FFFF;
	_ =	strace $0x9FFFFFFF  }
0xd1: {  	(tm) =	ssettm $0x7FFFFFFF  }
tec
execute0_lowered:
.L_overlay_start_1:
0x0: {  	(tag) =	ssettag $0x1  }
0x1: {  	s3 =	rddreg [dreg:$0x0]  }
0x2: {  	s1 =	srdreg.scid;
	s0 =	stileid.u32  }
0x3: {  	s14 =	rddreg [dreg:$0x1];
	s23 =	sand.u32 $0x1, s1;
	s4 =	sshll.u32 s0, $0x1  }
0x4: {  	s2 =	simm.s32 $0x0;
	s1 =	rddreg [dreg:$0x2];
	s15 =	sor.u32 s23, s4  }
0x5: {  	[smem:$0x7FF] =	sst s2;
	s4 =	sshll.u32 s15, $0x7  }
0x6: {  	_ =	strace $0x80000053;
	s3 =	sadd.s32 s3, s4;
	s4 =	simm.s32 $0x9  }
0x7: {  	[tilespmem:s2], [sflag:$0x9] =	stream.linear.gather [hbm4b:s3+s2], $0x400, $0x38;
	[tilespmem:$0x10400] =	vst v63  }
0x8: {  	_ =	swait.ge [sflag:s4], $0x400  }
0x9: {  	s6 =	simm.s32 $0x80;
	[sflag:s4] =	ssyncset.done $0x0  }
0xa: {  	s7 =	simm.s32 $0x400;
	s5 =	sadd.s32 $0x485E00, s14;
	[sflag:s4] =	ssyncadd.s32 $0xFFFFFC00  }
0xb: {  	[tilespmem:s7], [sflag:$0x1] =	stream.indirect.gather [hbm4b:s5+s6], $0x80, s2, s6, $0xb8;
	[tilespmem:$0x10400] =	vst v63  }
0xc: {  	s8 =	simm.s32 $0x4400  }
0xd: {  	[tilespmem:s8], [sflag:$0x2] =	stream.indirect.gather [hbm4b:s5+s6], $0x80, s6, s6, $0xb8;
	[tilespmem:$0x10400] =	vst v63  }
0xe: {  	s9 =	simm.s32 $0x100;
	s10 =	simm.s32 $0x8400  }
0xf: {  	[tilespmem:s10], [sflag:$0x3] =	stream.indirect.gather [hbm4b:s5+s6], $0x80, s9, s6, $0xb8;
	[tilespmem:$0x10400] =	vst v63  }
0x10: {  	s11 =	simm.s32 $0x180;
	s12 =	simm.s32 $0xC400;
	s13 =	simm.s32 $0x1  }
0x11: {  	[tilespmem:s12], [sflag:$0x4] =	stream.indirect.gather [hbm4b:s5+s6], $0x80, s11, s6, $0xb8;
	[tilespmem:$0x10400] =	vst v63  }
0x12: {  	s15 =	sshll.u32 s15, $0xD;
	_ =	swait.ge [sflag:s13], $0x4000  }
0x13: {  	s20 =	sadd.s32 s15, s14;
	[sflag:s13] =	ssyncset.done $0x0  }
0x14: {  	s15 =	simm.s32 $0x2;
	s14 =	sadd.s32 $0x565E00, s20;
	[sflag:s13] =	ssyncadd.s32 $0xFFFFC000  }
0x15: {  	[hbm4b:s14+s2] =	stream.linear.scatter [tilespmem:s7], [sflag:$0x5], $0x4000, $0x38;
	[tilespmem:$0x10400] =	vst v63  }
0x16: {  	_ =	swait.ge [sflag:s15], $0x4000  }
0x17: {  	[sflag:s15] =	ssyncset.done $0x0  }
0x18: {  	s17 =	simm.s32 $0x3;
	s16 =	sadd.s32 $0x566600, s20;
	[sflag:s15] =	ssyncadd.s32 $0xFFFFC000  }
0x19: {  	[hbm4b:s16+s2] =	stream.linear.scatter [tilespmem:s8], [sflag:$0x6], $0x4000, $0x38;
	[tilespmem:$0x10400] =	vst v63  }
0x1a: {  	_ =	swait.ge [sflag:s17], $0x4000  }
0x1b: {  	[sflag:s17] =	ssyncset.done $0x0  }
0x1c: {  	s19 =	simm.s32 $0x4;
	s18 =	sadd.s32 $0x566E00, s20;
	[sflag:s17] =	ssyncadd.s32 $0xFFFFC000  }
0x1d: {  	[hbm4b:s18+s2] =	stream.linear.scatter [tilespmem:s10], [sflag:$0x7], $0x4000, $0x38;
	[tilespmem:$0x10400] =	vst v63  }
0x1e: {  	_ =	swait.ge [sflag:s19], $0x4000  }
0x1f: {  	[sflag:s19] =	ssyncset.done $0x0  }
0x20: {  	s21 =	simm.s32 $0x5;
	s20 =	sadd.s32 $0x567600, s20;
	[sflag:s19] =	ssyncadd.s32 $0xFFFFC000  }
0x21: {  	[hbm4b:s20+s2] =	stream.linear.scatter [tilespmem:s12], [sflag:$0x8], $0x4000, $0x38;
	[tilespmem:$0x10400] =	vst v63  }
0x22: {  	_ =	swait.ge [sflag:s21], $0x4000  }
0x23: {  	s24 =	ssub.s32 $0x2, s23;
	[sflag:s21] =	ssyncset.done $0x0  }
0x24: {  	s22 =	simm.s32 $0x6;
	s25 =	sshrl.u32 s24, $0x1;
	[sflag:s21] =	ssyncadd.s32 $0xFFFFC000  }
0x25: {  	s24 =	ssub.s32 s24, s25;
	_ =	swait.ge [sflag:s22], $0x4000  }
0x26: {  	s25 =	smax.u32 s24, $0x1;
	[sflag:s22] =	ssyncset.done $0x0  }
0x27: {  	s23 =	simm.s32 $0x7;
	p0 =	sne.s32 s25, $0x1;
	[sflag:s22] =	ssyncadd.s32 $0xFFFFC000  }
.Ltmp0:
0x28: {  	_ =	swait.ge [sflag:s23], $0x4000;
	(pc) =	sbr.rel @!p0 .LBB2_2-.Ltmp0, $4  }
0x29: {  	[sflag:s23] =	ssyncset.done $0x0  }
0x2a: {  	s24 =	simm.s32 $0x8;
	[sflag:s23] =	ssyncadd.s32 $0xFFFFC000  }
0x2b: {  	_ =	swait.ge [sflag:s24], $0x4000  }
0x2c: {  	s25 =	sadd.s32 $0xFFFFFFFF, s25;
	[sflag:s24] =	ssyncset.done $0x0  }
.LBB2_1:
0x2d: {  	p0 =	sne.s32 s25, $0x1;
	s25 =	sadd.s32 $0xFFFFFFFF, s25;
	[sflag:s24] =	ssyncadd.s32 $0xFFFFC000  }
0x2e: {  	[tilespmem:s2], [sflag:$0x9] =	stream.linear.gather [hbm4b:s3+s2], $0x400, $0x38;
	[tilespmem:$0x10400] =	vst v63  }
0x2f: {  	_ =	swait.ge [sflag:s4], $0x400  }
0x30: {  	[sflag:s4] =	ssyncset.done $0x0  }
0x31: {  	[sflag:s4] =	ssyncadd.s32 $0xFFFFFC00  }
0x32: {  	[tilespmem:s7], [sflag:$0x1] =	stream.indirect.gather [hbm4b:s5+s6], $0x80, s2, s6, $0xb8;
	[tilespmem:$0x10400] =	vst v63  }
0x33: {  	_ = 	snop  }
0x34: {  	[tilespmem:s8], [sflag:$0x2] =	stream.indirect.gather [hbm4b:s5+s6], $0x80, s6, s6, $0xb8;
	[tilespmem:$0x10400] =	vst v63  }
0x35: {  	_ = 	snop  }
0x36: {  	[tilespmem:s10], [sflag:$0x3] =	stream.indirect.gather [hbm4b:s5+s6], $0x80, s9, s6, $0xb8;
	[tilespmem:$0x10400] =	vst v63  }
0x37: {  	_ = 	snop  }
0x38: {  	[tilespmem:s12], [sflag:$0x4] =	stream.indirect.gather [hbm4b:s5+s6], $0x80, s11, s6, $0xb8;
	[tilespmem:$0x10400] =	vst v63  }
0x39: {  	_ =	swait.ge [sflag:s13], $0x4000  }
0x3a: {  	[sflag:s13] =	ssyncset.done $0x0  }
0x3b: {  	[sflag:s13] =	ssyncadd.s32 $0xFFFFC000  }
0x3c: {  	[hbm4b:s14+s2] =	stream.linear.scatter [tilespmem:s7], [sflag:$0x5], $0x4000, $0x38;
	[tilespmem:$0x10400] =	vst v63  }
0x3d: {  	_ =	swait.ge [sflag:s15], $0x4000  }
0x3e: {  	[sflag:s15] =	ssyncset.done $0x0  }
0x3f: {  	[sflag:s15] =	ssyncadd.s32 $0xFFFFC000  }
0x40: {  	[hbm4b:s16+s2] =	stream.linear.scatter [tilespmem:s8], [sflag:$0x6], $0x4000, $0x38;
	[tilespmem:$0x10400] =	vst v63  }
0x41: {  	_ =	swait.ge [sflag:s17], $0x4000  }
0x42: {  	[sflag:s17] =	ssyncset.done $0x0  }
0x43: {  	[sflag:s17] =	ssyncadd.s32 $0xFFFFC000  }
0x44: {  	[hbm4b:s18+s2] =	stream.linear.scatter [tilespmem:s10], [sflag:$0x7], $0x4000, $0x38;
	[tilespmem:$0x10400] =	vst v63  }
0x45: {  	_ =	swait.ge [sflag:s19], $0x4000  }
0x46: {  	[sflag:s19] =	ssyncset.done $0x0  }
0x47: {  	[sflag:s19] =	ssyncadd.s32 $0xFFFFC000  }
0x48: {  	[hbm4b:s20+s2] =	stream.linear.scatter [tilespmem:s12], [sflag:$0x8], $0x4000, $0x38;
	[tilespmem:$0x10400] =	vst v63  }
0x49: {  	_ =	swait.ge [sflag:s21], $0x4000  }
0x4a: {  	[sflag:s21] =	ssyncset.done $0x0  }
0x4b: {  	[sflag:s21] =	ssyncadd.s32 $0xFFFFC000  }
0x4c: {  	_ =	swait.ge [sflag:s22], $0x4000  }
0x4d: {  	[sflag:s22] =	ssyncset.done $0x0  }
0x4e: {  	[sflag:s22] =	ssyncadd.s32 $0xFFFFC000  }
.Ltmp1:
0x4f: {  	_ =	swait.ge [sflag:s23], $0x4000;
	(pc) =	sbr.rel @p0 .LBB2_1-.Ltmp1, $4  }
0x50: {  	[sflag:s23] =	ssyncset.done $0x0  }
0x51: {  	[sflag:s23] =	ssyncadd.s32 $0xFFFFC000  }
0x52: {  	_ =	swait.ge [sflag:s24], $0x4000  }
0x53: {  	[sflag:s24] =	ssyncset.done $0x0  }
.LBB2_2:
0x54: {  	[sflag:s24] =	ssyncadd.s32 $0xFFFFC000  }
0x55: {  	_ =	sfence.sel $0x180000  }
0x56: {  	[bflag:$0x0] =	sbarrier.arrive $0xFFFF  }
0x57: {  	p0 =	sne.s32 s0, $0x0;
	_ =	strace $0x90000053  }
0x58: {  	s0 =	sadd.s32 @!p0 $0x100000, s1;
	[bflag:$0x2] =	sbarrier.arrive $0xFFFF  }
0x59: {  	[sflag:s0] =	ssyncadd.tile.s32 @!p0 $0x1;
	_ =	shalt  }
.Lfunc_end2:
_tile_overlayer_lowered:
.L_overlay_start_2:
0x5a: {  	(tag) =	ssettag $0x2  }
0x5b: {  	s0 =	rddreg [dreg:$0x0];
	s2 =	stileid.u32  }
0x5c: {  	s1 =	rddreg [dreg:$0x1];
	p0 =	sne.s32 s2, $0x0  }
0x5d: {  	s3 =	rddreg [dreg:$0x2];
	[bflag:$0x3] =	sbarrier.arrive $0xFFFF;
	s2 =	simm.s32 @!p0 $0x1C09  }
0x5e: {  	[timem:s3], [sflag:s2] =	dma.local @!p0 [hbm:s0], s1  }
0x5f: {  	s0 =	simm.s32 @!p0 $0x9  }
0x60: {  	_ =	swait.ge @!p0 [sflag:s0], s1  }
0x61: {  	s1 =	ssub.s32 @!p0 $0x0, s1;
	[sflag:s0] =	ssyncset.done @!p0 $0x0  }
0x62: {  	[sflag:s0] =	ssyncadd.s32 @!p0 s1  }
0x63: {  	[bflag:$0x3] =	sbarrier.arrive $0xFFFF  }
0x64: {  	_ =	shalt  }

</sc_bundles>
